<compile_context>
chip_gen: v7x
topology: tpu7x:2x2x1
jax: 0.10.2.dev20260603
libtpu: 0.0.44.dev20260713+nightly
codegen_flags: <defaults>
</compile_context>

<pallas_src>
import functools

import jax
import jax.numpy as jnp
from jax import lax
from jax.experimental import pallas as pl
from jax.experimental.pallas import tpu as pltpu
from jax.experimental.pallas import tpu_sc as plsc

F = 512
K = 8
C = 4
B = 1024
D = 64
ROW = F * C
OROW = F * K * C

NC = 2
NS = 16
NW = NC * NS
ROWS_PER_W = B // NW


def _topk_body(crd_ref, cols_ref):
    crd = crd_ref[...]
    xt = crd.T
    g = jnp.dot(xt, crd, preferred_element_type=jnp.float32)
    xx = jnp.sum(xt * xt, axis=1, keepdims=True)
    d = g * -2.0
    d = d + xx.T
    d = d + xx
    d = jnp.maximum(d, 0.0)
    d = jnp.sqrt(d)
    coliota = lax.broadcasted_iota(jnp.int32, (F, F), 1)
    c_iota = lax.broadcasted_iota(jnp.int32, (F, C), 1)
    parts = []
    for _ in range(K):
        mn = jnp.min(d, axis=1, keepdims=True)
        am = jnp.min(jnp.where(d == mn, coliota, F), axis=1, keepdims=True)
        parts.append(am * C + c_iota)
        d = jnp.where(coliota == am, jnp.inf, d)
    cols = jnp.concatenate(parts, axis=1)
    rowi = lax.broadcasted_iota(jnp.int32, (F, K * C), 0)
    ci = lax.broadcasted_iota(jnp.int32, (F, K * C), 1)
    cols_ref[...] = jnp.where((rowi == 0) & (ci < C), ci, cols)


def _topk_cols(crd):
    return pl.pallas_call(
        _topk_body,
        out_shape=jax.ShapeDtypeStruct((F, K * C), jnp.int32),
    )(crd)


UNROLL = 8


def _gather_body(in_hbm, cols_hbm, out_hbm, cols_v,
                 row_v0, row_v1, out_v0, out_v1,
                 insem0, insem1, outsem0, outsem1):
    wid = lax.axis_index("s") * NC + lax.axis_index("c")
    base = wid * ROWS_PER_W
    pltpu.sync_copy(cols_hbm, cols_v)

    row_v = (row_v0, row_v1)
    out_v = (out_v0, out_v1)
    insem = (insem0, insem1)
    outsem = (outsem0, outsem1)

    def in_copy(r):
        rb = r % 2
        return pltpu.make_async_copy(
            in_hbm.at[pl.ds((base + r) * ROW, ROW)], row_v[rb], insem[rb])

    def out_copy(r):
        rb = r % 2
        return pltpu.make_async_copy(
            out_v[rb], out_hbm.at[pl.ds((base + r) * OROW, OROW)], outsem[rb])

    in_copy(0).start()
    for r in range(ROWS_PER_W):
        rb = r % 2
        in_copy(r).wait()
        if r + 1 < ROWS_PER_W:
            in_copy(r + 1).start()
        if r >= 2:
            out_copy(r - 2).wait()
        src = row_v[rb]
        dst = out_v[rb]

        @plsc.parallel_loop(0, OROW // 16, 1, unroll=UNROLL)
        def g_body(g, src=src, dst=dst):
            b16 = g * 16
            colv = cols_v[pl.ds(b16, 16)]
            dst[pl.ds(b16, 16)] = plsc.load_gather(src, [colv])

        out_copy(r).start()
    out_copy(ROWS_PER_W - 2).wait()
    out_copy(ROWS_PER_W - 1).wait()


@jax.jit
def _gather(in1d, cols):
    mesh = plsc.VectorSubcoreMesh(core_axis_name="c", subcore_axis_name="s")
    f = functools.partial(
        pl.kernel,
        out_type=jax.ShapeDtypeStruct((B * OROW,), jnp.float32),
        mesh=mesh,
        scratch_types=[
            pltpu.VMEM((OROW,), jnp.int32),
            pltpu.VMEM((ROW,), jnp.float32),
            pltpu.VMEM((ROW,), jnp.float32),
            pltpu.VMEM((OROW,), jnp.float32),
            pltpu.VMEM((OROW,), jnp.float32),
            pltpu.SemaphoreType.DMA,
            pltpu.SemaphoreType.DMA,
            pltpu.SemaphoreType.DMA,
            pltpu.SemaphoreType.DMA,
        ],
        compiler_params=pltpu.CompilerParams(needs_layout_passes=False),
    )(_gather_body)
    return f(in1d, cols)


def kernel(coordinates, inputs):
    crd = coordinates.reshape(D, F)
    cols = _topk_cols(crd).reshape(OROW)
    in1d = inputs.reshape(B * ROW)
    out1d = _gather(in1d, cols)
    return out1d.reshape(B, 1, F * K, C)

# --- scband reference (transcript-rebuilt; emitter-appended) ---
"""Pipeline reference for scband-phylo-neighbours-8461085573180 (READ-ONLY COPY).

The authoritative reference and input builder live on the scoring server;
editing this copy changes nothing except your own understanding.
"""

import jax, jax.numpy as jnp
import numpy as np

NB_NEIGHBORS = 8
NB_FEATURES = 512


def _euclidean_distances(X):
    # rows of X are vectors; pairwise euclidean distance matrix
    XX = jnp.expand_dims(jnp.sum(jnp.square(X), axis=1), 0)
    YY = XX.T
    d = jnp.dot(X, X.T)
    d = d * -2.0
    d = d + XX
    d = d + YY
    d = jnp.maximum(d, jnp.asarray(0.0, dtype=d.dtype))
    return jnp.sqrt(d)


def setup_inputs(seed: int = 0) -> dict:
    key = jax.random.key(seed)
    k1, k2 = jax.random.split(key)
    coordinates = jax.random.normal(k1, (64, 1, NB_FEATURES), dtype=jnp.float32)
    inputs = jax.random.normal(k2, (1024, 1, NB_FEATURES, 4), dtype=jnp.float32)
    return {"coordinates": coordinates, "inputs": inputs}


def reference(coordinates, inputs):
    # __init__: crd = reshape(coordinates, (shape0, shape2)); dist over transpose(crd)
    crd = coordinates.reshape(coordinates.shape[0], coordinates.shape[2])
    dist = _euclidean_distances(crd.T)  # [F, F]
    # call: top_k of -dist -> nearest-neighbor feature indices [F, K]
    _, neighbor_indexes = jax.lax.top_k(-dist, NB_NEIGHBORS)
    # Faithful to the original concat loop:
    #   slot 0            -> feature 0 itself (hard-coded inputs[:, :, 0])
    #   slots 1..K-1      -> neighbor_indexes[0, 1:]
    #   slots f*K + n     -> neighbor_indexes[f, n] for f >= 1
    idx = neighbor_indexes.reshape(-1)
    idx = idx.at[0].set(0)
    output = jnp.take(inputs, idx, axis=2)  # [B, L, F*K, C]
    return output

if __name__ == "__main__":
    import jax
    _d = setup_inputs()
    print(jax.jit(kernel)(*tuple(_d.values())))

</pallas_src>

<mosaic_0001>
#map = affine_map<(d0, d1) -> (0)>
module attributes {stable_mosaic.version = 14 : i64} {
  func.func @_gather_body(%arg0: i32, %arg1: i32, %arg2: memref<2097152xf32, #tpu.memory_space<hbm>>, %arg3: memref<16384xi32, #tpu.memory_space<hbm>>, %arg4: memref<16777216xf32, #tpu.memory_space<hbm>>, %arg5: memref<16384xi32, #tpu.memory_space<vmem>>, %arg6: memref<2048xf32, #tpu.memory_space<vmem>>, %arg7: memref<2048xf32, #tpu.memory_space<vmem>>, %arg8: memref<16384xf32, #tpu.memory_space<vmem>>, %arg9: memref<16384xf32, #tpu.memory_space<vmem>>, %arg10: memref<!tpu.dma_semaphore, #tpu.memory_space<semaphore_mem>>, %arg11: memref<!tpu.dma_semaphore, #tpu.memory_space<semaphore_mem>>, %arg12: memref<!tpu.dma_semaphore, #tpu.memory_space<semaphore_mem>>, %arg13: memref<!tpu.dma_semaphore, #tpu.memory_space<semaphore_mem>>) attributes {dimension_semantics = [#tpu.dimension_semantics<core_parallel>, #tpu.dimension_semantics<subcore_parallel>], iteration_bounds = array<i64: 2, 16>, scalar_prefetch = 0 : i64, scratch_operands = 9 : i64, tpu.core_type = #tpu.core_type<sc_vector_subcore>, window_params = [{transform_indices = #map}, {transform_indices = #map}, {transform_indices = #map}]} {
    %mul3A = arith.constant 2 : i32
    %mul3A_0 = arith.muli %arg1, %mul3A : i32
    %add3A = arith.addi %mul3A_0, %arg0 : i32
    %mul3A_1 = arith.constant 32 : i32
    %mul3A_2 = arith.muli %add3A, %mul3A_1 : i32
    "tpu.region"() ({
      %run_scoped3A = tpu.sem_alloc : memref<!tpu.dma_semaphore, #tpu.memory_space<semaphore_mem>>
      tpu.enqueue_dma source(%arg3 : memref<16384xi32, #tpu.memory_space<hbm>>) target(%arg5 : memref<16384xi32, #tpu.memory_space<vmem>>) target_semaphore(%run_scoped3A : memref<!tpu.dma_semaphore, #tpu.memory_space<semaphore_mem>>)
      tpu.wait_dma2 semaphore(%run_scoped3A : memref<!tpu.dma_semaphore, #tpu.memory_space<semaphore_mem>>) src(%arg3 : memref<16384xi32, #tpu.memory_space<hbm>>) dst(%arg5 : memref<16384xi32, #tpu.memory_space<vmem>>)
      tpu.yield
    }) : () -> ()
    %add3A_3 = arith.constant 0 : i32
    %add3A_4 = arith.addi %mul3A_2, %add3A_3 : i32
    %mul3A_5 = arith.constant 2048 : i32
    %mul3A_6 = arith.muli %add3A_4, %mul3A_5 : i32
    %dma_start3A = tpu.memref_slice %arg2[%mul3A_6] : memref<2097152xf32, #tpu.memory_space<hbm>> -> memref<2048xf32, #tpu.memory_space<hbm>>
    %dma_start3A_7 = tpu.memref_slice %arg2[%mul3A_6] : memref<2097152xf32, #tpu.memory_space<hbm>> -> memref<2048xf32, #tpu.memory_space<hbm>>
    tpu.enqueue_dma source(%dma_start3A_7 : memref<2048xf32, #tpu.memory_space<hbm>>) target(%arg6 : memref<2048xf32, #tpu.memory_space<vmem>>) target_semaphore(%arg10 : memref<!tpu.dma_semaphore, #tpu.memory_space<semaphore_mem>>)
    %add3A_8 = arith.constant 0 : i32
    %add3A_9 = arith.addi %mul3A_2, %add3A_8 : i32
    %mul3A_10 = arith.constant 2048 : i32
    %mul3A_11 = arith.muli %add3A_9, %mul3A_10 : i32
    %dma_wait3A = tpu.memref_slice %arg2[%mul3A_11] : memref<2097152xf32, #tpu.memory_space<hbm>> -> memref<2048xf32, #tpu.memory_space<hbm>>
    %dma_wait3A_12 = tpu.memref_slice %arg2[%mul3A_11] : memref<2097152xf32, #tpu.memory_space<hbm>> -> memref<2048xf32, #tpu.memory_space<hbm>>
    tpu.wait_dma2 semaphore(%arg10 : memref<!tpu.dma_semaphore, #tpu.memory_space<semaphore_mem>>) src(%dma_wait3A_12 : memref<2048xf32, #tpu.memory_space<hbm>>) dst(%arg6 : memref<2048xf32, #tpu.memory_space<vmem>>)
    %add3A_13 = arith.constant 1 : i32
    %add3A_14 = arith.addi %mul3A_2, %add3A_13 : i32
    %mul3A_15 = arith.constant 2048 : i32
    %mul3A_16 = arith.muli %add3A_14, %mul3A_15 : i32
    %dma_start3A_17 = tpu.memref_slice %arg2[%mul3A_16] : memref<2097152xf32, #tpu.memory_space<hbm>> -> memref<2048xf32, #tpu.memory_space<hbm>>
    %dma_start3A_18 = tpu.memref_slice %arg2[%mul3A_16] : memref<2097152xf32, #tpu.memory_space<hbm>> -> memref<2048xf32, #tpu.memory_space<hbm>>
    tpu.enqueue_dma source(%dma_start3A_18 : memref<2048xf32, #tpu.memory_space<hbm>>) target(%arg7 : memref<2048xf32, #tpu.memory_space<vmem>>) target_semaphore(%arg11 : memref<!tpu.dma_semaphore, #tpu.memory_space<semaphore_mem>>)
    %parallel_loop3A = arith.constant 0 : i32
    %parallel_loop3A_19 = arith.constant 1024 : i32
    %parallel_loop3A_20 = arith.constant 1 : i32
    scf.for %parallel_loop3A_864 = %parallel_loop3A to %parallel_loop3A_19 step %parallel_loop3A_20  : i32 {
      %parallel_loop3A_865 = arith.constant 16 : i32
      %parallel_loop3A_866 = arith.muli %parallel_loop3A_864, %parallel_loop3A_865 : i32
      %parallel_loop3A_867 = arith.index_cast %parallel_loop3A_866 : i32 to index
      %parallel_loop3A_868 = tpu.vector_load %arg5[%parallel_loop3A_867] {strides = array<i32>} : memref<16384xi32, #tpu.memory_space<vmem>>, vector<16xi32>,
      %parallel_loop3A_869 = tpu.vector_load_idx %arg6[%parallel_loop3A_868] : memref<2048xf32, #tpu.memory_space<vmem>>[vector<16xi32>], vector<16xf32>,
      %parallel_loop3A_870 = arith.index_cast %parallel_loop3A_866 : i32 to index
      %parallel_loop3A_871 = tpu.vector_load %arg8[%parallel_loop3A_870] {strides = array<i32>} : memref<16384xf32, #tpu.memory_space<vmem>>, vector<16xf32>,
      tpu.vector_store %arg8[%parallel_loop3A_870], %parallel_loop3A_869 {strides = array<i32>} : memref<16384xf32, #tpu.memory_space<vmem>>, vector<16xf32>,
    } {sc.loop_unroll_factor = 8 : i64, sc.parallel_access}
    %add3A_21 = arith.constant 0 : i32
    %add3A_22 = arith.addi %mul3A_2, %add3A_21 : i32
    %mul3A_23 = arith.constant 16384 : i32
    %mul3A_24 = arith.muli %add3A_22, %mul3A_23 : i32
    %dma_start3A_25 = tpu.memref_slice %arg4[%mul3A_24] : memref<16777216xf32, #tpu.memory_space<hbm>> -> memref<16384xf32, #tpu.memory_space<hbm>>
    %dma_start3A_26 = tpu.memref_slice %arg4[%mul3A_24] : memref<16777216xf32, #tpu.memory_space<hbm>> -> memref<16384xf32, #tpu.memory_space<hbm>>
    tpu.enqueue_dma source(%arg8 : memref<16384xf32, #tpu.memory_space<vmem>>) target(%dma_start3A_26 : memref<16384xf32, #tpu.memory_space<hbm>>) target_semaphore(%arg12 : memref<!tpu.dma_semaphore, #tpu.memory_space<semaphore_mem>>)
    %add3A_27 = arith.constant 1 : i32
    %add3A_28 = arith.addi %mul3A_2, %add3A_27 : i32
    %mul3A_29 = arith.constant 2048 : i32
    %mul3A_30 = arith.muli %add3A_28, %mul3A_29 : i32
    %dma_wait3A_31 = tpu.memref_slice %arg2[%mul3A_30] : memref<2097152xf32, #tpu.memory_space<hbm>> -> memref<2048xf32, #tpu.memory_space<hbm>>
    %dma_wait3A_32 = tpu.memref_slice %arg2[%mul3A_30] : memref<2097152xf32, #tpu.memory_space<hbm>> -> memref<2048xf32, #tpu.memory_space<hbm>>
    tpu.wait_dma2 semaphore(%arg11 : memref<!tpu.dma_semaphore, #tpu.memory_space<semaphore_mem>>) src(%dma_wait3A_32 : memref<2048xf32, #tpu.memory_space<hbm>>) dst(%arg7 : memref<2048xf32, #tpu.memory_space<vmem>>)
    %add3A_33 = arith.constant 2 : i32
    %add3A_34 = arith.addi %mul3A_2, %add3A_33 : i32
    %mul3A_35 = arith.constant 2048 : i32
    %mul3A_36 = arith.muli %add3A_34, %mul3A_35 : i32
    %dma_start3A_37 = tpu.memref_slice %arg2[%mul3A_36] : memref<2097152xf32, #tpu.memory_space<hbm>> -> memref<2048xf32, #tpu.memory_space<hbm>>
    %dma_start3A_38 = tpu.memref_slice %arg2[%mul3A_36] : memref<2097152xf32, #tpu.memory_space<hbm>> -> memref<2048xf32, #tpu.memory_space<hbm>>
    tpu.enqueue_dma source(%dma_start3A_38 : memref<2048xf32, #tpu.memory_space<hbm>>) target(%arg6 : memref<2048xf32, #tpu.memory_space<vmem>>) target_semaphore(%arg10 : memref<!tpu.dma_semaphore, #tpu.memory_space<semaphore_mem>>)
    %parallel_loop3A_39 = arith.constant 0 : i32
    %parallel_loop3A_40 = arith.constant 1024 : i32
    %parallel_loop3A_41 = arith.constant 1 : i32
    scf.for %parallel_loop3A_864 = %parallel_loop3A_39 to %parallel_loop3A_40 step %parallel_loop3A_41  : i32 {
      %parallel_loop3A_865 = arith.constant 16 : i32
      %parallel_loop3A_866 = arith.muli %parallel_loop3A_864, %parallel_loop3A_865 : i32
      %parallel_loop3A_867 = arith.index_cast %parallel_loop3A_866 : i32 to index
      %parallel_loop3A_868 = tpu.vector_load %arg5[%parallel_loop3A_867] {strides = array<i32>} : memref<16384xi32, #tpu.memory_space<vmem>>, vector<16xi32>,
      %parallel_loop3A_869 = tpu.vector_load_idx %arg7[%parallel_loop3A_868] : memref<2048xf32, #tpu.memory_space<vmem>>[vector<16xi32>], vector<16xf32>,
      %parallel_loop3A_870 = arith.index_cast %parallel_loop3A_866 : i32 to index
      %parallel_loop3A_871 = tpu.vector_load %arg9[%parallel_loop3A_870] {strides = array<i32>} : memref<16384xf32, #tpu.memory_space<vmem>>, vector<16xf32>,
      tpu.vector_store %arg9[%parallel_loop3A_870], %parallel_loop3A_869 {strides = array<i32>} : memref<16384xf32, #tpu.memory_space<vmem>>, vector<16xf32>,
    } {sc.loop_unroll_factor = 8 : i64, sc.parallel_access}
    %add3A_42 = arith.constant 1 : i32
    %add3A_43 = arith.addi %mul3A_2, %add3A_42 : i32
    %mul3A_44 = arith.constant 16384 : i32
    %mul3A_45 = arith.muli %add3A_43, %mul3A_44 : i32
    %dma_start3A_46 = tpu.memref_slice %arg4[%mul3A_45] : memref<16777216xf32, #tpu.memory_space<hbm>> -> memref<16384xf32, #tpu.memory_space<hbm>>
    %dma_start3A_47 = tpu.memref_slice %arg4[%mul3A_45] : memref<16777216xf32, #tpu.memory_space<hbm>> -> memref<16384xf32, #tpu.memory_space<hbm>>
    tpu.enqueue_dma source(%arg9 : memref<16384xf32, #tpu.memory_space<vmem>>) target(%dma_start3A_47 : memref<16384xf32, #tpu.memory_space<hbm>>) target_semaphore(%arg13 : memref<!tpu.dma_semaphore, #tpu.memory_space<semaphore_mem>>)
    %add3A_48 = arith.constant 2 : i32
    %add3A_49 = arith.addi %mul3A_2, %add3A_48 : i32
    %mul3A_50 = arith.constant 2048 : i32
    %mul3A_51 = arith.muli %add3A_49, %mul3A_50 : i32
    %dma_wait3A_52 = tpu.memref_slice %arg2[%mul3A_51] : memref<2097152xf32, #tpu.memory_space<hbm>> -> memref<2048xf32, #tpu.memory_space<hbm>>
    %dma_wait3A_53 = tpu.memref_slice %arg2[%mul3A_51] : memref<2097152xf32, #tpu.memory_space<hbm>> -> memref<2048xf32, #tpu.memory_space<hbm>>
    tpu.wait_dma2 semaphore(%arg10 : memref<!tpu.dma_semaphore, #tpu.memory_space<semaphore_mem>>) src(%dma_wait3A_53 : memref<2048xf32, #tpu.memory_space<hbm>>) dst(%arg6 : memref<2048xf32, #tpu.memory_space<vmem>>)
    %add3A_54 = arith.constant 3 : i32
    %add3A_55 = arith.addi %mul3A_2, %add3A_54 : i32
    %mul3A_56 = arith.constant 2048 : i32
    %mul3A_57 = arith.muli %add3A_55, %mul3A_56 : i32
    %dma_start3A_58 = tpu.memref_slice %arg2[%mul3A_57] : memref<2097152xf32, #tpu.memory_space<hbm>> -> memref<2048xf32, #tpu.memory_space<hbm>>
    %dma_start3A_59 = tpu.memref_slice %arg2[%mul3A_57] : memref<2097152xf32, #tpu.memory_space<hbm>> -> memref<2048xf32, #tpu.memory_space<hbm>>
    tpu.enqueue_dma source(%dma_start3A_59 : memref<2048xf32, #tpu.memory_space<hbm>>) target(%arg7 : memref<2048xf32, #tpu.memory_space<vmem>>) target_semaphore(%arg11 : memref<!tpu.dma_semaphore, #tpu.memory_space<semaphore_mem>>)
    %add3A_60 = arith.constant 0 : i32
    %add3A_61 = arith.addi %mul3A_2, %add3A_60 : i32
    %mul3A_62 = arith.constant 16384 : i32
    %mul3A_63 = arith.muli %add3A_61, %mul3A_62 : i32
    %dma_wait3A_64 = tpu.memref_slice %arg4[%mul3A_63] : memref<16777216xf32, #tpu.memory_space<hbm>> -> memref<16384xf32, #tpu.memory_space<hbm>>
    %dma_wait3A_65 = tpu.memref_slice %arg4[%mul3A_63] : memref<16777216xf32, #tpu.memory_space<hbm>> -> memref<16384xf32, #tpu.memory_space<hbm>>
    tpu.wait_dma2 semaphore(%arg12 : memref<!tpu.dma_semaphore, #tpu.memory_space<semaphore_mem>>) src(%arg8 : memref<16384xf32, #tpu.memory_space<vmem>>) dst(%dma_wait3A_65 : memref<16384xf32, #tpu.memory_space<hbm>>)
    %parallel_loop3A_66 = arith.constant 0 : i32
    %parallel_loop3A_67 = arith.constant 1024 : i32
    %parallel_loop3A_68 = arith.constant 1 : i32
    scf.for %parallel_loop3A_864 = %parallel_loop3A_66 to %parallel_loop3A_67 step %parallel_loop3A_68  : i32 {
      %parallel_loop3A_865 = arith.constant 16 : i32
      %parallel_loop3A_866 = arith.muli %parallel_loop3A_864, %parallel_loop3A_865 : i32
      %parallel_loop3A_867 = arith.index_cast %parallel_loop3A_866 : i32 to index
      %parallel_loop3A_868 = tpu.vector_load %arg5[%parallel_loop3A_867] {strides = array<i32>} : memref<16384xi32, #tpu.memory_space<vmem>>, vector<16xi32>,
      %parallel_loop3A_869 = tpu.vector_load_idx %arg6[%parallel_loop3A_868] : memref<2048xf32, #tpu.memory_space<vmem>>[vector<16xi32>], vector<16xf32>,
      %parallel_loop3A_870 = arith.index_cast %parallel_loop3A_866 : i32 to index
      %parallel_loop3A_871 = tpu.vector_load %arg8[%parallel_loop3A_870] {strides = array<i32>} : memref<16384xf32, #tpu.memory_space<vmem>>, vector<16xf32>,
      tpu.vector_store %arg8[%parallel_loop3A_870], %parallel_loop3A_869 {strides = array<i32>} : memref<16384xf32, #tpu.memory_space<vmem>>, vector<16xf32>,
    } {sc.loop_unroll_factor = 8 : i64, sc.parallel_access}
    %add3A_69 = arith.constant 2 : i32
    %add3A_70 = arith.addi %mul3A_2, %add3A_69 : i32
    %mul3A_71 = arith.constant 16384 : i32
    %mul3A_72 = arith.muli %add3A_70, %mul3A_71 : i32
    %dma_start3A_73 = tpu.memref_slice %arg4[%mul3A_72] : memref<16777216xf32, #tpu.memory_space<hbm>> -> memref<16384xf32, #tpu.memory_space<hbm>>
    %dma_start3A_74 = tpu.memref_slice %arg4[%mul3A_72] : memref<16777216xf32, #tpu.memory_space<hbm>> -> memref<16384xf32, #tpu.memory_space<hbm>>
    tpu.enqueue_dma source(%arg8 : memref<16384xf32, #tpu.memory_space<vmem>>) target(%dma_start3A_74 : memref<16384xf32, #tpu.memory_space<hbm>>) target_semaphore(%arg12 : memref<!tpu.dma_semaphore, #tpu.memory_space<semaphore_mem>>)
    %add3A_75 = arith.constant 3 : i32
    %add3A_76 = arith.addi %mul3A_2, %add3A_75 : i32
    %mul3A_77 = arith.constant 2048 : i32
    %mul3A_78 = arith.muli %add3A_76, %mul3A_77 : i32
    %dma_wait3A_79 = tpu.memref_slice %arg2[%mul3A_78] : memref<2097152xf32, #tpu.memory_space<hbm>> -> memref<2048xf32, #tpu.memory_space<hbm>>
    %dma_wait3A_80 = tpu.memref_slice %arg2[%mul3A_78] : memref<2097152xf32, #tpu.memory_space<hbm>> -> memref<2048xf32, #tpu.memory_space<hbm>>
    tpu.wait_dma2 semaphore(%arg11 : memref<!tpu.dma_semaphore, #tpu.memory_space<semaphore_mem>>) src(%dma_wait3A_80 : memref<2048xf32, #tpu.memory_space<hbm>>) dst(%arg7 : memref<2048xf32, #tpu.memory_space<vmem>>)
    %add3A_81 = arith.constant 4 : i32
    %add3A_82 = arith.addi %mul3A_2, %add3A_81 : i32
    %mul3A_83 = arith.constant 2048 : i32
    %mul3A_84 = arith.muli %add3A_82, %mul3A_83 : i32
    %dma_start3A_85 = tpu.memref_slice %arg2[%mul3A_84] : memref<2097152xf32, #tpu.memory_space<hbm>> -> memref<2048xf32, #tpu.memory_space<hbm>>
    %dma_start3A_86 = tpu.memref_slice %arg2[%mul3A_84] : memref<2097152xf32, #tpu.memory_space<hbm>> -> memref<2048xf32, #tpu.memory_space<hbm>>
    tpu.enqueue_dma source(%dma_start3A_86 : memref<2048xf32, #tpu.memory_space<hbm>>) target(%arg6 : memref<2048xf32, #tpu.memory_space<vmem>>) target_semaphore(%arg10 : memref<!tpu.dma_semaphore, #tpu.memory_space<semaphore_mem>>)
    %add3A_87 = arith.constant 1 : i32
    %add3A_88 = arith.addi %mul3A_2, %add3A_87 : i32
    %mul3A_89 = arith.constant 16384 : i32
    %mul3A_90 = arith.muli %add3A_88, %mul3A_89 : i32
    %dma_wait3A_91 = tpu.memref_slice %arg4[%mul3A_90] : memref<16777216xf32, #tpu.memory_space<hbm>> -> memref<16384xf32, #tpu.memory_space<hbm>>
    %dma_wait3A_92 = tpu.memref_slice %arg4[%mul3A_90] : memref<16777216xf32, #tpu.memory_space<hbm>> -> memref<16384xf32, #tpu.memory_space<hbm>>
    tpu.wait_dma2 semaphore(%arg13 : memref<!tpu.dma_semaphore, #tpu.memory_space<semaphore_mem>>) src(%arg9 : memref<16384xf32, #tpu.memory_space<vmem>>) dst(%dma_wait3A_92 : memref<16384xf32, #tpu.memory_space<hbm>>)
    %parallel_loop3A_93 = arith.constant 0 : i32
    %parallel_loop3A_94 = arith.constant 1024 : i32
    %parallel_loop3A_95 = arith.constant 1 : i32
    scf.for %parallel_loop3A_864 = %parallel_loop3A_93 to %parallel_loop3A_94 step %parallel_loop3A_95  : i32 {
      %parallel_loop3A_865 = arith.constant 16 : i32
      %parallel_loop3A_866 = arith.muli %parallel_loop3A_864, %parallel_loop3A_865 : i32
      %parallel_loop3A_867 = arith.index_cast %parallel_loop3A_866 : i32 to index
      %parallel_loop3A_868 = tpu.vector_load %arg5[%parallel_loop3A_867] {strides = array<i32>} : memref<16384xi32, #tpu.memory_space<vmem>>, vector<16xi32>,
      %parallel_loop3A_869 = tpu.vector_load_idx %arg7[%parallel_loop3A_868] : memref<2048xf32, #tpu.memory_space<vmem>>[vector<16xi32>], vector<16xf32>,
      %parallel_loop3A_870 = arith.index_cast %parallel_loop3A_866 : i32 to index
      %parallel_loop3A_871 = tpu.vector_load %arg9[%parallel_loop3A_870] {strides = array<i32>} : memref<16384xf32, #tpu.memory_space<vmem>>, vector<16xf32>,
      tpu.vector_store %arg9[%parallel_loop3A_870], %parallel_loop3A_869 {strides = array<i32>} : memref<16384xf32, #tpu.memory_space<vmem>>, vector<16xf32>,
    } {sc.loop_unroll_factor = 8 : i64, sc.parallel_access}
    %add3A_96 = arith.constant 3 : i32
    %add3A_97 = arith.addi %mul3A_2, %add3A_96 : i32
    %mul3A_98 = arith.constant 16384 : i32
    %mul3A_99 = arith.muli %add3A_97, %mul3A_98 : i32
    %dma_start3A_100 = tpu.memref_slice %arg4[%mul3A_99] : memref<16777216xf32, #tpu.memory_space<hbm>> -> memref<16384xf32, #tpu.memory_space<hbm>>
    %dma_start3A_101 = tpu.memref_slice %arg4[%mul3A_99] : memref<16777216xf32, #tpu.memory_space<hbm>> -> memref<16384xf32, #tpu.memory_space<hbm>>
    tpu.enqueue_dma source(%arg9 : memref<16384xf32, #tpu.memory_space<vmem>>) target(%dma_start3A_101 : memref<16384xf32, #tpu.memory_space<hbm>>) target_semaphore(%arg13 : memref<!tpu.dma_semaphore, #tpu.memory_space<semaphore_mem>>)
    %add3A_102 = arith.constant 4 : i32
    %add3A_103 = arith.addi %mul3A_2, %add3A_102 : i32
    %mul3A_104 = arith.constant 2048 : i32
    %mul3A_105 = arith.muli %add3A_103, %mul3A_104 : i32
    %dma_wait3A_106 = tpu.memref_slice %arg2[%mul3A_105] : memref<2097152xf32, #tpu.memory_space<hbm>> -> memref<2048xf32, #tpu.memory_space<hbm>>
    %dma_wait3A_107 = tpu.memref_slice %arg2[%mul3A_105] : memref<2097152xf32, #tpu.memory_space<hbm>> -> memref<2048xf32, #tpu.memory_space<hbm>>
    tpu.wait_dma2 semaphore(%arg10 : memref<!tpu.dma_semaphore, #tpu.memory_space<semaphore_mem>>) src(%dma_wait3A_107 : memref<2048xf32, #tpu.memory_space<hbm>>) dst(%arg6 : memref<2048xf32, #tpu.memory_space<vmem>>)
    %add3A_108 = arith.constant 5 : i32
    %add3A_109 = arith.addi %mul3A_2, %add3A_108 : i32
    %mul3A_110 = arith.constant 2048 : i32
    %mul3A_111 = arith.muli %add3A_109, %mul3A_110 : i32
    %dma_start3A_112 = tpu.memref_slice %arg2[%mul3A_111] : memref<2097152xf32, #tpu.memory_space<hbm>> -> memref<2048xf32, #tpu.memory_space<hbm>>
    %dma_start3A_113 = tpu.memref_slice %arg2[%mul3A_111] : memref<2097152xf32, #tpu.memory_space<hbm>> -> memref<2048xf32, #tpu.memory_space<hbm>>
    tpu.enqueue_dma source(%dma_start3A_113 : memref<2048xf32, #tpu.memory_space<hbm>>) target(%arg7 : memref<2048xf32, #tpu.memory_space<vmem>>) target_semaphore(%arg11 : memref<!tpu.dma_semaphore, #tpu.memory_space<semaphore_mem>>)
    %add3A_114 = arith.constant 2 : i32
    %add3A_115 = arith.addi %mul3A_2, %add3A_114 : i32
    %mul3A_116 = arith.constant 16384 : i32
    %mul3A_117 = arith.muli %add3A_115, %mul3A_116 : i32
    %dma_wait3A_118 = tpu.memref_slice %arg4[%mul3A_117] : memref<16777216xf32, #tpu.memory_space<hbm>> -> memref<16384xf32, #tpu.memory_space<hbm>>
    %dma_wait3A_119 = tpu.memref_slice %arg4[%mul3A_117] : memref<16777216xf32, #tpu.memory_space<hbm>> -> memref<16384xf32, #tpu.memory_space<hbm>>
    tpu.wait_dma2 semaphore(%arg12 : memref<!tpu.dma_semaphore, #tpu.memory_space<semaphore_mem>>) src(%arg8 : memref<16384xf32, #tpu.memory_space<vmem>>) dst(%dma_wait3A_119 : memref<16384xf32, #tpu.memory_space<hbm>>)
    %parallel_loop3A_120 = arith.constant 0 : i32
    %parallel_loop3A_121 = arith.constant 1024 : i32
    %parallel_loop3A_122 = arith.constant 1 : i32
    scf.for %parallel_loop3A_864 = %parallel_loop3A_120 to %parallel_loop3A_121 step %parallel_loop3A_122  : i32 {
      %parallel_loop3A_865 = arith.constant 16 : i32
      %parallel_loop3A_866 = arith.muli %parallel_loop3A_864, %parallel_loop3A_865 : i32
      %parallel_loop3A_867 = arith.index_cast %parallel_loop3A_866 : i32 to index
      %parallel_loop3A_868 = tpu.vector_load %arg5[%parallel_loop3A_867] {strides = array<i32>} : memref<16384xi32, #tpu.memory_space<vmem>>, vector<16xi32>,
      %parallel_loop3A_869 = tpu.vector_load_idx %arg6[%parallel_loop3A_868] : memref<2048xf32, #tpu.memory_space<vmem>>[vector<16xi32>], vector<16xf32>,
      %parallel_loop3A_870 = arith.index_cast %parallel_loop3A_866 : i32 to index
      %parallel_loop3A_871 = tpu.vector_load %arg8[%parallel_loop3A_870] {strides = array<i32>} : memref<16384xf32, #tpu.memory_space<vmem>>, vector<16xf32>,
      tpu.vector_store %arg8[%parallel_loop3A_870], %parallel_loop3A_869 {strides = array<i32>} : memref<16384xf32, #tpu.memory_space<vmem>>, vector<16xf32>,
    } {sc.loop_unroll_factor = 8 : i64, sc.parallel_access}
    %add3A_123 = arith.constant 4 : i32
    %add3A_124 = arith.addi %mul3A_2, %add3A_123 : i32
    %mul3A_125 = arith.constant 16384 : i32
    %mul3A_126 = arith.muli %add3A_124, %mul3A_125 : i32
    %dma_start3A_127 = tpu.memref_slice %arg4[%mul3A_126] : memref<16777216xf32, #tpu.memory_space<hbm>> -> memref<16384xf32, #tpu.memory_space<hbm>>
    %dma_start3A_128 = tpu.memref_slice %arg4[%mul3A_126] : memref<16777216xf32, #tpu.memory_space<hbm>> -> memref<16384xf32, #tpu.memory_space<hbm>>
    tpu.enqueue_dma source(%arg8 : memref<16384xf32, #tpu.memory_space<vmem>>) target(%dma_start3A_128 : memref<16384xf32, #tpu.memory_space<hbm>>) target_semaphore(%arg12 : memref<!tpu.dma_semaphore, #tpu.memory_space<semaphore_mem>>)
    %add3A_129 = arith.constant 5 : i32
    %add3A_130 = arith.addi %mul3A_2, %add3A_129 : i32
    %mul3A_131 = arith.constant 2048 : i32
    %mul3A_132 = arith.muli %add3A_130, %mul3A_131 : i32
    %dma_wait3A_133 = tpu.memref_slice %arg2[%mul3A_132] : memref<2097152xf32, #tpu.memory_space<hbm>> -> memref<2048xf32, #tpu.memory_space<hbm>>
    %dma_wait3A_134 = tpu.memref_slice %arg2[%mul3A_132] : memref<2097152xf32, #tpu.memory_space<hbm>> -> memref<2048xf32, #tpu.memory_space<hbm>>
    tpu.wait_dma2 semaphore(%arg11 : memref<!tpu.dma_semaphore, #tpu.memory_space<semaphore_mem>>) src(%dma_wait3A_134 : memref<2048xf32, #tpu.memory_space<hbm>>) dst(%arg7 : memref<2048xf32, #tpu.memory_space<vmem>>)
    %add3A_135 = arith.constant 6 : i32
    %add3A_136 = arith.addi %mul3A_2, %add3A_135 : i32
    %mul3A_137 = arith.constant 2048 : i32
    %mul3A_138 = arith.muli %add3A_136, %mul3A_137 : i32
    %dma_start3A_139 = tpu.memref_slice %arg2[%mul3A_138] : memref<2097152xf32, #tpu.memory_space<hbm>> -> memref<2048xf32, #tpu.memory_space<hbm>>
    %dma_start3A_140 = tpu.memref_slice %arg2[%mul3A_138] : memref<2097152xf32, #tpu.memory_space<hbm>> -> memref<2048xf32, #tpu.memory_space<hbm>>
    tpu.enqueue_dma source(%dma_start3A_140 : memref<2048xf32, #tpu.memory_space<hbm>>) target(%arg6 : memref<2048xf32, #tpu.memory_space<vmem>>) target_semaphore(%arg10 : memref<!tpu.dma_semaphore, #tpu.memory_space<semaphore_mem>>)
    %add3A_141 = arith.constant 3 : i32
    %add3A_142 = arith.addi %mul3A_2, %add3A_141 : i32
    %mul3A_143 = arith.constant 16384 : i32
    %mul3A_144 = arith.muli %add3A_142, %mul3A_143 : i32
    %dma_wait3A_145 = tpu.memref_slice %arg4[%mul3A_144] : memref<16777216xf32, #tpu.memory_space<hbm>> -> memref<16384xf32, #tpu.memory_space<hbm>>
    %dma_wait3A_146 = tpu.memref_slice %arg4[%mul3A_144] : memref<16777216xf32, #tpu.memory_space<hbm>> -> memref<16384xf32, #tpu.memory_space<hbm>>
    tpu.wait_dma2 semaphore(%arg13 : memref<!tpu.dma_semaphore, #tpu.memory_space<semaphore_mem>>) src(%arg9 : memref<16384xf32, #tpu.memory_space<vmem>>) dst(%dma_wait3A_146 : memref<16384xf32, #tpu.memory_space<hbm>>)
    %parallel_loop3A_147 = arith.constant 0 : i32
    %parallel_loop3A_148 = arith.constant 1024 : i32
    %parallel_loop3A_149 = arith.constant 1 : i32
    scf.for %parallel_loop3A_864 = %parallel_loop3A_147 to %parallel_loop3A_148 step %parallel_loop3A_149  : i32 {
      %parallel_loop3A_865 = arith.constant 16 : i32
      %parallel_loop3A_866 = arith.muli %parallel_loop3A_864, %parallel_loop3A_865 : i32
      %parallel_loop3A_867 = arith.index_cast %parallel_loop3A_866 : i32 to index
      %parallel_loop3A_868 = tpu.vector_load %arg5[%parallel_loop3A_867] {strides = array<i32>} : memref<16384xi32, #tpu.memory_space<vmem>>, vector<16xi32>,
      %parallel_loop3A_869 = tpu.vector_load_idx %arg7[%parallel_loop3A_868] : memref<2048xf32, #tpu.memory_space<vmem>>[vector<16xi32>], vector<16xf32>,
      %parallel_loop3A_870 = arith.index_cast %parallel_loop3A_866 : i32 to index
      %parallel_loop3A_871 = tpu.vector_load %arg9[%parallel_loop3A_870] {strides = array<i32>} : memref<16384xf32, #tpu.memory_space<vmem>>, vector<16xf32>,
      tpu.vector_store %arg9[%parallel_loop3A_870], %parallel_loop3A_869 {strides = array<i32>} : memref<16384xf32, #tpu.memory_space<vmem>>, vector<16xf32>,
    } {sc.loop_unroll_factor = 8 : i64, sc.parallel_access}
    %add3A_150 = arith.constant 5 : i32
    %add3A_151 = arith.addi %mul3A_2, %add3A_150 : i32
    %mul3A_152 = arith.constant 16384 : i32
    %mul3A_153 = arith.muli %add3A_151, %mul3A_152 : i32
    %dma_start3A_154 = tpu.memref_slice %arg4[%mul3A_153] : memref<16777216xf32, #tpu.memory_space<hbm>> -> memref<16384xf32, #tpu.memory_space<hbm>>
    %dma_start3A_155 = tpu.memref_slice %arg4[%mul3A_153] : memref<16777216xf32, #tpu.memory_space<hbm>> -> memref<16384xf32, #tpu.memory_space<hbm>>
    tpu.enqueue_dma source(%arg9 : memref<16384xf32, #tpu.memory_space<vmem>>) target(%dma_start3A_155 : memref<16384xf32, #tpu.memory_space<hbm>>) target_semaphore(%arg13 : memref<!tpu.dma_semaphore, #tpu.memory_space<semaphore_mem>>)
    %add3A_156 = arith.constant 6 : i32
    %add3A_157 = arith.addi %mul3A_2, %add3A_156 : i32
    %mul3A_158 = arith.constant 2048 : i32
    %mul3A_159 = arith.muli %add3A_157, %mul3A_158 : i32
    %dma_wait3A_160 = tpu.memref_slice %arg2[%mul3A_159] : memref<2097152xf32, #tpu.memory_space<hbm>> -> memref<2048xf32, #tpu.memory_space<hbm>>
    %dma_wait3A_161 = tpu.memref_slice %arg2[%mul3A_159] : memref<2097152xf32, #tpu.memory_space<hbm>> -> memref<2048xf32, #tpu.memory_space<hbm>>
    tpu.wait_dma2 semaphore(%arg10 : memref<!tpu.dma_semaphore, #tpu.memory_space<semaphore_mem>>) src(%dma_wait3A_161 : memref<2048xf32, #tpu.memory_space<hbm>>) dst(%arg6 : memref<2048xf32, #tpu.memory_space<vmem>>)
    %add3A_162 = arith.constant 7 : i32
    %add3A_163 = arith.addi %mul3A_2, %add3A_162 : i32
    %mul3A_164 = arith.constant 2048 : i32
    %mul3A_165 = arith.muli %add3A_163, %mul3A_164 : i32
    %dma_start3A_166 = tpu.memref_slice %arg2[%mul3A_165] : memref<2097152xf32, #tpu.memory_space<hbm>> -> memref<2048xf32, #tpu.memory_space<hbm>>
    %dma_start3A_167 = tpu.memref_slice %arg2[%mul3A_165] : memref<2097152xf32, #tpu.memory_space<hbm>> -> memref<2048xf32, #tpu.memory_space<hbm>>
    tpu.enqueue_dma source(%dma_start3A_167 : memref<2048xf32, #tpu.memory_space<hbm>>) target(%arg7 : memref<2048xf32, #tpu.memory_space<vmem>>) target_semaphore(%arg11 : memref<!tpu.dma_semaphore, #tpu.memory_space<semaphore_mem>>)
    %add3A_168 = arith.constant 4 : i32
    %add3A_169 = arith.addi %mul3A_2, %add3A_168 : i32
    %mul3A_170 = arith.constant 16384 : i32
    %mul3A_171 = arith.muli %add3A_169, %mul3A_170 : i32
    %dma_wait3A_172 = tpu.memref_slice %arg4[%mul3A_171] : memref<16777216xf32, #tpu.memory_space<hbm>> -> memref<16384xf32, #tpu.memory_space<hbm>>
    %dma_wait3A_173 = tpu.memref_slice %arg4[%mul3A_171] : memref<16777216xf32, #tpu.memory_space<hbm>> -> memref<16384xf32, #tpu.memory_space<hbm>>
    tpu.wait_dma2 semaphore(%arg12 : memref<!tpu.dma_semaphore, #tpu.memory_space<semaphore_mem>>) src(%arg8 : memref<16384xf32, #tpu.memory_space<vmem>>) dst(%dma_wait3A_173 : memref<16384xf32, #tpu.memory_space<hbm>>)
    %parallel_loop3A_174 = arith.constant 0 : i32
    %parallel_loop3A_175 = arith.constant 1024 : i32
    %parallel_loop3A_176 = arith.constant 1 : i32
    scf.for %parallel_loop3A_864 = %parallel_loop3A_174 to %parallel_loop3A_175 step %parallel_loop3A_176  : i32 {
      %parallel_loop3A_865 = arith.constant 16 : i32
      %parallel_loop3A_866 = arith.muli %parallel_loop3A_864, %parallel_loop3A_865 : i32
      %parallel_loop3A_867 = arith.index_cast %parallel_loop3A_866 : i32 to index
      %parallel_loop3A_868 = tpu.vector_load %arg5[%parallel_loop3A_867] {strides = array<i32>} : memref<16384xi32, #tpu.memory_space<vmem>>, vector<16xi32>,
      %parallel_loop3A_869 = tpu.vector_load_idx %arg6[%parallel_loop3A_868] : memref<2048xf32, #tpu.memory_space<vmem>>[vector<16xi32>], vector<16xf32>,
      %parallel_loop3A_870 = arith.index_cast %parallel_loop3A_866 : i32 to index
      %parallel_loop3A_871 = tpu.vector_load %arg8[%parallel_loop3A_870] {strides = array<i32>} : memref<16384xf32, #tpu.memory_space<vmem>>, vector<16xf32>,
      tpu.vector_store %arg8[%parallel_loop3A_870], %parallel_loop3A_869 {strides = array<i32>} : memref<16384xf32, #tpu.memory_space<vmem>>, vector<16xf32>,
    } {sc.loop_unroll_factor = 8 : i64, sc.parallel_access}
    %add3A_177 = arith.constant 6 : i32
    %add3A_178 = arith.addi %mul3A_2, %add3A_177 : i32
    %mul3A_179 = arith.constant 16384 : i32
    %mul3A_180 = arith.muli %add3A_178, %mul3A_179 : i32
    %dma_start3A_181 = tpu.memref_slice %arg4[%mul3A_180] : memref<16777216xf32, #tpu.memory_space<hbm>> -> memref<16384xf32, #tpu.memory_space<hbm>>
    %dma_start3A_182 = tpu.memref_slice %arg4[%mul3A_180] : memref<16777216xf32, #tpu.memory_space<hbm>> -> memref<16384xf32, #tpu.memory_space<hbm>>
    tpu.enqueue_dma source(%arg8 : memref<16384xf32, #tpu.memory_space<vmem>>) target(%dma_start3A_182 : memref<16384xf32, #tpu.memory_space<hbm>>) target_semaphore(%arg12 : memref<!tpu.dma_semaphore, #tpu.memory_space<semaphore_mem>>)
    %add3A_183 = arith.constant 7 : i32
    %add3A_184 = arith.addi %mul3A_2, %add3A_183 : i32
    %mul3A_185 = arith.constant 2048 : i32
    %mul3A_186 = arith.muli %add3A_184, %mul3A_185 : i32
    %dma_wait3A_187 = tpu.memref_slice %arg2[%mul3A_186] : memref<2097152xf32, #tpu.memory_space<hbm>> -> memref<2048xf32, #tpu.memory_space<hbm>>
    %dma_wait3A_188 = tpu.memref_slice %arg2[%mul3A_186] : memref<2097152xf32, #tpu.memory_space<hbm>> -> memref<2048xf32, #tpu.memory_space<hbm>>
    tpu.wait_dma2 semaphore(%arg11 : memref<!tpu.dma_semaphore, #tpu.memory_space<semaphore_mem>>) src(%dma_wait3A_188 : memref<2048xf32, #tpu.memory_space<hbm>>) dst(%arg7 : memref<2048xf32, #tpu.memory_space<vmem>>)
    %add3A_189 = arith.constant 8 : i32
    %add3A_190 = arith.addi %mul3A_2, %add3A_189 : i32
    %mul3A_191 = arith.constant 2048 : i32
    %mul3A_192 = arith.muli %add3A_190, %mul3A_191 : i32
    %dma_start3A_193 = tpu.memref_slice %arg2[%mul3A_192] : memref<2097152xf32, #tpu.memory_space<hbm>> -> memref<2048xf32, #tpu.memory_space<hbm>>
    %dma_start3A_194 = tpu.memref_slice %arg2[%mul3A_192] : memref<2097152xf32, #tpu.memory_space<hbm>> -> memref<2048xf32, #tpu.memory_space<hbm>>
    tpu.enqueue_dma source(%dma_start3A_194 : memref<2048xf32, #tpu.memory_space<hbm>>) target(%arg6 : memref<2048xf32, #tpu.memory_space<vmem>>) target_semaphore(%arg10 : memref<!tpu.dma_semaphore, #tpu.memory_space<semaphore_mem>>)
    %add3A_195 = arith.constant 5 : i32
    %add3A_196 = arith.addi %mul3A_2, %add3A_195 : i32
    %mul3A_197 = arith.constant 16384 : i32
    %mul3A_198 = arith.muli %add3A_196, %mul3A_197 : i32
    %dma_wait3A_199 = tpu.memref_slice %arg4[%mul3A_198] : memref<16777216xf32, #tpu.memory_space<hbm>> -> memref<16384xf32, #tpu.memory_space<hbm>>
    %dma_wait3A_200 = tpu.memref_slice %arg4[%mul3A_198] : memref<16777216xf32, #tpu.memory_space<hbm>> -> memref<16384xf32, #tpu.memory_space<hbm>>
    tpu.wait_dma2 semaphore(%arg13 : memref<!tpu.dma_semaphore, #tpu.memory_space<semaphore_mem>>) src(%arg9 : memref<16384xf32, #tpu.memory_space<vmem>>) dst(%dma_wait3A_200 : memref<16384xf32, #tpu.memory_space<hbm>>)
    %parallel_loop3A_201 = arith.constant 0 : i32
    %parallel_loop3A_202 = arith.constant 1024 : i32
    %parallel_loop3A_203 = arith.constant 1 : i32
    scf.for %parallel_loop3A_864 = %parallel_loop3A_201 to %parallel_loop3A_202 step %parallel_loop3A_203  : i32 {
      %parallel_loop3A_865 = arith.constant 16 : i32
      %parallel_loop3A_866 = arith.muli %parallel_loop3A_864, %parallel_loop3A_865 : i32
      %parallel_loop3A_867 = arith.index_cast %parallel_loop3A_866 : i32 to index
      %parallel_loop3A_868 = tpu.vector_load %arg5[%parallel_loop3A_867] {strides = array<i32>} : memref<16384xi32, #tpu.memory_space<vmem>>, vector<16xi32>,
      %parallel_loop3A_869 = tpu.vector_load_idx %arg7[%parallel_loop3A_868] : memref<2048xf32, #tpu.memory_space<vmem>>[vector<16xi32>], vector<16xf32>,
      %parallel_loop3A_870 = arith.index_cast %parallel_loop3A_866 : i32 to index
      %parallel_loop3A_871 = tpu.vector_load %arg9[%parallel_loop3A_870] {strides = array<i32>} : memref<16384xf32, #tpu.memory_space<vmem>>, vector<16xf32>,
      tpu.vector_store %arg9[%parallel_loop3A_870], %parallel_loop3A_869 {strides = array<i32>} : memref<16384xf32, #tpu.memory_space<vmem>>, vector<16xf32>,
    } {sc.loop_unroll_factor = 8 : i64, sc.parallel_access}
    %add3A_204 = arith.constant 7 : i32
    %add3A_205 = arith.addi %mul3A_2, %add3A_204 : i32
    %mul3A_206 = arith.constant 16384 : i32
    %mul3A_207 = arith.muli %add3A_205, %mul3A_206 : i32
    %dma_start3A_208 = tpu.memref_slice %arg4[%mul3A_207] : memref<16777216xf32, #tpu.memory_space<hbm>> -> memref<16384xf32, #tpu.memory_space<hbm>>
    %dma_start3A_209 = tpu.memref_slice %arg4[%mul3A_207] : memref<16777216xf32, #tpu.memory_space<hbm>> -> memref<16384xf32, #tpu.memory_space<hbm>>
    tpu.enqueue_dma source(%arg9 : memref<16384xf32, #tpu.memory_space<vmem>>) target(%dma_start3A_209 : memref<16384xf32, #tpu.memory_space<hbm>>) target_semaphore(%arg13 : memref<!tpu.dma_semaphore, #tpu.memory_space<semaphore_mem>>)
    %add3A_210 = arith.constant 8 : i32
    %add3A_211 = arith.addi %mul3A_2, %add3A_210 : i32
    %mul3A_212 = arith.constant 2048 : i32
    %mul3A_213 = arith.muli %add3A_211, %mul3A_212 : i32
    %dma_wait3A_214 = tpu.memref_slice %arg2[%mul3A_213] : memref<2097152xf32, #tpu.memory_space<hbm>> -> memref<2048xf32, #tpu.memory_space<hbm>>
    %dma_wait3A_215 = tpu.memref_slice %arg2[%mul3A_213] : memref<2097152xf32, #tpu.memory_space<hbm>> -> memref<2048xf32, #tpu.memory_space<hbm>>
    tpu.wait_dma2 semaphore(%arg10 : memref<!tpu.dma_semaphore, #tpu.memory_space<semaphore_mem>>) src(%dma_wait3A_215 : memref<2048xf32, #tpu.memory_space<hbm>>) dst(%arg6 : memref<2048xf32, #tpu.memory_space<vmem>>)
    %add3A_216 = arith.constant 9 : i32
    %add3A_217 = arith.addi %mul3A_2, %add3A_216 : i32
    %mul3A_218 = arith.constant 2048 : i32
    %mul3A_219 = arith.muli %add3A_217, %mul3A_218 : i32
    %dma_start3A_220 = tpu.memref_slice %arg2[%mul3A_219] : memref<2097152xf32, #tpu.memory_space<hbm>> -> memref<2048xf32, #tpu.memory_space<hbm>>
    %dma_start3A_221 = tpu.memref_slice %arg2[%mul3A_219] : memref<2097152xf32, #tpu.memory_space<hbm>> -> memref<2048xf32, #tpu.memory_space<hbm>>
    tpu.enqueue_dma source(%dma_start3A_221 : memref<2048xf32, #tpu.memory_space<hbm>>) target(%arg7 : memref<2048xf32, #tpu.memory_space<vmem>>) target_semaphore(%arg11 : memref<!tpu.dma_semaphore, #tpu.memory_space<semaphore_mem>>)
    %add3A_222 = arith.constant 6 : i32
    %add3A_223 = arith.addi %mul3A_2, %add3A_222 : i32
    %mul3A_224 = arith.constant 16384 : i32
    %mul3A_225 = arith.muli %add3A_223, %mul3A_224 : i32
    %dma_wait3A_226 = tpu.memref_slice %arg4[%mul3A_225] : memref<16777216xf32, #tpu.memory_space<hbm>> -> memref<16384xf32, #tpu.memory_space<hbm>>
    %dma_wait3A_227 = tpu.memref_slice %arg4[%mul3A_225] : memref<16777216xf32, #tpu.memory_space<hbm>> -> memref<16384xf32, #tpu.memory_space<hbm>>
    tpu.wait_dma2 semaphore(%arg12 : memref<!tpu.dma_semaphore, #tpu.memory_space<semaphore_mem>>) src(%arg8 : memref<16384xf32, #tpu.memory_space<vmem>>) dst(%dma_wait3A_227 : memref<16384xf32, #tpu.memory_space<hbm>>)
    %parallel_loop3A_228 = arith.constant 0 : i32
    %parallel_loop3A_229 = arith.constant 1024 : i32
    %parallel_loop3A_230 = arith.constant 1 : i32
    scf.for %parallel_loop3A_864 = %parallel_loop3A_228 to %parallel_loop3A_229 step %parallel_loop3A_230  : i32 {
      %parallel_loop3A_865 = arith.constant 16 : i32
      %parallel_loop3A_866 = arith.muli %parallel_loop3A_864, %parallel_loop3A_865 : i32
      %parallel_loop3A_867 = arith.index_cast %parallel_loop3A_866 : i32 to index
      %parallel_loop3A_868 = tpu.vector_load %arg5[%parallel_loop3A_867] {strides = array<i32>} : memref<16384xi32, #tpu.memory_space<vmem>>, vector<16xi32>,
      %parallel_loop3A_869 = tpu.vector_load_idx %arg6[%parallel_loop3A_868] : memref<2048xf32, #tpu.memory_space<vmem>>[vector<16xi32>], vector<16xf32>,
      %parallel_loop3A_870 = arith.index_cast %parallel_loop3A_866 : i32 to index
      %parallel_loop3A_871 = tpu.vector_load %arg8[%parallel_loop3A_870] {strides = array<i32>} : memref<16384xf32, #tpu.memory_space<vmem>>, vector<16xf32>,
      tpu.vector_store %arg8[%parallel_loop3A_870], %parallel_loop3A_869 {strides = array<i32>} : memref<16384xf32, #tpu.memory_space<vmem>>, vector<16xf32>,
    } {sc.loop_unroll_factor = 8 : i64, sc.parallel_access}
    %add3A_231 = arith.constant 8 : i32
    %add3A_232 = arith.addi %mul3A_2, %add3A_231 : i32
    %mul3A_233 = arith.constant 16384 : i32
    %mul3A_234 = arith.muli %add3A_232, %mul3A_233 : i32
    %dma_start3A_235 = tpu.memref_slice %arg4[%mul3A_234] : memref<16777216xf32, #tpu.memory_space<hbm>> -> memref<16384xf32, #tpu.memory_space<hbm>>
    %dma_start3A_236 = tpu.memref_slice %arg4[%mul3A_234] : memref<16777216xf32, #tpu.memory_space<hbm>> -> memref<16384xf32, #tpu.memory_space<hbm>>
    tpu.enqueue_dma source(%arg8 : memref<16384xf32, #tpu.memory_space<vmem>>) target(%dma_start3A_236 : memref<16384xf32, #tpu.memory_space<hbm>>) target_semaphore(%arg12 : memref<!tpu.dma_semaphore, #tpu.memory_space<semaphore_mem>>)
    %add3A_237 = arith.constant 9 : i32
    %add3A_238 = arith.addi %mul3A_2, %add3A_237 : i32
    %mul3A_239 = arith.constant 2048 : i32
    %mul3A_240 = arith.muli %add3A_238, %mul3A_239 : i32
    %dma_wait3A_241 = tpu.memref_slice %arg2[%mul3A_240] : memref<2097152xf32, #tpu.memory_space<hbm>> -> memref<2048xf32, #tpu.memory_space<hbm>>
    %dma_wait3A_242 = tpu.memref_slice %arg2[%mul3A_240] : memref<2097152xf32, #tpu.memory_space<hbm>> -> memref<2048xf32, #tpu.memory_space<hbm>>
    tpu.wait_dma2 semaphore(%arg11 : memref<!tpu.dma_semaphore, #tpu.memory_space<semaphore_mem>>) src(%dma_wait3A_242 : memref<2048xf32, #tpu.memory_space<hbm>>) dst(%arg7 : memref<2048xf32, #tpu.memory_space<vmem>>)
    %add3A_243 = arith.constant 10 : i32
    %add3A_244 = arith.addi %mul3A_2, %add3A_243 : i32
    %mul3A_245 = arith.constant 2048 : i32
    %mul3A_246 = arith.muli %add3A_244, %mul3A_245 : i32
    %dma_start3A_247 = tpu.memref_slice %arg2[%mul3A_246] : memref<2097152xf32, #tpu.memory_space<hbm>> -> memref<2048xf32, #tpu.memory_space<hbm>>
    %dma_start3A_248 = tpu.memref_slice %arg2[%mul3A_246] : memref<2097152xf32, #tpu.memory_space<hbm>> -> memref<2048xf32, #tpu.memory_space<hbm>>
    tpu.enqueue_dma source(%dma_start3A_248 : memref<2048xf32, #tpu.memory_space<hbm>>) target(%arg6 : memref<2048xf32, #tpu.memory_space<vmem>>) target_semaphore(%arg10 : memref<!tpu.dma_semaphore, #tpu.memory_space<semaphore_mem>>)
    %add3A_249 = arith.constant 7 : i32
    %add3A_250 = arith.addi %mul3A_2, %add3A_249 : i32
    %mul3A_251 = arith.constant 16384 : i32
    %mul3A_252 = arith.muli %add3A_250, %mul3A_251 : i32
    %dma_wait3A_253 = tpu.memref_slice %arg4[%mul3A_252] : memref<16777216xf32, #tpu.memory_space<hbm>> -> memref<16384xf32, #tpu.memory_space<hbm>>
    %dma_wait3A_254 = tpu.memref_slice %arg4[%mul3A_252] : memref<16777216xf32, #tpu.memory_space<hbm>> -> memref<16384xf32, #tpu.memory_space<hbm>>
    tpu.wait_dma2 semaphore(%arg13 : memref<!tpu.dma_semaphore, #tpu.memory_space<semaphore_mem>>) src(%arg9 : memref<16384xf32, #tpu.memory_space<vmem>>) dst(%dma_wait3A_254 : memref<16384xf32, #tpu.memory_space<hbm>>)
    %parallel_loop3A_255 = arith.constant 0 : i32
    %parallel_loop3A_256 = arith.constant 1024 : i32
    %parallel_loop3A_257 = arith.constant 1 : i32
    scf.for %parallel_loop3A_864 = %parallel_loop3A_255 to %parallel_loop3A_256 step %parallel_loop3A_257  : i32 {
      %parallel_loop3A_865 = arith.constant 16 : i32
      %parallel_loop3A_866 = arith.muli %parallel_loop3A_864, %parallel_loop3A_865 : i32
      %parallel_loop3A_867 = arith.index_cast %parallel_loop3A_866 : i32 to index
      %parallel_loop3A_868 = tpu.vector_load %arg5[%parallel_loop3A_867] {strides = array<i32>} : memref<16384xi32, #tpu.memory_space<vmem>>, vector<16xi32>,
      %parallel_loop3A_869 = tpu.vector_load_idx %arg7[%parallel_loop3A_868] : memref<2048xf32, #tpu.memory_space<vmem>>[vector<16xi32>], vector<16xf32>,
      %parallel_loop3A_870 = arith.index_cast %parallel_loop3A_866 : i32 to index
      %parallel_loop3A_871 = tpu.vector_load %arg9[%parallel_loop3A_870] {strides = array<i32>} : memref<16384xf32, #tpu.memory_space<vmem>>, vector<16xf32>,
      tpu.vector_store %arg9[%parallel_loop3A_870], %parallel_loop3A_869 {strides = array<i32>} : memref<16384xf32, #tpu.memory_space<vmem>>, vector<16xf32>,
    } {sc.loop_unroll_factor = 8 : i64, sc.parallel_access}
    %add3A_258 = arith.constant 9 : i32
    %add3A_259 = arith.addi %mul3A_2, %add3A_258 : i32
    %mul3A_260 = arith.constant 16384 : i32
    %mul3A_261 = arith.muli %add3A_259, %mul3A_260 : i32
    %dma_start3A_262 = tpu.memref_slice %arg4[%mul3A_261] : memref<16777216xf32, #tpu.memory_space<hbm>> -> memref<16384xf32, #tpu.memory_space<hbm>>
    %dma_start3A_263 = tpu.memref_slice %arg4[%mul3A_261] : memref<16777216xf32, #tpu.memory_space<hbm>> -> memref<16384xf32, #tpu.memory_space<hbm>>
    tpu.enqueue_dma source(%arg9 : memref<16384xf32, #tpu.memory_space<vmem>>) target(%dma_start3A_263 : memref<16384xf32, #tpu.memory_space<hbm>>) target_semaphore(%arg13 : memref<!tpu.dma_semaphore, #tpu.memory_space<semaphore_mem>>)
    %add3A_264 = arith.constant 10 : i32
    %add3A_265 = arith.addi %mul3A_2, %add3A_264 : i32
    %mul3A_266 = arith.constant 2048 : i32
    %mul3A_267 = arith.muli %add3A_265, %mul3A_266 : i32
    %dma_wait3A_268 = tpu.memref_slice %arg2[%mul3A_267] : memref<2097152xf32, #tpu.memory_space<hbm>> -> memref<2048xf32, #tpu.memory_space<hbm>>
    %dma_wait3A_269 = tpu.memref_slice %arg2[%mul3A_267] : memref<2097152xf32, #tpu.memory_space<hbm>> -> memref<2048xf32, #tpu.memory_space<hbm>>
    tpu.wait_dma2 semaphore(%arg10 : memref<!tpu.dma_semaphore, #tpu.memory_space<semaphore_mem>>) src(%dma_wait3A_269 : memref<2048xf32, #tpu.memory_space<hbm>>) dst(%arg6 : memref<2048xf32, #tpu.memory_space<vmem>>)
    %add3A_270 = arith.constant 11 : i32
    %add3A_271 = arith.addi %mul3A_2, %add3A_270 : i32
    %mul3A_272 = arith.constant 2048 : i32
    %mul3A_273 = arith.muli %add3A_271, %mul3A_272 : i32
    %dma_start3A_274 = tpu.memref_slice %arg2[%mul3A_273] : memref<2097152xf32, #tpu.memory_space<hbm>> -> memref<2048xf32, #tpu.memory_space<hbm>>
    %dma_start3A_275 = tpu.memref_slice %arg2[%mul3A_273] : memref<2097152xf32, #tpu.memory_space<hbm>> -> memref<2048xf32, #tpu.memory_space<hbm>>
    tpu.enqueue_dma source(%dma_start3A_275 : memref<2048xf32, #tpu.memory_space<hbm>>) target(%arg7 : memref<2048xf32, #tpu.memory_space<vmem>>) target_semaphore(%arg11 : memref<!tpu.dma_semaphore, #tpu.memory_space<semaphore_mem>>)
    %add3A_276 = arith.constant 8 : i32
    %add3A_277 = arith.addi %mul3A_2, %add3A_276 : i32
    %mul3A_278 = arith.constant 16384 : i32
    %mul3A_279 = arith.muli %add3A_277, %mul3A_278 : i32
    %dma_wait3A_280 = tpu.memref_slice %arg4[%mul3A_279] : memref<16777216xf32, #tpu.memory_space<hbm>> -> memref<16384xf32, #tpu.memory_space<hbm>>
    %dma_wait3A_281 = tpu.memref_slice %arg4[%mul3A_279] : memref<16777216xf32, #tpu.memory_space<hbm>> -> memref<16384xf32, #tpu.memory_space<hbm>>
    tpu.wait_dma2 semaphore(%arg12 : memref<!tpu.dma_semaphore, #tpu.memory_space<semaphore_mem>>) src(%arg8 : memref<16384xf32, #tpu.memory_space<vmem>>) dst(%dma_wait3A_281 : memref<16384xf32, #tpu.memory_space<hbm>>)
    %parallel_loop3A_282 = arith.constant 0 : i32
    %parallel_loop3A_283 = arith.constant 1024 : i32
    %parallel_loop3A_284 = arith.constant 1 : i32
    scf.for %parallel_loop3A_864 = %parallel_loop3A_282 to %parallel_loop3A_283 step %parallel_loop3A_284  : i32 {
      %parallel_loop3A_865 = arith.constant 16 : i32
      %parallel_loop3A_866 = arith.muli %parallel_loop3A_864, %parallel_loop3A_865 : i32
      %parallel_loop3A_867 = arith.index_cast %parallel_loop3A_866 : i32 to index
      %parallel_loop3A_868 = tpu.vector_load %arg5[%parallel_loop3A_867] {strides = array<i32>} : memref<16384xi32, #tpu.memory_space<vmem>>, vector<16xi32>,
      %parallel_loop3A_869 = tpu.vector_load_idx %arg6[%parallel_loop3A_868] : memref<2048xf32, #tpu.memory_space<vmem>>[vector<16xi32>], vector<16xf32>,
      %parallel_loop3A_870 = arith.index_cast %parallel_loop3A_866 : i32 to index
      %parallel_loop3A_871 = tpu.vector_load %arg8[%parallel_loop3A_870] {strides = array<i32>} : memref<16384xf32, #tpu.memory_space<vmem>>, vector<16xf32>,
      tpu.vector_store %arg8[%parallel_loop3A_870], %parallel_loop3A_869 {strides = array<i32>} : memref<16384xf32, #tpu.memory_space<vmem>>, vector<16xf32>,
    } {sc.loop_unroll_factor = 8 : i64, sc.parallel_access}
    %add3A_285 = arith.constant 10 : i32
    %add3A_286 = arith.addi %mul3A_2, %add3A_285 : i32
    %mul3A_287 = arith.constant 16384 : i32
    %mul3A_288 = arith.muli %add3A_286, %mul3A_287 : i32
    %dma_start3A_289 = tpu.memref_slice %arg4[%mul3A_288] : memref<16777216xf32, #tpu.memory_space<hbm>> -> memref<16384xf32, #tpu.memory_space<hbm>>
    %dma_start3A_290 = tpu.memref_slice %arg4[%mul3A_288] : memref<16777216xf32, #tpu.memory_space<hbm>> -> memref<16384xf32, #tpu.memory_space<hbm>>
    tpu.enqueue_dma source(%arg8 : memref<16384xf32, #tpu.memory_space<vmem>>) target(%dma_start3A_290 : memref<16384xf32, #tpu.memory_space<hbm>>) target_semaphore(%arg12 : memref<!tpu.dma_semaphore, #tpu.memory_space<semaphore_mem>>)
    %add3A_291 = arith.constant 11 : i32
    %add3A_292 = arith.addi %mul3A_2, %add3A_291 : i32
    %mul3A_293 = arith.constant 2048 : i32
    %mul3A_294 = arith.muli %add3A_292, %mul3A_293 : i32
    %dma_wait3A_295 = tpu.memref_slice %arg2[%mul3A_294] : memref<2097152xf32, #tpu.memory_space<hbm>> -> memref<2048xf32, #tpu.memory_space<hbm>>
    %dma_wait3A_296 = tpu.memref_slice %arg2[%mul3A_294] : memref<2097152xf32, #tpu.memory_space<hbm>> -> memref<2048xf32, #tpu.memory_space<hbm>>
    tpu.wait_dma2 semaphore(%arg11 : memref<!tpu.dma_semaphore, #tpu.memory_space<semaphore_mem>>) src(%dma_wait3A_296 : memref<2048xf32, #tpu.memory_space<hbm>>) dst(%arg7 : memref<2048xf32, #tpu.memory_space<vmem>>)
    %add3A_297 = arith.constant 12 : i32
    %add3A_298 = arith.addi %mul3A_2, %add3A_297 : i32
    %mul3A_299 = arith.constant 2048 : i32
    %mul3A_300 = arith.muli %add3A_298, %mul3A_299 : i32
    %dma_start3A_301 = tpu.memref_slice %arg2[%mul3A_300] : memref<2097152xf32, #tpu.memory_space<hbm>> -> memref<2048xf32, #tpu.memory_space<hbm>>
    %dma_start3A_302 = tpu.memref_slice %arg2[%mul3A_300] : memref<2097152xf32, #tpu.memory_space<hbm>> -> memref<2048xf32, #tpu.memory_space<hbm>>
    tpu.enqueue_dma source(%dma_start3A_302 : memref<2048xf32, #tpu.memory_space<hbm>>) target(%arg6 : memref<2048xf32, #tpu.memory_space<vmem>>) target_semaphore(%arg10 : memref<!tpu.dma_semaphore, #tpu.memory_space<semaphore_mem>>)
    %add3A_303 = arith.constant 9 : i32
    %add3A_304 = arith.addi %mul3A_2, %add3A_303 : i32
    %mul3A_305 = arith.constant 16384 : i32
    %mul3A_306 = arith.muli %add3A_304, %mul3A_305 : i32
    %dma_wait3A_307 = tpu.memref_slice %arg4[%mul3A_306] : memref<16777216xf32, #tpu.memory_space<hbm>> -> memref<16384xf32, #tpu.memory_space<hbm>>
    %dma_wait3A_308 = tpu.memref_slice %arg4[%mul3A_306] : memref<16777216xf32, #tpu.memory_space<hbm>> -> memref<16384xf32, #tpu.memory_space<hbm>>
    tpu.wait_dma2 semaphore(%arg13 : memref<!tpu.dma_semaphore, #tpu.memory_space<semaphore_mem>>) src(%arg9 : memref<16384xf32, #tpu.memory_space<vmem>>) dst(%dma_wait3A_308 : memref<16384xf32, #tpu.memory_space<hbm>>)
    %parallel_loop3A_309 = arith.constant 0 : i32
    %parallel_loop3A_310 = arith.constant 1024 : i32
    %parallel_loop3A_311 = arith.constant 1 : i32
    scf.for %parallel_loop3A_864 = %parallel_loop3A_309 to %parallel_loop3A_310 step %parallel_loop3A_311  : i32 {
      %parallel_loop3A_865 = arith.constant 16 : i32
      %parallel_loop3A_866 = arith.muli %parallel_loop3A_864, %parallel_loop3A_865 : i32
      %parallel_loop3A_867 = arith.index_cast %parallel_loop3A_866 : i32 to index
      %parallel_loop3A_868 = tpu.vector_load %arg5[%parallel_loop3A_867] {strides = array<i32>} : memref<16384xi32, #tpu.memory_space<vmem>>, vector<16xi32>,
      %parallel_loop3A_869 = tpu.vector_load_idx %arg7[%parallel_loop3A_868] : memref<2048xf32, #tpu.memory_space<vmem>>[vector<16xi32>], vector<16xf32>,
      %parallel_loop3A_870 = arith.index_cast %parallel_loop3A_866 : i32 to index
      %parallel_loop3A_871 = tpu.vector_load %arg9[%parallel_loop3A_870] {strides = array<i32>} : memref<16384xf32, #tpu.memory_space<vmem>>, vector<16xf32>,
      tpu.vector_store %arg9[%parallel_loop3A_870], %parallel_loop3A_869 {strides = array<i32>} : memref<16384xf32, #tpu.memory_space<vmem>>, vector<16xf32>,
    } {sc.loop_unroll_factor = 8 : i64, sc.parallel_access}
    %add3A_312 = arith.constant 11 : i32
    %add3A_313 = arith.addi %mul3A_2, %add3A_312 : i32
    %mul3A_314 = arith.constant 16384 : i32
    %mul3A_315 = arith.muli %add3A_313, %mul3A_314 : i32
    %dma_start3A_316 = tpu.memref_slice %arg4[%mul3A_315] : memref<16777216xf32, #tpu.memory_space<hbm>> -> memref<16384xf32, #tpu.memory_space<hbm>>
    %dma_start3A_317 = tpu.memref_slice %arg4[%mul3A_315] : memref<16777216xf32, #tpu.memory_space<hbm>> -> memref<16384xf32, #tpu.memory_space<hbm>>
    tpu.enqueue_dma source(%arg9 : memref<16384xf32, #tpu.memory_space<vmem>>) target(%dma_start3A_317 : memref<16384xf32, #tpu.memory_space<hbm>>) target_semaphore(%arg13 : memref<!tpu.dma_semaphore, #tpu.memory_space<semaphore_mem>>)
    %add3A_318 = arith.constant 12 : i32
    %add3A_319 = arith.addi %mul3A_2, %add3A_318 : i32
    %mul3A_320 = arith.constant 2048 : i32
    %mul3A_321 = arith.muli %add3A_319, %mul3A_320 : i32
    %dma_wait3A_322 = tpu.memref_slice %arg2[%mul3A_321] : memref<2097152xf32, #tpu.memory_space<hbm>> -> memref<2048xf32, #tpu.memory_space<hbm>>
    %dma_wait3A_323 = tpu.memref_slice %arg2[%mul3A_321] : memref<2097152xf32, #tpu.memory_space<hbm>> -> memref<2048xf32, #tpu.memory_space<hbm>>
    tpu.wait_dma2 semaphore(%arg10 : memref<!tpu.dma_semaphore, #tpu.memory_space<semaphore_mem>>) src(%dma_wait3A_323 : memref<2048xf32, #tpu.memory_space<hbm>>) dst(%arg6 : memref<2048xf32, #tpu.memory_space<vmem>>)
    %add3A_324 = arith.constant 13 : i32
    %add3A_325 = arith.addi %mul3A_2, %add3A_324 : i32
    %mul3A_326 = arith.constant 2048 : i32
    %mul3A_327 = arith.muli %add3A_325, %mul3A_326 : i32
    %dma_start3A_328 = tpu.memref_slice %arg2[%mul3A_327] : memref<2097152xf32, #tpu.memory_space<hbm>> -> memref<2048xf32, #tpu.memory_space<hbm>>
    %dma_start3A_329 = tpu.memref_slice %arg2[%mul3A_327] : memref<2097152xf32, #tpu.memory_space<hbm>> -> memref<2048xf32, #tpu.memory_space<hbm>>
    tpu.enqueue_dma source(%dma_start3A_329 : memref<2048xf32, #tpu.memory_space<hbm>>) target(%arg7 : memref<2048xf32, #tpu.memory_space<vmem>>) target_semaphore(%arg11 : memref<!tpu.dma_semaphore, #tpu.memory_space<semaphore_mem>>)
    %add3A_330 = arith.constant 10 : i32
    %add3A_331 = arith.addi %mul3A_2, %add3A_330 : i32
    %mul3A_332 = arith.constant 16384 : i32
    %mul3A_333 = arith.muli %add3A_331, %mul3A_332 : i32
    %dma_wait3A_334 = tpu.memref_slice %arg4[%mul3A_333] : memref<16777216xf32, #tpu.memory_space<hbm>> -> memref<16384xf32, #tpu.memory_space<hbm>>
    %dma_wait3A_335 = tpu.memref_slice %arg4[%mul3A_333] : memref<16777216xf32, #tpu.memory_space<hbm>> -> memref<16384xf32, #tpu.memory_space<hbm>>
    tpu.wait_dma2 semaphore(%arg12 : memref<!tpu.dma_semaphore, #tpu.memory_space<semaphore_mem>>) src(%arg8 : memref<16384xf32, #tpu.memory_space<vmem>>) dst(%dma_wait3A_335 : memref<16384xf32, #tpu.memory_space<hbm>>)
    %parallel_loop3A_336 = arith.constant 0 : i32
    %parallel_loop3A_337 = arith.constant 1024 : i32
    %parallel_loop3A_338 = arith.constant 1 : i32
    scf.for %parallel_loop3A_864 = %parallel_loop3A_336 to %parallel_loop3A_337 step %parallel_loop3A_338  : i32 {
      %parallel_loop3A_865 = arith.constant 16 : i32
      %parallel_loop3A_866 = arith.muli %parallel_loop3A_864, %parallel_loop3A_865 : i32
      %parallel_loop3A_867 = arith.index_cast %parallel_loop3A_866 : i32 to index
      %parallel_loop3A_868 = tpu.vector_load %arg5[%parallel_loop3A_867] {strides = array<i32>} : memref<16384xi32, #tpu.memory_space<vmem>>, vector<16xi32>,
      %parallel_loop3A_869 = tpu.vector_load_idx %arg6[%parallel_loop3A_868] : memref<2048xf32, #tpu.memory_space<vmem>>[vector<16xi32>], vector<16xf32>,
      %parallel_loop3A_870 = arith.index_cast %parallel_loop3A_866 : i32 to index
      %parallel_loop3A_871 = tpu.vector_load %arg8[%parallel_loop3A_870] {strides = array<i32>} : memref<16384xf32, #tpu.memory_space<vmem>>, vector<16xf32>,
      tpu.vector_store %arg8[%parallel_loop3A_870], %parallel_loop3A_869 {strides = array<i32>} : memref<16384xf32, #tpu.memory_space<vmem>>, vector<16xf32>,
    } {sc.loop_unroll_factor = 8 : i64, sc.parallel_access}
    %add3A_339 = arith.constant 12 : i32
    %add3A_340 = arith.addi %mul3A_2, %add3A_339 : i32
    %mul3A_341 = arith.constant 16384 : i32
    %mul3A_342 = arith.muli %add3A_340, %mul3A_341 : i32
    %dma_start3A_343 = tpu.memref_slice %arg4[%mul3A_342] : memref<16777216xf32, #tpu.memory_space<hbm>> -> memref<16384xf32, #tpu.memory_space<hbm>>
    %dma_start3A_344 = tpu.memref_slice %arg4[%mul3A_342] : memref<16777216xf32, #tpu.memory_space<hbm>> -> memref<16384xf32, #tpu.memory_space<hbm>>
    tpu.enqueue_dma source(%arg8 : memref<16384xf32, #tpu.memory_space<vmem>>) target(%dma_start3A_344 : memref<16384xf32, #tpu.memory_space<hbm>>) target_semaphore(%arg12 : memref<!tpu.dma_semaphore, #tpu.memory_space<semaphore_mem>>)
    %add3A_345 = arith.constant 13 : i32
    %add3A_346 = arith.addi %mul3A_2, %add3A_345 : i32
    %mul3A_347 = arith.constant 2048 : i32
    %mul3A_348 = arith.muli %add3A_346, %mul3A_347 : i32
    %dma_wait3A_349 = tpu.memref_slice %arg2[%mul3A_348] : memref<2097152xf32, #tpu.memory_space<hbm>> -> memref<2048xf32, #tpu.memory_space<hbm>>
    %dma_wait3A_350 = tpu.memref_slice %arg2[%mul3A_348] : memref<2097152xf32, #tpu.memory_space<hbm>> -> memref<2048xf32, #tpu.memory_space<hbm>>
    tpu.wait_dma2 semaphore(%arg11 : memref<!tpu.dma_semaphore, #tpu.memory_space<semaphore_mem>>) src(%dma_wait3A_350 : memref<2048xf32, #tpu.memory_space<hbm>>) dst(%arg7 : memref<2048xf32, #tpu.memory_space<vmem>>)
    %add3A_351 = arith.constant 14 : i32
    %add3A_352 = arith.addi %mul3A_2, %add3A_351 : i32
    %mul3A_353 = arith.constant 2048 : i32
    %mul3A_354 = arith.muli %add3A_352, %mul3A_353 : i32
    %dma_start3A_355 = tpu.memref_slice %arg2[%mul3A_354] : memref<2097152xf32, #tpu.memory_space<hbm>> -> memref<2048xf32, #tpu.memory_space<hbm>>
    %dma_start3A_356 = tpu.memref_slice %arg2[%mul3A_354] : memref<2097152xf32, #tpu.memory_space<hbm>> -> memref<2048xf32, #tpu.memory_space<hbm>>
    tpu.enqueue_dma source(%dma_start3A_356 : memref<2048xf32, #tpu.memory_space<hbm>>) target(%arg6 : memref<2048xf32, #tpu.memory_space<vmem>>) target_semaphore(%arg10 : memref<!tpu.dma_semaphore, #tpu.memory_space<semaphore_mem>>)
    %add3A_357 = arith.constant 11 : i32
    %add3A_358 = arith.addi %mul3A_2, %add3A_357 : i32
    %mul3A_359 = arith.constant 16384 : i32
    %mul3A_360 = arith.muli %add3A_358, %mul3A_359 : i32
    %dma_wait3A_361 = tpu.memref_slice %arg4[%mul3A_360] : memref<16777216xf32, #tpu.memory_space<hbm>> -> memref<16384xf32, #tpu.memory_space<hbm>>
    %dma_wait3A_362 = tpu.memref_slice %arg4[%mul3A_360] : memref<16777216xf32, #tpu.memory_space<hbm>> -> memref<16384xf32, #tpu.memory_space<hbm>>
    tpu.wait_dma2 semaphore(%arg13 : memref<!tpu.dma_semaphore, #tpu.memory_space<semaphore_mem>>) src(%arg9 : memref<16384xf32, #tpu.memory_space<vmem>>) dst(%dma_wait3A_362 : memref<16384xf32, #tpu.memory_space<hbm>>)
    %parallel_loop3A_363 = arith.constant 0 : i32
    %parallel_loop3A_364 = arith.constant 1024 : i32
    %parallel_loop3A_365 = arith.constant 1 : i32
    scf.for %parallel_loop3A_864 = %parallel_loop3A_363 to %parallel_loop3A_364 step %parallel_loop3A_365  : i32 {
      %parallel_loop3A_865 = arith.constant 16 : i32
      %parallel_loop3A_866 = arith.muli %parallel_loop3A_864, %parallel_loop3A_865 : i32
      %parallel_loop3A_867 = arith.index_cast %parallel_loop3A_866 : i32 to index
      %parallel_loop3A_868 = tpu.vector_load %arg5[%parallel_loop3A_867] {strides = array<i32>} : memref<16384xi32, #tpu.memory_space<vmem>>, vector<16xi32>,
      %parallel_loop3A_869 = tpu.vector_load_idx %arg7[%parallel_loop3A_868] : memref<2048xf32, #tpu.memory_space<vmem>>[vector<16xi32>], vector<16xf32>,
      %parallel_loop3A_870 = arith.index_cast %parallel_loop3A_866 : i32 to index
      %parallel_loop3A_871 = tpu.vector_load %arg9[%parallel_loop3A_870] {strides = array<i32>} : memref<16384xf32, #tpu.memory_space<vmem>>, vector<16xf32>,
      tpu.vector_store %arg9[%parallel_loop3A_870], %parallel_loop3A_869 {strides = array<i32>} : memref<16384xf32, #tpu.memory_space<vmem>>, vector<16xf32>,
    } {sc.loop_unroll_factor = 8 : i64, sc.parallel_access}
    %add3A_366 = arith.constant 13 : i32
    %add3A_367 = arith.addi %mul3A_2, %add3A_366 : i32
    %mul3A_368 = arith.constant 16384 : i32
    %mul3A_369 = arith.muli %add3A_367, %mul3A_368 : i32
    %dma_start3A_370 = tpu.memref_slice %arg4[%mul3A_369] : memref<16777216xf32, #tpu.memory_space<hbm>> -> memref<16384xf32, #tpu.memory_space<hbm>>
    %dma_start3A_371 = tpu.memref_slice %arg4[%mul3A_369] : memref<16777216xf32, #tpu.memory_space<hbm>> -> memref<16384xf32, #tpu.memory_space<hbm>>
    tpu.enqueue_dma source(%arg9 : memref<16384xf32, #tpu.memory_space<vmem>>) target(%dma_start3A_371 : memref<16384xf32, #tpu.memory_space<hbm>>) target_semaphore(%arg13 : memref<!tpu.dma_semaphore, #tpu.memory_space<semaphore_mem>>)
    %add3A_372 = arith.constant 14 : i32
    %add3A_373 = arith.addi %mul3A_2, %add3A_372 : i32
    %mul3A_374 = arith.constant 2048 : i32
    %mul3A_375 = arith.muli %add3A_373, %mul3A_374 : i32
    %dma_wait3A_376 = tpu.memref_slice %arg2[%mul3A_375] : memref<2097152xf32, #tpu.memory_space<hbm>> -> memref<2048xf32, #tpu.memory_space<hbm>>
    %dma_wait3A_377 = tpu.memref_slice %arg2[%mul3A_375] : memref<2097152xf32, #tpu.memory_space<hbm>> -> memref<2048xf32, #tpu.memory_space<hbm>>
    tpu.wait_dma2 semaphore(%arg10 : memref<!tpu.dma_semaphore, #tpu.memory_space<semaphore_mem>>) src(%dma_wait3A_377 : memref<2048xf32, #tpu.memory_space<hbm>>) dst(%arg6 : memref<2048xf32, #tpu.memory_space<vmem>>)
    %add3A_378 = arith.constant 15 : i32
    %add3A_379 = arith.addi %mul3A_2, %add3A_378 : i32
    %mul3A_380 = arith.constant 2048 : i32
    %mul3A_381 = arith.muli %add3A_379, %mul3A_380 : i32
    %dma_start3A_382 = tpu.memref_slice %arg2[%mul3A_381] : memref<2097152xf32, #tpu.memory_space<hbm>> -> memref<2048xf32, #tpu.memory_space<hbm>>
    %dma_start3A_383 = tpu.memref_slice %arg2[%mul3A_381] : memref<2097152xf32, #tpu.memory_space<hbm>> -> memref<2048xf32, #tpu.memory_space<hbm>>
    tpu.enqueue_dma source(%dma_start3A_383 : memref<2048xf32, #tpu.memory_space<hbm>>) target(%arg7 : memref<2048xf32, #tpu.memory_space<vmem>>) target_semaphore(%arg11 : memref<!tpu.dma_semaphore, #tpu.memory_space<semaphore_mem>>)
    %add3A_384 = arith.constant 12 : i32
    %add3A_385 = arith.addi %mul3A_2, %add3A_384 : i32
    %mul3A_386 = arith.constant 16384 : i32
    %mul3A_387 = arith.muli %add3A_385, %mul3A_386 : i32
    %dma_wait3A_388 = tpu.memref_slice %arg4[%mul3A_387] : memref<16777216xf32, #tpu.memory_space<hbm>> -> memref<16384xf32, #tpu.memory_space<hbm>>
    %dma_wait3A_389 = tpu.memref_slice %arg4[%mul3A_387] : memref<16777216xf32, #tpu.memory_space<hbm>> -> memref<16384xf32, #tpu.memory_space<hbm>>
    tpu.wait_dma2 semaphore(%arg12 : memref<!tpu.dma_semaphore, #tpu.memory_space<semaphore_mem>>) src(%arg8 : memref<16384xf32, #tpu.memory_space<vmem>>) dst(%dma_wait3A_389 : memref<16384xf32, #tpu.memory_space<hbm>>)
    %parallel_loop3A_390 = arith.constant 0 : i32
    %parallel_loop3A_391 = arith.constant 1024 : i32
    %parallel_loop3A_392 = arith.constant 1 : i32
    scf.for %parallel_loop3A_864 = %parallel_loop3A_390 to %parallel_loop3A_391 step %parallel_loop3A_392  : i32 {
      %parallel_loop3A_865 = arith.constant 16 : i32
      %parallel_loop3A_866 = arith.muli %parallel_loop3A_864, %parallel_loop3A_865 : i32
      %parallel_loop3A_867 = arith.index_cast %parallel_loop3A_866 : i32 to index
      %parallel_loop3A_868 = tpu.vector_load %arg5[%parallel_loop3A_867] {strides = array<i32>} : memref<16384xi32, #tpu.memory_space<vmem>>, vector<16xi32>,
      %parallel_loop3A_869 = tpu.vector_load_idx %arg6[%parallel_loop3A_868] : memref<2048xf32, #tpu.memory_space<vmem>>[vector<16xi32>], vector<16xf32>,
      %parallel_loop3A_870 = arith.index_cast %parallel_loop3A_866 : i32 to index
      %parallel_loop3A_871 = tpu.vector_load %arg8[%parallel_loop3A_870] {strides = array<i32>} : memref<16384xf32, #tpu.memory_space<vmem>>, vector<16xf32>,
      tpu.vector_store %arg8[%parallel_loop3A_870], %parallel_loop3A_869 {strides = array<i32>} : memref<16384xf32, #tpu.memory_space<vmem>>, vector<16xf32>,
    } {sc.loop_unroll_factor = 8 : i64, sc.parallel_access}
    %add3A_393 = arith.constant 14 : i32
    %add3A_394 = arith.addi %mul3A_2, %add3A_393 : i32
    %mul3A_395 = arith.constant 16384 : i32
    %mul3A_396 = arith.muli %add3A_394, %mul3A_395 : i32
    %dma_start3A_397 = tpu.memref_slice %arg4[%mul3A_396] : memref<16777216xf32, #tpu.memory_space<hbm>> -> memref<16384xf32, #tpu.memory_space<hbm>>
    %dma_start3A_398 = tpu.memref_slice %arg4[%mul3A_396] : memref<16777216xf32, #tpu.memory_space<hbm>> -> memref<16384xf32, #tpu.memory_space<hbm>>
    tpu.enqueue_dma source(%arg8 : memref<16384xf32, #tpu.memory_space<vmem>>) target(%dma_start3A_398 : memref<16384xf32, #tpu.memory_space<hbm>>) target_semaphore(%arg12 : memref<!tpu.dma_semaphore, #tpu.memory_space<semaphore_mem>>)
    %add3A_399 = arith.constant 15 : i32
    %add3A_400 = arith.addi %mul3A_2, %add3A_399 : i32
    %mul3A_401 = arith.constant 2048 : i32
    %mul3A_402 = arith.muli %add3A_400, %mul3A_401 : i32
    %dma_wait3A_403 = tpu.memref_slice %arg2[%mul3A_402] : memref<2097152xf32, #tpu.memory_space<hbm>> -> memref<2048xf32, #tpu.memory_space<hbm>>
    %dma_wait3A_404 = tpu.memref_slice %arg2[%mul3A_402] : memref<2097152xf32, #tpu.memory_space<hbm>> -> memref<2048xf32, #tpu.memory_space<hbm>>
    tpu.wait_dma2 semaphore(%arg11 : memref<!tpu.dma_semaphore, #tpu.memory_space<semaphore_mem>>) src(%dma_wait3A_404 : memref<2048xf32, #tpu.memory_space<hbm>>) dst(%arg7 : memref<2048xf32, #tpu.memory_space<vmem>>)
    %add3A_405 = arith.constant 16 : i32
    %add3A_406 = arith.addi %mul3A_2, %add3A_405 : i32
    %mul3A_407 = arith.constant 2048 : i32
    %mul3A_408 = arith.muli %add3A_406, %mul3A_407 : i32
    %dma_start3A_409 = tpu.memref_slice %arg2[%mul3A_408] : memref<2097152xf32, #tpu.memory_space<hbm>> -> memref<2048xf32, #tpu.memory_space<hbm>>
    %dma_start3A_410 = tpu.memref_slice %arg2[%mul3A_408] : memref<2097152xf32, #tpu.memory_space<hbm>> -> memref<2048xf32, #tpu.memory_space<hbm>>
    tpu.enqueue_dma source(%dma_start3A_410 : memref<2048xf32, #tpu.memory_space<hbm>>) target(%arg6 : memref<2048xf32, #tpu.memory_space<vmem>>) target_semaphore(%arg10 : memref<!tpu.dma_semaphore, #tpu.memory_space<semaphore_mem>>)
    %add3A_411 = arith.constant 13 : i32
    %add3A_412 = arith.addi %mul3A_2, %add3A_411 : i32
    %mul3A_413 = arith.constant 16384 : i32
    %mul3A_414 = arith.muli %add3A_412, %mul3A_413 : i32
    %dma_wait3A_415 = tpu.memref_slice %arg4[%mul3A_414] : memref<16777216xf32, #tpu.memory_space<hbm>> -> memref<16384xf32, #tpu.memory_space<hbm>>
    %dma_wait3A_416 = tpu.memref_slice %arg4[%mul3A_414] : memref<16777216xf32, #tpu.memory_space<hbm>> -> memref<16384xf32, #tpu.memory_space<hbm>>
    tpu.wait_dma2 semaphore(%arg13 : memref<!tpu.dma_semaphore, #tpu.memory_space<semaphore_mem>>) src(%arg9 : memref<16384xf32, #tpu.memory_space<vmem>>) dst(%dma_wait3A_416 : memref<16384xf32, #tpu.memory_space<hbm>>)
    %parallel_loop3A_417 = arith.constant 0 : i32
    %parallel_loop3A_418 = arith.constant 1024 : i32
    %parallel_loop3A_419 = arith.constant 1 : i32
    scf.for %parallel_loop3A_864 = %parallel_loop3A_417 to %parallel_loop3A_418 step %parallel_loop3A_419  : i32 {
      %parallel_loop3A_865 = arith.constant 16 : i32
      %parallel_loop3A_866 = arith.muli %parallel_loop3A_864, %parallel_loop3A_865 : i32
      %parallel_loop3A_867 = arith.index_cast %parallel_loop3A_866 : i32 to index
      %parallel_loop3A_868 = tpu.vector_load %arg5[%parallel_loop3A_867] {strides = array<i32>} : memref<16384xi32, #tpu.memory_space<vmem>>, vector<16xi32>,
      %parallel_loop3A_869 = tpu.vector_load_idx %arg7[%parallel_loop3A_868] : memref<2048xf32, #tpu.memory_space<vmem>>[vector<16xi32>], vector<16xf32>,
      %parallel_loop3A_870 = arith.index_cast %parallel_loop3A_866 : i32 to index
      %parallel_loop3A_871 = tpu.vector_load %arg9[%parallel_loop3A_870] {strides = array<i32>} : memref<16384xf32, #tpu.memory_space<vmem>>, vector<16xf32>,
      tpu.vector_store %arg9[%parallel_loop3A_870], %parallel_loop3A_869 {strides = array<i32>} : memref<16384xf32, #tpu.memory_space<vmem>>, vector<16xf32>,
    } {sc.loop_unroll_factor = 8 : i64, sc.parallel_access}
    %add3A_420 = arith.constant 15 : i32
    %add3A_421 = arith.addi %mul3A_2, %add3A_420 : i32
    %mul3A_422 = arith.constant 16384 : i32
    %mul3A_423 = arith.muli %add3A_421, %mul3A_422 : i32
    %dma_start3A_424 = tpu.memref_slice %arg4[%mul3A_423] : memref<16777216xf32, #tpu.memory_space<hbm>> -> memref<16384xf32, #tpu.memory_space<hbm>>
    %dma_start3A_425 = tpu.memref_slice %arg4[%mul3A_423] : memref<16777216xf32, #tpu.memory_space<hbm>> -> memref<16384xf32, #tpu.memory_space<hbm>>
    tpu.enqueue_dma source(%arg9 : memref<16384xf32, #tpu.memory_space<vmem>>) target(%dma_start3A_425 : memref<16384xf32, #tpu.memory_space<hbm>>) target_semaphore(%arg13 : memref<!tpu.dma_semaphore, #tpu.memory_space<semaphore_mem>>)
    %add3A_426 = arith.constant 16 : i32
    %add3A_427 = arith.addi %mul3A_2, %add3A_426 : i32
    %mul3A_428 = arith.constant 2048 : i32
    %mul3A_429 = arith.muli %add3A_427, %mul3A_428 : i32
    %dma_wait3A_430 = tpu.memref_slice %arg2[%mul3A_429] : memref<2097152xf32, #tpu.memory_space<hbm>> -> memref<2048xf32, #tpu.memory_space<hbm>>
    %dma_wait3A_431 = tpu.memref_slice %arg2[%mul3A_429] : memref<2097152xf32, #tpu.memory_space<hbm>> -> memref<2048xf32, #tpu.memory_space<hbm>>
    tpu.wait_dma2 semaphore(%arg10 : memref<!tpu.dma_semaphore, #tpu.memory_space<semaphore_mem>>) src(%dma_wait3A_431 : memref<2048xf32, #tpu.memory_space<hbm>>) dst(%arg6 : memref<2048xf32, #tpu.memory_space<vmem>>)
    %add3A_432 = arith.constant 17 : i32
    %add3A_433 = arith.addi %mul3A_2, %add3A_432 : i32
    %mul3A_434 = arith.constant 2048 : i32
    %mul3A_435 = arith.muli %add3A_433, %mul3A_434 : i32
    %dma_start3A_436 = tpu.memref_slice %arg2[%mul3A_435] : memref<2097152xf32, #tpu.memory_space<hbm>> -> memref<2048xf32, #tpu.memory_space<hbm>>
    %dma_start3A_437 = tpu.memref_slice %arg2[%mul3A_435] : memref<2097152xf32, #tpu.memory_space<hbm>> -> memref<2048xf32, #tpu.memory_space<hbm>>
    tpu.enqueue_dma source(%dma_start3A_437 : memref<2048xf32, #tpu.memory_space<hbm>>) target(%arg7 : memref<2048xf32, #tpu.memory_space<vmem>>) target_semaphore(%arg11 : memref<!tpu.dma_semaphore, #tpu.memory_space<semaphore_mem>>)
    %add3A_438 = arith.constant 14 : i32
    %add3A_439 = arith.addi %mul3A_2, %add3A_438 : i32
    %mul3A_440 = arith.constant 16384 : i32
    %mul3A_441 = arith.muli %add3A_439, %mul3A_440 : i32
    %dma_wait3A_442 = tpu.memref_slice %arg4[%mul3A_441] : memref<16777216xf32, #tpu.memory_space<hbm>> -> memref<16384xf32, #tpu.memory_space<hbm>>
    %dma_wait3A_443 = tpu.memref_slice %arg4[%mul3A_441] : memref<16777216xf32, #tpu.memory_space<hbm>> -> memref<16384xf32, #tpu.memory_space<hbm>>
    tpu.wait_dma2 semaphore(%arg12 : memref<!tpu.dma_semaphore, #tpu.memory_space<semaphore_mem>>) src(%arg8 : memref<16384xf32, #tpu.memory_space<vmem>>) dst(%dma_wait3A_443 : memref<16384xf32, #tpu.memory_space<hbm>>)
    %parallel_loop3A_444 = arith.constant 0 : i32
    %parallel_loop3A_445 = arith.constant 1024 : i32
    %parallel_loop3A_446 = arith.constant 1 : i32
    scf.for %parallel_loop3A_864 = %parallel_loop3A_444 to %parallel_loop3A_445 step %parallel_loop3A_446  : i32 {
      %parallel_loop3A_865 = arith.constant 16 : i32
      %parallel_loop3A_866 = arith.muli %parallel_loop3A_864, %parallel_loop3A_865 : i32
      %parallel_loop3A_867 = arith.index_cast %parallel_loop3A_866 : i32 to index
      %parallel_loop3A_868 = tpu.vector_load %arg5[%parallel_loop3A_867] {strides = array<i32>} : memref<16384xi32, #tpu.memory_space<vmem>>, vector<16xi32>,
      %parallel_loop3A_869 = tpu.vector_load_idx %arg6[%parallel_loop3A_868] : memref<2048xf32, #tpu.memory_space<vmem>>[vector<16xi32>], vector<16xf32>,
      %parallel_loop3A_870 = arith.index_cast %parallel_loop3A_866 : i32 to index
      %parallel_loop3A_871 = tpu.vector_load %arg8[%parallel_loop3A_870] {strides = array<i32>} : memref<16384xf32, #tpu.memory_space<vmem>>, vector<16xf32>,
      tpu.vector_store %arg8[%parallel_loop3A_870], %parallel_loop3A_869 {strides = array<i32>} : memref<16384xf32, #tpu.memory_space<vmem>>, vector<16xf32>,
    } {sc.loop_unroll_factor = 8 : i64, sc.parallel_access}
    %add3A_447 = arith.constant 16 : i32
    %add3A_448 = arith.addi %mul3A_2, %add3A_447 : i32
    %mul3A_449 = arith.constant 16384 : i32
    %mul3A_450 = arith.muli %add3A_448, %mul3A_449 : i32
    %dma_start3A_451 = tpu.memref_slice %arg4[%mul3A_450] : memref<16777216xf32, #tpu.memory_space<hbm>> -> memref<16384xf32, #tpu.memory_space<hbm>>
    %dma_start3A_452 = tpu.memref_slice %arg4[%mul3A_450] : memref<16777216xf32, #tpu.memory_space<hbm>> -> memref<16384xf32, #tpu.memory_space<hbm>>
    tpu.enqueue_dma source(%arg8 : memref<16384xf32, #tpu.memory_space<vmem>>) target(%dma_start3A_452 : memref<16384xf32, #tpu.memory_space<hbm>>) target_semaphore(%arg12 : memref<!tpu.dma_semaphore, #tpu.memory_space<semaphore_mem>>)
    %add3A_453 = arith.constant 17 : i32
    %add3A_454 = arith.addi %mul3A_2, %add3A_453 : i32
    %mul3A_455 = arith.constant 2048 : i32
    %mul3A_456 = arith.muli %add3A_454, %mul3A_455 : i32
    %dma_wait3A_457 = tpu.memref_slice %arg2[%mul3A_456] : memref<2097152xf32, #tpu.memory_space<hbm>> -> memref<2048xf32, #tpu.memory_space<hbm>>
    %dma_wait3A_458 = tpu.memref_slice %arg2[%mul3A_456] : memref<2097152xf32, #tpu.memory_space<hbm>> -> memref<2048xf32, #tpu.memory_space<hbm>>
    tpu.wait_dma2 semaphore(%arg11 : memref<!tpu.dma_semaphore, #tpu.memory_space<semaphore_mem>>) src(%dma_wait3A_458 : memref<2048xf32, #tpu.memory_space<hbm>>) dst(%arg7 : memref<2048xf32, #tpu.memory_space<vmem>>)
    %add3A_459 = arith.constant 18 : i32
    %add3A_460 = arith.addi %mul3A_2, %add3A_459 : i32
    %mul3A_461 = arith.constant 2048 : i32
    %mul3A_462 = arith.muli %add3A_460, %mul3A_461 : i32
    %dma_start3A_463 = tpu.memref_slice %arg2[%mul3A_462] : memref<2097152xf32, #tpu.memory_space<hbm>> -> memref<2048xf32, #tpu.memory_space<hbm>>
    %dma_start3A_464 = tpu.memref_slice %arg2[%mul3A_462] : memref<2097152xf32, #tpu.memory_space<hbm>> -> memref<2048xf32, #tpu.memory_space<hbm>>
    tpu.enqueue_dma source(%dma_start3A_464 : memref<2048xf32, #tpu.memory_space<hbm>>) target(%arg6 : memref<2048xf32, #tpu.memory_space<vmem>>) target_semaphore(%arg10 : memref<!tpu.dma_semaphore, #tpu.memory_space<semaphore_mem>>)
    %add3A_465 = arith.constant 15 : i32
    %add3A_466 = arith.addi %mul3A_2, %add3A_465 : i32
    %mul3A_467 = arith.constant 16384 : i32
    %mul3A_468 = arith.muli %add3A_466, %mul3A_467 : i32
    %dma_wait3A_469 = tpu.memref_slice %arg4[%mul3A_468] : memref<16777216xf32, #tpu.memory_space<hbm>> -> memref<16384xf32, #tpu.memory_space<hbm>>
    %dma_wait3A_470 = tpu.memref_slice %arg4[%mul3A_468] : memref<16777216xf32, #tpu.memory_space<hbm>> -> memref<16384xf32, #tpu.memory_space<hbm>>
    tpu.wait_dma2 semaphore(%arg13 : memref<!tpu.dma_semaphore, #tpu.memory_space<semaphore_mem>>) src(%arg9 : memref<16384xf32, #tpu.memory_space<vmem>>) dst(%dma_wait3A_470 : memref<16384xf32, #tpu.memory_space<hbm>>)
    %parallel_loop3A_471 = arith.constant 0 : i32
    %parallel_loop3A_472 = arith.constant 1024 : i32
    %parallel_loop3A_473 = arith.constant 1 : i32
    scf.for %parallel_loop3A_864 = %parallel_loop3A_471 to %parallel_loop3A_472 step %parallel_loop3A_473  : i32 {
      %parallel_loop3A_865 = arith.constant 16 : i32
      %parallel_loop3A_866 = arith.muli %parallel_loop3A_864, %parallel_loop3A_865 : i32
      %parallel_loop3A_867 = arith.index_cast %parallel_loop3A_866 : i32 to index
      %parallel_loop3A_868 = tpu.vector_load %arg5[%parallel_loop3A_867] {strides = array<i32>} : memref<16384xi32, #tpu.memory_space<vmem>>, vector<16xi32>,
      %parallel_loop3A_869 = tpu.vector_load_idx %arg7[%parallel_loop3A_868] : memref<2048xf32, #tpu.memory_space<vmem>>[vector<16xi32>], vector<16xf32>,
      %parallel_loop3A_870 = arith.index_cast %parallel_loop3A_866 : i32 to index
      %parallel_loop3A_871 = tpu.vector_load %arg9[%parallel_loop3A_870] {strides = array<i32>} : memref<16384xf32, #tpu.memory_space<vmem>>, vector<16xf32>,
      tpu.vector_store %arg9[%parallel_loop3A_870], %parallel_loop3A_869 {strides = array<i32>} : memref<16384xf32, #tpu.memory_space<vmem>>, vector<16xf32>,
    } {sc.loop_unroll_factor = 8 : i64, sc.parallel_access}
    %add3A_474 = arith.constant 17 : i32
    %add3A_475 = arith.addi %mul3A_2, %add3A_474 : i32
    %mul3A_476 = arith.constant 16384 : i32
    %mul3A_477 = arith.muli %add3A_475, %mul3A_476 : i32
    %dma_start3A_478 = tpu.memref_slice %arg4[%mul3A_477] : memref<16777216xf32, #tpu.memory_space<hbm>> -> memref<16384xf32, #tpu.memory_space<hbm>>
    %dma_start3A_479 = tpu.memref_slice %arg4[%mul3A_477] : memref<16777216xf32, #tpu.memory_space<hbm>> -> memref<16384xf32, #tpu.memory_space<hbm>>
    tpu.enqueue_dma source(%arg9 : memref<16384xf32, #tpu.memory_space<vmem>>) target(%dma_start3A_479 : memref<16384xf32, #tpu.memory_space<hbm>>) target_semaphore(%arg13 : memref<!tpu.dma_semaphore, #tpu.memory_space<semaphore_mem>>)
    %add3A_480 = arith.constant 18 : i32
    %add3A_481 = arith.addi %mul3A_2, %add3A_480 : i32
    %mul3A_482 = arith.constant 2048 : i32
    %mul3A_483 = arith.muli %add3A_481, %mul3A_482 : i32
    %dma_wait3A_484 = tpu.memref_slice %arg2[%mul3A_483] : memref<2097152xf32, #tpu.memory_space<hbm>> -> memref<2048xf32, #tpu.memory_space<hbm>>
    %dma_wait3A_485 = tpu.memref_slice %arg2[%mul3A_483] : memref<2097152xf32, #tpu.memory_space<hbm>> -> memref<2048xf32, #tpu.memory_space<hbm>>
    tpu.wait_dma2 semaphore(%arg10 : memref<!tpu.dma_semaphore, #tpu.memory_space<semaphore_mem>>) src(%dma_wait3A_485 : memref<2048xf32, #tpu.memory_space<hbm>>) dst(%arg6 : memref<2048xf32, #tpu.memory_space<vmem>>)
    %add3A_486 = arith.constant 19 : i32
    %add3A_487 = arith.addi %mul3A_2, %add3A_486 : i32
    %mul3A_488 = arith.constant 2048 : i32
    %mul3A_489 = arith.muli %add3A_487, %mul3A_488 : i32
    %dma_start3A_490 = tpu.memref_slice %arg2[%mul3A_489] : memref<2097152xf32, #tpu.memory_space<hbm>> -> memref<2048xf32, #tpu.memory_space<hbm>>
    %dma_start3A_491 = tpu.memref_slice %arg2[%mul3A_489] : memref<2097152xf32, #tpu.memory_space<hbm>> -> memref<2048xf32, #tpu.memory_space<hbm>>
    tpu.enqueue_dma source(%dma_start3A_491 : memref<2048xf32, #tpu.memory_space<hbm>>) target(%arg7 : memref<2048xf32, #tpu.memory_space<vmem>>) target_semaphore(%arg11 : memref<!tpu.dma_semaphore, #tpu.memory_space<semaphore_mem>>)
    %add3A_492 = arith.constant 16 : i32
    %add3A_493 = arith.addi %mul3A_2, %add3A_492 : i32
    %mul3A_494 = arith.constant 16384 : i32
    %mul3A_495 = arith.muli %add3A_493, %mul3A_494 : i32
    %dma_wait3A_496 = tpu.memref_slice %arg4[%mul3A_495] : memref<16777216xf32, #tpu.memory_space<hbm>> -> memref<16384xf32, #tpu.memory_space<hbm>>
    %dma_wait3A_497 = tpu.memref_slice %arg4[%mul3A_495] : memref<16777216xf32, #tpu.memory_space<hbm>> -> memref<16384xf32, #tpu.memory_space<hbm>>
    tpu.wait_dma2 semaphore(%arg12 : memref<!tpu.dma_semaphore, #tpu.memory_space<semaphore_mem>>) src(%arg8 : memref<16384xf32, #tpu.memory_space<vmem>>) dst(%dma_wait3A_497 : memref<16384xf32, #tpu.memory_space<hbm>>)
    %parallel_loop3A_498 = arith.constant 0 : i32
    %parallel_loop3A_499 = arith.constant 1024 : i32
    %parallel_loop3A_500 = arith.constant 1 : i32
    scf.for %parallel_loop3A_864 = %parallel_loop3A_498 to %parallel_loop3A_499 step %parallel_loop3A_500  : i32 {
      %parallel_loop3A_865 = arith.constant 16 : i32
      %parallel_loop3A_866 = arith.muli %parallel_loop3A_864, %parallel_loop3A_865 : i32
      %parallel_loop3A_867 = arith.index_cast %parallel_loop3A_866 : i32 to index
      %parallel_loop3A_868 = tpu.vector_load %arg5[%parallel_loop3A_867] {strides = array<i32>} : memref<16384xi32, #tpu.memory_space<vmem>>, vector<16xi32>,
      %parallel_loop3A_869 = tpu.vector_load_idx %arg6[%parallel_loop3A_868] : memref<2048xf32, #tpu.memory_space<vmem>>[vector<16xi32>], vector<16xf32>,
      %parallel_loop3A_870 = arith.index_cast %parallel_loop3A_866 : i32 to index
      %parallel_loop3A_871 = tpu.vector_load %arg8[%parallel_loop3A_870] {strides = array<i32>} : memref<16384xf32, #tpu.memory_space<vmem>>, vector<16xf32>,
      tpu.vector_store %arg8[%parallel_loop3A_870], %parallel_loop3A_869 {strides = array<i32>} : memref<16384xf32, #tpu.memory_space<vmem>>, vector<16xf32>,
    } {sc.loop_unroll_factor = 8 : i64, sc.parallel_access}
    %add3A_501 = arith.constant 18 : i32
    %add3A_502 = arith.addi %mul3A_2, %add3A_501 : i32
    %mul3A_503 = arith.constant 16384 : i32
    %mul3A_504 = arith.muli %add3A_502, %mul3A_503 : i32
    %dma_start3A_505 = tpu.memref_slice %arg4[%mul3A_504] : memref<16777216xf32, #tpu.memory_space<hbm>> -> memref<16384xf32, #tpu.memory_space<hbm>>
    %dma_start3A_506 = tpu.memref_slice %arg4[%mul3A_504] : memref<16777216xf32, #tpu.memory_space<hbm>> -> memref<16384xf32, #tpu.memory_space<hbm>>
    tpu.enqueue_dma source(%arg8 : memref<16384xf32, #tpu.memory_space<vmem>>) target(%dma_start3A_506 : memref<16384xf32, #tpu.memory_space<hbm>>) target_semaphore(%arg12 : memref<!tpu.dma_semaphore, #tpu.memory_space<semaphore_mem>>)
    %add3A_507 = arith.constant 19 : i32
    %add3A_508 = arith.addi %mul3A_2, %add3A_507 : i32
    %mul3A_509 = arith.constant 2048 : i32
    %mul3A_510 = arith.muli %add3A_508, %mul3A_509 : i32
    %dma_wait3A_511 = tpu.memref_slice %arg2[%mul3A_510] : memref<2097152xf32, #tpu.memory_space<hbm>> -> memref<2048xf32, #tpu.memory_space<hbm>>
    %dma_wait3A_512 = tpu.memref_slice %arg2[%mul3A_510] : memref<2097152xf32, #tpu.memory_space<hbm>> -> memref<2048xf32, #tpu.memory_space<hbm>>
    tpu.wait_dma2 semaphore(%arg11 : memref<!tpu.dma_semaphore, #tpu.memory_space<semaphore_mem>>) src(%dma_wait3A_512 : memref<2048xf32, #tpu.memory_space<hbm>>) dst(%arg7 : memref<2048xf32, #tpu.memory_space<vmem>>)
    %add3A_513 = arith.constant 20 : i32
    %add3A_514 = arith.addi %mul3A_2, %add3A_513 : i32
    %mul3A_515 = arith.constant 2048 : i32
    %mul3A_516 = arith.muli %add3A_514, %mul3A_515 : i32
    %dma_start3A_517 = tpu.memref_slice %arg2[%mul3A_516] : memref<2097152xf32, #tpu.memory_space<hbm>> -> memref<2048xf32, #tpu.memory_space<hbm>>
    %dma_start3A_518 = tpu.memref_slice %arg2[%mul3A_516] : memref<2097152xf32, #tpu.memory_space<hbm>> -> memref<2048xf32, #tpu.memory_space<hbm>>
    tpu.enqueue_dma source(%dma_start3A_518 : memref<2048xf32, #tpu.memory_space<hbm>>) target(%arg6 : memref<2048xf32, #tpu.memory_space<vmem>>) target_semaphore(%arg10 : memref<!tpu.dma_semaphore, #tpu.memory_space<semaphore_mem>>)
    %add3A_519 = arith.constant 17 : i32
    %add3A_520 = arith.addi %mul3A_2, %add3A_519 : i32
    %mul3A_521 = arith.constant 16384 : i32
    %mul3A_522 = arith.muli %add3A_520, %mul3A_521 : i32
    %dma_wait3A_523 = tpu.memref_slice %arg4[%mul3A_522] : memref<16777216xf32, #tpu.memory_space<hbm>> -> memref<16384xf32, #tpu.memory_space<hbm>>
    %dma_wait3A_524 = tpu.memref_slice %arg4[%mul3A_522] : memref<16777216xf32, #tpu.memory_space<hbm>> -> memref<16384xf32, #tpu.memory_space<hbm>>
    tpu.wait_dma2 semaphore(%arg13 : memref<!tpu.dma_semaphore, #tpu.memory_space<semaphore_mem>>) src(%arg9 : memref<16384xf32, #tpu.memory_space<vmem>>) dst(%dma_wait3A_524 : memref<16384xf32, #tpu.memory_space<hbm>>)
    %parallel_loop3A_525 = arith.constant 0 : i32
    %parallel_loop3A_526 = arith.constant 1024 : i32
    %parallel_loop3A_527 = arith.constant 1 : i32
    scf.for %parallel_loop3A_864 = %parallel_loop3A_525 to %parallel_loop3A_526 step %parallel_loop3A_527  : i32 {
      %parallel_loop3A_865 = arith.constant 16 : i32
      %parallel_loop3A_866 = arith.muli %parallel_loop3A_864, %parallel_loop3A_865 : i32
      %parallel_loop3A_867 = arith.index_cast %parallel_loop3A_866 : i32 to index
      %parallel_loop3A_868 = tpu.vector_load %arg5[%parallel_loop3A_867] {strides = array<i32>} : memref<16384xi32, #tpu.memory_space<vmem>>, vector<16xi32>,
      %parallel_loop3A_869 = tpu.vector_load_idx %arg7[%parallel_loop3A_868] : memref<2048xf32, #tpu.memory_space<vmem>>[vector<16xi32>], vector<16xf32>,
      %parallel_loop3A_870 = arith.index_cast %parallel_loop3A_866 : i32 to index
      %parallel_loop3A_871 = tpu.vector_load %arg9[%parallel_loop3A_870] {strides = array<i32>} : memref<16384xf32, #tpu.memory_space<vmem>>, vector<16xf32>,
      tpu.vector_store %arg9[%parallel_loop3A_870], %parallel_loop3A_869 {strides = array<i32>} : memref<16384xf32, #tpu.memory_space<vmem>>, vector<16xf32>,
    } {sc.loop_unroll_factor = 8 : i64, sc.parallel_access}
    %add3A_528 = arith.constant 19 : i32
    %add3A_529 = arith.addi %mul3A_2, %add3A_528 : i32
    %mul3A_530 = arith.constant 16384 : i32
    %mul3A_531 = arith.muli %add3A_529, %mul3A_530 : i32
    %dma_start3A_532 = tpu.memref_slice %arg4[%mul3A_531] : memref<16777216xf32, #tpu.memory_space<hbm>> -> memref<16384xf32, #tpu.memory_space<hbm>>
    %dma_start3A_533 = tpu.memref_slice %arg4[%mul3A_531] : memref<16777216xf32, #tpu.memory_space<hbm>> -> memref<16384xf32, #tpu.memory_space<hbm>>
    tpu.enqueue_dma source(%arg9 : memref<16384xf32, #tpu.memory_space<vmem>>) target(%dma_start3A_533 : memref<16384xf32, #tpu.memory_space<hbm>>) target_semaphore(%arg13 : memref<!tpu.dma_semaphore, #tpu.memory_space<semaphore_mem>>)
    %add3A_534 = arith.constant 20 : i32
    %add3A_535 = arith.addi %mul3A_2, %add3A_534 : i32
    %mul3A_536 = arith.constant 2048 : i32
    %mul3A_537 = arith.muli %add3A_535, %mul3A_536 : i32
    %dma_wait3A_538 = tpu.memref_slice %arg2[%mul3A_537] : memref<2097152xf32, #tpu.memory_space<hbm>> -> memref<2048xf32, #tpu.memory_space<hbm>>
    %dma_wait3A_539 = tpu.memref_slice %arg2[%mul3A_537] : memref<2097152xf32, #tpu.memory_space<hbm>> -> memref<2048xf32, #tpu.memory_space<hbm>>
    tpu.wait_dma2 semaphore(%arg10 : memref<!tpu.dma_semaphore, #tpu.memory_space<semaphore_mem>>) src(%dma_wait3A_539 : memref<2048xf32, #tpu.memory_space<hbm>>) dst(%arg6 : memref<2048xf32, #tpu.memory_space<vmem>>)
    %add3A_540 = arith.constant 21 : i32
    %add3A_541 = arith.addi %mul3A_2, %add3A_540 : i32
    %mul3A_542 = arith.constant 2048 : i32
    %mul3A_543 = arith.muli %add3A_541, %mul3A_542 : i32
    %dma_start3A_544 = tpu.memref_slice %arg2[%mul3A_543] : memref<2097152xf32, #tpu.memory_space<hbm>> -> memref<2048xf32, #tpu.memory_space<hbm>>
    %dma_start3A_545 = tpu.memref_slice %arg2[%mul3A_543] : memref<2097152xf32, #tpu.memory_space<hbm>> -> memref<2048xf32, #tpu.memory_space<hbm>>
    tpu.enqueue_dma source(%dma_start3A_545 : memref<2048xf32, #tpu.memory_space<hbm>>) target(%arg7 : memref<2048xf32, #tpu.memory_space<vmem>>) target_semaphore(%arg11 : memref<!tpu.dma_semaphore, #tpu.memory_space<semaphore_mem>>)
    %add3A_546 = arith.constant 18 : i32
    %add3A_547 = arith.addi %mul3A_2, %add3A_546 : i32
    %mul3A_548 = arith.constant 16384 : i32
    %mul3A_549 = arith.muli %add3A_547, %mul3A_548 : i32
    %dma_wait3A_550 = tpu.memref_slice %arg4[%mul3A_549] : memref<16777216xf32, #tpu.memory_space<hbm>> -> memref<16384xf32, #tpu.memory_space<hbm>>
    %dma_wait3A_551 = tpu.memref_slice %arg4[%mul3A_549] : memref<16777216xf32, #tpu.memory_space<hbm>> -> memref<16384xf32, #tpu.memory_space<hbm>>
    tpu.wait_dma2 semaphore(%arg12 : memref<!tpu.dma_semaphore, #tpu.memory_space<semaphore_mem>>) src(%arg8 : memref<16384xf32, #tpu.memory_space<vmem>>) dst(%dma_wait3A_551 : memref<16384xf32, #tpu.memory_space<hbm>>)
    %parallel_loop3A_552 = arith.constant 0 : i32
    %parallel_loop3A_553 = arith.constant 1024 : i32
    %parallel_loop3A_554 = arith.constant 1 : i32
    scf.for %parallel_loop3A_864 = %parallel_loop3A_552 to %parallel_loop3A_553 step %parallel_loop3A_554  : i32 {
      %parallel_loop3A_865 = arith.constant 16 : i32
      %parallel_loop3A_866 = arith.muli %parallel_loop3A_864, %parallel_loop3A_865 : i32
      %parallel_loop3A_867 = arith.index_cast %parallel_loop3A_866 : i32 to index
      %parallel_loop3A_868 = tpu.vector_load %arg5[%parallel_loop3A_867] {strides = array<i32>} : memref<16384xi32, #tpu.memory_space<vmem>>, vector<16xi32>,
      %parallel_loop3A_869 = tpu.vector_load_idx %arg6[%parallel_loop3A_868] : memref<2048xf32, #tpu.memory_space<vmem>>[vector<16xi32>], vector<16xf32>,
      %parallel_loop3A_870 = arith.index_cast %parallel_loop3A_866 : i32 to index
      %parallel_loop3A_871 = tpu.vector_load %arg8[%parallel_loop3A_870] {strides = array<i32>} : memref<16384xf32, #tpu.memory_space<vmem>>, vector<16xf32>,
      tpu.vector_store %arg8[%parallel_loop3A_870], %parallel_loop3A_869 {strides = array<i32>} : memref<16384xf32, #tpu.memory_space<vmem>>, vector<16xf32>,
    } {sc.loop_unroll_factor = 8 : i64, sc.parallel_access}
    %add3A_555 = arith.constant 20 : i32
    %add3A_556 = arith.addi %mul3A_2, %add3A_555 : i32
    %mul3A_557 = arith.constant 16384 : i32
    %mul3A_558 = arith.muli %add3A_556, %mul3A_557 : i32
    %dma_start3A_559 = tpu.memref_slice %arg4[%mul3A_558] : memref<16777216xf32, #tpu.memory_space<hbm>> -> memref<16384xf32, #tpu.memory_space<hbm>>
    %dma_start3A_560 = tpu.memref_slice %arg4[%mul3A_558] : memref<16777216xf32, #tpu.memory_space<hbm>> -> memref<16384xf32, #tpu.memory_space<hbm>>
    tpu.enqueue_dma source(%arg8 : memref<16384xf32, #tpu.memory_space<vmem>>) target(%dma_start3A_560 : memref<16384xf32, #tpu.memory_space<hbm>>) target_semaphore(%arg12 : memref<!tpu.dma_semaphore, #tpu.memory_space<semaphore_mem>>)
    %add3A_561 = arith.constant 21 : i32
    %add3A_562 = arith.addi %mul3A_2, %add3A_561 : i32
    %mul3A_563 = arith.constant 2048 : i32
    %mul3A_564 = arith.muli %add3A_562, %mul3A_563 : i32
    %dma_wait3A_565 = tpu.memref_slice %arg2[%mul3A_564] : memref<2097152xf32, #tpu.memory_space<hbm>> -> memref<2048xf32, #tpu.memory_space<hbm>>
    %dma_wait3A_566 = tpu.memref_slice %arg2[%mul3A_564] : memref<2097152xf32, #tpu.memory_space<hbm>> -> memref<2048xf32, #tpu.memory_space<hbm>>
    tpu.wait_dma2 semaphore(%arg11 : memref<!tpu.dma_semaphore, #tpu.memory_space<semaphore_mem>>) src(%dma_wait3A_566 : memref<2048xf32, #tpu.memory_space<hbm>>) dst(%arg7 : memref<2048xf32, #tpu.memory_space<vmem>>)
    %add3A_567 = arith.constant 22 : i32
    %add3A_568 = arith.addi %mul3A_2, %add3A_567 : i32
    %mul3A_569 = arith.constant 2048 : i32
    %mul3A_570 = arith.muli %add3A_568, %mul3A_569 : i32
    %dma_start3A_571 = tpu.memref_slice %arg2[%mul3A_570] : memref<2097152xf32, #tpu.memory_space<hbm>> -> memref<2048xf32, #tpu.memory_space<hbm>>
    %dma_start3A_572 = tpu.memref_slice %arg2[%mul3A_570] : memref<2097152xf32, #tpu.memory_space<hbm>> -> memref<2048xf32, #tpu.memory_space<hbm>>
    tpu.enqueue_dma source(%dma_start3A_572 : memref<2048xf32, #tpu.memory_space<hbm>>) target(%arg6 : memref<2048xf32, #tpu.memory_space<vmem>>) target_semaphore(%arg10 : memref<!tpu.dma_semaphore, #tpu.memory_space<semaphore_mem>>)
    %add3A_573 = arith.constant 19 : i32
    %add3A_574 = arith.addi %mul3A_2, %add3A_573 : i32
    %mul3A_575 = arith.constant 16384 : i32
    %mul3A_576 = arith.muli %add3A_574, %mul3A_575 : i32
    %dma_wait3A_577 = tpu.memref_slice %arg4[%mul3A_576] : memref<16777216xf32, #tpu.memory_space<hbm>> -> memref<16384xf32, #tpu.memory_space<hbm>>
    %dma_wait3A_578 = tpu.memref_slice %arg4[%mul3A_576] : memref<16777216xf32, #tpu.memory_space<hbm>> -> memref<16384xf32, #tpu.memory_space<hbm>>
    tpu.wait_dma2 semaphore(%arg13 : memref<!tpu.dma_semaphore, #tpu.memory_space<semaphore_mem>>) src(%arg9 : memref<16384xf32, #tpu.memory_space<vmem>>) dst(%dma_wait3A_578 : memref<16384xf32, #tpu.memory_space<hbm>>)
    %parallel_loop3A_579 = arith.constant 0 : i32
    %parallel_loop3A_580 = arith.constant 1024 : i32
    %parallel_loop3A_581 = arith.constant 1 : i32
    scf.for %parallel_loop3A_864 = %parallel_loop3A_579 to %parallel_loop3A_580 step %parallel_loop3A_581  : i32 {
      %parallel_loop3A_865 = arith.constant 16 : i32
      %parallel_loop3A_866 = arith.muli %parallel_loop3A_864, %parallel_loop3A_865 : i32
      %parallel_loop3A_867 = arith.index_cast %parallel_loop3A_866 : i32 to index
      %parallel_loop3A_868 = tpu.vector_load %arg5[%parallel_loop3A_867] {strides = array<i32>} : memref<16384xi32, #tpu.memory_space<vmem>>, vector<16xi32>,
      %parallel_loop3A_869 = tpu.vector_load_idx %arg7[%parallel_loop3A_868] : memref<2048xf32, #tpu.memory_space<vmem>>[vector<16xi32>], vector<16xf32>,
      %parallel_loop3A_870 = arith.index_cast %parallel_loop3A_866 : i32 to index
      %parallel_loop3A_871 = tpu.vector_load %arg9[%parallel_loop3A_870] {strides = array<i32>} : memref<16384xf32, #tpu.memory_space<vmem>>, vector<16xf32>,
      tpu.vector_store %arg9[%parallel_loop3A_870], %parallel_loop3A_869 {strides = array<i32>} : memref<16384xf32, #tpu.memory_space<vmem>>, vector<16xf32>,
    } {sc.loop_unroll_factor = 8 : i64, sc.parallel_access}
    %add3A_582 = arith.constant 21 : i32
    %add3A_583 = arith.addi %mul3A_2, %add3A_582 : i32
    %mul3A_584 = arith.constant 16384 : i32
    %mul3A_585 = arith.muli %add3A_583, %mul3A_584 : i32
    %dma_start3A_586 = tpu.memref_slice %arg4[%mul3A_585] : memref<16777216xf32, #tpu.memory_space<hbm>> -> memref<16384xf32, #tpu.memory_space<hbm>>
    %dma_start3A_587 = tpu.memref_slice %arg4[%mul3A_585] : memref<16777216xf32, #tpu.memory_space<hbm>> -> memref<16384xf32, #tpu.memory_space<hbm>>
    tpu.enqueue_dma source(%arg9 : memref<16384xf32, #tpu.memory_space<vmem>>) target(%dma_start3A_587 : memref<16384xf32, #tpu.memory_space<hbm>>) target_semaphore(%arg13 : memref<!tpu.dma_semaphore, #tpu.memory_space<semaphore_mem>>)
    %add3A_588 = arith.constant 22 : i32
    %add3A_589 = arith.addi %mul3A_2, %add3A_588 : i32
    %mul3A_590 = arith.constant 2048 : i32
    %mul3A_591 = arith.muli %add3A_589, %mul3A_590 : i32
    %dma_wait3A_592 = tpu.memref_slice %arg2[%mul3A_591] : memref<2097152xf32, #tpu.memory_space<hbm>> -> memref<2048xf32, #tpu.memory_space<hbm>>
    %dma_wait3A_593 = tpu.memref_slice %arg2[%mul3A_591] : memref<2097152xf32, #tpu.memory_space<hbm>> -> memref<2048xf32, #tpu.memory_space<hbm>>
    tpu.wait_dma2 semaphore(%arg10 : memref<!tpu.dma_semaphore, #tpu.memory_space<semaphore_mem>>) src(%dma_wait3A_593 : memref<2048xf32, #tpu.memory_space<hbm>>) dst(%arg6 : memref<2048xf32, #tpu.memory_space<vmem>>)
    %add3A_594 = arith.constant 23 : i32
    %add3A_595 = arith.addi %mul3A_2, %add3A_594 : i32
    %mul3A_596 = arith.constant 2048 : i32
    %mul3A_597 = arith.muli %add3A_595, %mul3A_596 : i32
    %dma_start3A_598 = tpu.memref_slice %arg2[%mul3A_597] : memref<2097152xf32, #tpu.memory_space<hbm>> -> memref<2048xf32, #tpu.memory_space<hbm>>
    %dma_start3A_599 = tpu.memref_slice %arg2[%mul3A_597] : memref<2097152xf32, #tpu.memory_space<hbm>> -> memref<2048xf32, #tpu.memory_space<hbm>>
    tpu.enqueue_dma source(%dma_start3A_599 : memref<2048xf32, #tpu.memory_space<hbm>>) target(%arg7 : memref<2048xf32, #tpu.memory_space<vmem>>) target_semaphore(%arg11 : memref<!tpu.dma_semaphore, #tpu.memory_space<semaphore_mem>>)
    %add3A_600 = arith.constant 20 : i32
    %add3A_601 = arith.addi %mul3A_2, %add3A_600 : i32
    %mul3A_602 = arith.constant 16384 : i32
    %mul3A_603 = arith.muli %add3A_601, %mul3A_602 : i32
    %dma_wait3A_604 = tpu.memref_slice %arg4[%mul3A_603] : memref<16777216xf32, #tpu.memory_space<hbm>> -> memref<16384xf32, #tpu.memory_space<hbm>>
    %dma_wait3A_605 = tpu.memref_slice %arg4[%mul3A_603] : memref<16777216xf32, #tpu.memory_space<hbm>> -> memref<16384xf32, #tpu.memory_space<hbm>>
    tpu.wait_dma2 semaphore(%arg12 : memref<!tpu.dma_semaphore, #tpu.memory_space<semaphore_mem>>) src(%arg8 : memref<16384xf32, #tpu.memory_space<vmem>>) dst(%dma_wait3A_605 : memref<16384xf32, #tpu.memory_space<hbm>>)
    %parallel_loop3A_606 = arith.constant 0 : i32
    %parallel_loop3A_607 = arith.constant 1024 : i32
    %parallel_loop3A_608 = arith.constant 1 : i32
    scf.for %parallel_loop3A_864 = %parallel_loop3A_606 to %parallel_loop3A_607 step %parallel_loop3A_608  : i32 {
      %parallel_loop3A_865 = arith.constant 16 : i32
      %parallel_loop3A_866 = arith.muli %parallel_loop3A_864, %parallel_loop3A_865 : i32
      %parallel_loop3A_867 = arith.index_cast %parallel_loop3A_866 : i32 to index
      %parallel_loop3A_868 = tpu.vector_load %arg5[%parallel_loop3A_867] {strides = array<i32>} : memref<16384xi32, #tpu.memory_space<vmem>>, vector<16xi32>,
      %parallel_loop3A_869 = tpu.vector_load_idx %arg6[%parallel_loop3A_868] : memref<2048xf32, #tpu.memory_space<vmem>>[vector<16xi32>], vector<16xf32>,
      %parallel_loop3A_870 = arith.index_cast %parallel_loop3A_866 : i32 to index
      %parallel_loop3A_871 = tpu.vector_load %arg8[%parallel_loop3A_870] {strides = array<i32>} : memref<16384xf32, #tpu.memory_space<vmem>>, vector<16xf32>,
      tpu.vector_store %arg8[%parallel_loop3A_870], %parallel_loop3A_869 {strides = array<i32>} : memref<16384xf32, #tpu.memory_space<vmem>>, vector<16xf32>,
    } {sc.loop_unroll_factor = 8 : i64, sc.parallel_access}
    %add3A_609 = arith.constant 22 : i32
    %add3A_610 = arith.addi %mul3A_2, %add3A_609 : i32
    %mul3A_611 = arith.constant 16384 : i32
    %mul3A_612 = arith.muli %add3A_610, %mul3A_611 : i32
    %dma_start3A_613 = tpu.memref_slice %arg4[%mul3A_612] : memref<16777216xf32, #tpu.memory_space<hbm>> -> memref<16384xf32, #tpu.memory_space<hbm>>
    %dma_start3A_614 = tpu.memref_slice %arg4[%mul3A_612] : memref<16777216xf32, #tpu.memory_space<hbm>> -> memref<16384xf32, #tpu.memory_space<hbm>>
    tpu.enqueue_dma source(%arg8 : memref<16384xf32, #tpu.memory_space<vmem>>) target(%dma_start3A_614 : memref<16384xf32, #tpu.memory_space<hbm>>) target_semaphore(%arg12 : memref<!tpu.dma_semaphore, #tpu.memory_space<semaphore_mem>>)
    %add3A_615 = arith.constant 23 : i32
    %add3A_616 = arith.addi %mul3A_2, %add3A_615 : i32
    %mul3A_617 = arith.constant 2048 : i32
    %mul3A_618 = arith.muli %add3A_616, %mul3A_617 : i32
    %dma_wait3A_619 = tpu.memref_slice %arg2[%mul3A_618] : memref<2097152xf32, #tpu.memory_space<hbm>> -> memref<2048xf32, #tpu.memory_space<hbm>>
    %dma_wait3A_620 = tpu.memref_slice %arg2[%mul3A_618] : memref<2097152xf32, #tpu.memory_space<hbm>> -> memref<2048xf32, #tpu.memory_space<hbm>>
    tpu.wait_dma2 semaphore(%arg11 : memref<!tpu.dma_semaphore, #tpu.memory_space<semaphore_mem>>) src(%dma_wait3A_620 : memref<2048xf32, #tpu.memory_space<hbm>>) dst(%arg7 : memref<2048xf32, #tpu.memory_space<vmem>>)
    %add3A_621 = arith.constant 24 : i32
    %add3A_622 = arith.addi %mul3A_2, %add3A_621 : i32
    %mul3A_623 = arith.constant 2048 : i32
    %mul3A_624 = arith.muli %add3A_622, %mul3A_623 : i32
    %dma_start3A_625 = tpu.memref_slice %arg2[%mul3A_624] : memref<2097152xf32, #tpu.memory_space<hbm>> -> memref<2048xf32, #tpu.memory_space<hbm>>
    %dma_start3A_626 = tpu.memref_slice %arg2[%mul3A_624] : memref<2097152xf32, #tpu.memory_space<hbm>> -> memref<2048xf32, #tpu.memory_space<hbm>>
    tpu.enqueue_dma source(%dma_start3A_626 : memref<2048xf32, #tpu.memory_space<hbm>>) target(%arg6 : memref<2048xf32, #tpu.memory_space<vmem>>) target_semaphore(%arg10 : memref<!tpu.dma_semaphore, #tpu.memory_space<semaphore_mem>>)
    %add3A_627 = arith.constant 21 : i32
    %add3A_628 = arith.addi %mul3A_2, %add3A_627 : i32
    %mul3A_629 = arith.constant 16384 : i32
    %mul3A_630 = arith.muli %add3A_628, %mul3A_629 : i32
    %dma_wait3A_631 = tpu.memref_slice %arg4[%mul3A_630] : memref<16777216xf32, #tpu.memory_space<hbm>> -> memref<16384xf32, #tpu.memory_space<hbm>>
    %dma_wait3A_632 = tpu.memref_slice %arg4[%mul3A_630] : memref<16777216xf32, #tpu.memory_space<hbm>> -> memref<16384xf32, #tpu.memory_space<hbm>>
    tpu.wait_dma2 semaphore(%arg13 : memref<!tpu.dma_semaphore, #tpu.memory_space<semaphore_mem>>) src(%arg9 : memref<16384xf32, #tpu.memory_space<vmem>>) dst(%dma_wait3A_632 : memref<16384xf32, #tpu.memory_space<hbm>>)
    %parallel_loop3A_633 = arith.constant 0 : i32
    %parallel_loop3A_634 = arith.constant 1024 : i32
    %parallel_loop3A_635 = arith.constant 1 : i32
    scf.for %parallel_loop3A_864 = %parallel_loop3A_633 to %parallel_loop3A_634 step %parallel_loop3A_635  : i32 {
      %parallel_loop3A_865 = arith.constant 16 : i32
      %parallel_loop3A_866 = arith.muli %parallel_loop3A_864, %parallel_loop3A_865 : i32
      %parallel_loop3A_867 = arith.index_cast %parallel_loop3A_866 : i32 to index
      %parallel_loop3A_868 = tpu.vector_load %arg5[%parallel_loop3A_867] {strides = array<i32>} : memref<16384xi32, #tpu.memory_space<vmem>>, vector<16xi32>,
      %parallel_loop3A_869 = tpu.vector_load_idx %arg7[%parallel_loop3A_868] : memref<2048xf32, #tpu.memory_space<vmem>>[vector<16xi32>], vector<16xf32>,
      %parallel_loop3A_870 = arith.index_cast %parallel_loop3A_866 : i32 to index
      %parallel_loop3A_871 = tpu.vector_load %arg9[%parallel_loop3A_870] {strides = array<i32>} : memref<16384xf32, #tpu.memory_space<vmem>>, vector<16xf32>,
      tpu.vector_store %arg9[%parallel_loop3A_870], %parallel_loop3A_869 {strides = array<i32>} : memref<16384xf32, #tpu.memory_space<vmem>>, vector<16xf32>,
    } {sc.loop_unroll_factor = 8 : i64, sc.parallel_access}
    %add3A_636 = arith.constant 23 : i32
    %add3A_637 = arith.addi %mul3A_2, %add3A_636 : i32
    %mul3A_638 = arith.constant 16384 : i32
    %mul3A_639 = arith.muli %add3A_637, %mul3A_638 : i32
    %dma_start3A_640 = tpu.memref_slice %arg4[%mul3A_639] : memref<16777216xf32, #tpu.memory_space<hbm>> -> memref<16384xf32, #tpu.memory_space<hbm>>
    %dma_start3A_641 = tpu.memref_slice %arg4[%mul3A_639] : memref<16777216xf32, #tpu.memory_space<hbm>> -> memref<16384xf32, #tpu.memory_space<hbm>>
    tpu.enqueue_dma source(%arg9 : memref<16384xf32, #tpu.memory_space<vmem>>) target(%dma_start3A_641 : memref<16384xf32, #tpu.memory_space<hbm>>) target_semaphore(%arg13 : memref<!tpu.dma_semaphore, #tpu.memory_space<semaphore_mem>>)
    %add3A_642 = arith.constant 24 : i32
    %add3A_643 = arith.addi %mul3A_2, %add3A_642 : i32
    %mul3A_644 = arith.constant 2048 : i32
    %mul3A_645 = arith.muli %add3A_643, %mul3A_644 : i32
    %dma_wait3A_646 = tpu.memref_slice %arg2[%mul3A_645] : memref<2097152xf32, #tpu.memory_space<hbm>> -> memref<2048xf32, #tpu.memory_space<hbm>>
    %dma_wait3A_647 = tpu.memref_slice %arg2[%mul3A_645] : memref<2097152xf32, #tpu.memory_space<hbm>> -> memref<2048xf32, #tpu.memory_space<hbm>>
    tpu.wait_dma2 semaphore(%arg10 : memref<!tpu.dma_semaphore, #tpu.memory_space<semaphore_mem>>) src(%dma_wait3A_647 : memref<2048xf32, #tpu.memory_space<hbm>>) dst(%arg6 : memref<2048xf32, #tpu.memory_space<vmem>>)
    %add3A_648 = arith.constant 25 : i32
    %add3A_649 = arith.addi %mul3A_2, %add3A_648 : i32
    %mul3A_650 = arith.constant 2048 : i32
    %mul3A_651 = arith.muli %add3A_649, %mul3A_650 : i32
    %dma_start3A_652 = tpu.memref_slice %arg2[%mul3A_651] : memref<2097152xf32, #tpu.memory_space<hbm>> -> memref<2048xf32, #tpu.memory_space<hbm>>
    %dma_start3A_653 = tpu.memref_slice %arg2[%mul3A_651] : memref<2097152xf32, #tpu.memory_space<hbm>> -> memref<2048xf32, #tpu.memory_space<hbm>>
    tpu.enqueue_dma source(%dma_start3A_653 : memref<2048xf32, #tpu.memory_space<hbm>>) target(%arg7 : memref<2048xf32, #tpu.memory_space<vmem>>) target_semaphore(%arg11 : memref<!tpu.dma_semaphore, #tpu.memory_space<semaphore_mem>>)
    %add3A_654 = arith.constant 22 : i32
    %add3A_655 = arith.addi %mul3A_2, %add3A_654 : i32
    %mul3A_656 = arith.constant 16384 : i32
    %mul3A_657 = arith.muli %add3A_655, %mul3A_656 : i32
    %dma_wait3A_658 = tpu.memref_slice %arg4[%mul3A_657] : memref<16777216xf32, #tpu.memory_space<hbm>> -> memref<16384xf32, #tpu.memory_space<hbm>>
    %dma_wait3A_659 = tpu.memref_slice %arg4[%mul3A_657] : memref<16777216xf32, #tpu.memory_space<hbm>> -> memref<16384xf32, #tpu.memory_space<hbm>>
    tpu.wait_dma2 semaphore(%arg12 : memref<!tpu.dma_semaphore, #tpu.memory_space<semaphore_mem>>) src(%arg8 : memref<16384xf32, #tpu.memory_space<vmem>>) dst(%dma_wait3A_659 : memref<16384xf32, #tpu.memory_space<hbm>>)
    %parallel_loop3A_660 = arith.constant 0 : i32
    %parallel_loop3A_661 = arith.constant 1024 : i32
    %parallel_loop3A_662 = arith.constant 1 : i32
    scf.for %parallel_loop3A_864 = %parallel_loop3A_660 to %parallel_loop3A_661 step %parallel_loop3A_662  : i32 {
      %parallel_loop3A_865 = arith.constant 16 : i32
      %parallel_loop3A_866 = arith.muli %parallel_loop3A_864, %parallel_loop3A_865 : i32
      %parallel_loop3A_867 = arith.index_cast %parallel_loop3A_866 : i32 to index
      %parallel_loop3A_868 = tpu.vector_load %arg5[%parallel_loop3A_867] {strides = array<i32>} : memref<16384xi32, #tpu.memory_space<vmem>>, vector<16xi32>,
      %parallel_loop3A_869 = tpu.vector_load_idx %arg6[%parallel_loop3A_868] : memref<2048xf32, #tpu.memory_space<vmem>>[vector<16xi32>], vector<16xf32>,
      %parallel_loop3A_870 = arith.index_cast %parallel_loop3A_866 : i32 to index
      %parallel_loop3A_871 = tpu.vector_load %arg8[%parallel_loop3A_870] {strides = array<i32>} : memref<16384xf32, #tpu.memory_space<vmem>>, vector<16xf32>,
      tpu.vector_store %arg8[%parallel_loop3A_870], %parallel_loop3A_869 {strides = array<i32>} : memref<16384xf32, #tpu.memory_space<vmem>>, vector<16xf32>,
    } {sc.loop_unroll_factor = 8 : i64, sc.parallel_access}
    %add3A_663 = arith.constant 24 : i32
    %add3A_664 = arith.addi %mul3A_2, %add3A_663 : i32
    %mul3A_665 = arith.constant 16384 : i32
    %mul3A_666 = arith.muli %add3A_664, %mul3A_665 : i32
    %dma_start3A_667 = tpu.memref_slice %arg4[%mul3A_666] : memref<16777216xf32, #tpu.memory_space<hbm>> -> memref<16384xf32, #tpu.memory_space<hbm>>
    %dma_start3A_668 = tpu.memref_slice %arg4[%mul3A_666] : memref<16777216xf32, #tpu.memory_space<hbm>> -> memref<16384xf32, #tpu.memory_space<hbm>>
    tpu.enqueue_dma source(%arg8 : memref<16384xf32, #tpu.memory_space<vmem>>) target(%dma_start3A_668 : memref<16384xf32, #tpu.memory_space<hbm>>) target_semaphore(%arg12 : memref<!tpu.dma_semaphore, #tpu.memory_space<semaphore_mem>>)
    %add3A_669 = arith.constant 25 : i32
    %add3A_670 = arith.addi %mul3A_2, %add3A_669 : i32
    %mul3A_671 = arith.constant 2048 : i32
    %mul3A_672 = arith.muli %add3A_670, %mul3A_671 : i32
    %dma_wait3A_673 = tpu.memref_slice %arg2[%mul3A_672] : memref<2097152xf32, #tpu.memory_space<hbm>> -> memref<2048xf32, #tpu.memory_space<hbm>>
    %dma_wait3A_674 = tpu.memref_slice %arg2[%mul3A_672] : memref<2097152xf32, #tpu.memory_space<hbm>> -> memref<2048xf32, #tpu.memory_space<hbm>>
    tpu.wait_dma2 semaphore(%arg11 : memref<!tpu.dma_semaphore, #tpu.memory_space<semaphore_mem>>) src(%dma_wait3A_674 : memref<2048xf32, #tpu.memory_space<hbm>>) dst(%arg7 : memref<2048xf32, #tpu.memory_space<vmem>>)
    %add3A_675 = arith.constant 26 : i32
    %add3A_676 = arith.addi %mul3A_2, %add3A_675 : i32
    %mul3A_677 = arith.constant 2048 : i32
    %mul3A_678 = arith.muli %add3A_676, %mul3A_677 : i32
    %dma_start3A_679 = tpu.memref_slice %arg2[%mul3A_678] : memref<2097152xf32, #tpu.memory_space<hbm>> -> memref<2048xf32, #tpu.memory_space<hbm>>
    %dma_start3A_680 = tpu.memref_slice %arg2[%mul3A_678] : memref<2097152xf32, #tpu.memory_space<hbm>> -> memref<2048xf32, #tpu.memory_space<hbm>>
    tpu.enqueue_dma source(%dma_start3A_680 : memref<2048xf32, #tpu.memory_space<hbm>>) target(%arg6 : memref<2048xf32, #tpu.memory_space<vmem>>) target_semaphore(%arg10 : memref<!tpu.dma_semaphore, #tpu.memory_space<semaphore_mem>>)
    %add3A_681 = arith.constant 23 : i32
    %add3A_682 = arith.addi %mul3A_2, %add3A_681 : i32
    %mul3A_683 = arith.constant 16384 : i32
    %mul3A_684 = arith.muli %add3A_682, %mul3A_683 : i32
    %dma_wait3A_685 = tpu.memref_slice %arg4[%mul3A_684] : memref<16777216xf32, #tpu.memory_space<hbm>> -> memref<16384xf32, #tpu.memory_space<hbm>>
    %dma_wait3A_686 = tpu.memref_slice %arg4[%mul3A_684] : memref<16777216xf32, #tpu.memory_space<hbm>> -> memref<16384xf32, #tpu.memory_space<hbm>>
    tpu.wait_dma2 semaphore(%arg13 : memref<!tpu.dma_semaphore, #tpu.memory_space<semaphore_mem>>) src(%arg9 : memref<16384xf32, #tpu.memory_space<vmem>>) dst(%dma_wait3A_686 : memref<16384xf32, #tpu.memory_space<hbm>>)
    %parallel_loop3A_687 = arith.constant 0 : i32
    %parallel_loop3A_688 = arith.constant 1024 : i32
    %parallel_loop3A_689 = arith.constant 1 : i32
    scf.for %parallel_loop3A_864 = %parallel_loop3A_687 to %parallel_loop3A_688 step %parallel_loop3A_689  : i32 {
      %parallel_loop3A_865 = arith.constant 16 : i32
      %parallel_loop3A_866 = arith.muli %parallel_loop3A_864, %parallel_loop3A_865 : i32
      %parallel_loop3A_867 = arith.index_cast %parallel_loop3A_866 : i32 to index
      %parallel_loop3A_868 = tpu.vector_load %arg5[%parallel_loop3A_867] {strides = array<i32>} : memref<16384xi32, #tpu.memory_space<vmem>>, vector<16xi32>,
      %parallel_loop3A_869 = tpu.vector_load_idx %arg7[%parallel_loop3A_868] : memref<2048xf32, #tpu.memory_space<vmem>>[vector<16xi32>], vector<16xf32>,
      %parallel_loop3A_870 = arith.index_cast %parallel_loop3A_866 : i32 to index
      %parallel_loop3A_871 = tpu.vector_load %arg9[%parallel_loop3A_870] {strides = array<i32>} : memref<16384xf32, #tpu.memory_space<vmem>>, vector<16xf32>,
      tpu.vector_store %arg9[%parallel_loop3A_870], %parallel_loop3A_869 {strides = array<i32>} : memref<16384xf32, #tpu.memory_space<vmem>>, vector<16xf32>,
    } {sc.loop_unroll_factor = 8 : i64, sc.parallel_access}
    %add3A_690 = arith.constant 25 : i32
    %add3A_691 = arith.addi %mul3A_2, %add3A_690 : i32
    %mul3A_692 = arith.constant 16384 : i32
    %mul3A_693 = arith.muli %add3A_691, %mul3A_692 : i32
    %dma_start3A_694 = tpu.memref_slice %arg4[%mul3A_693] : memref<16777216xf32, #tpu.memory_space<hbm>> -> memref<16384xf32, #tpu.memory_space<hbm>>
    %dma_start3A_695 = tpu.memref_slice %arg4[%mul3A_693] : memref<16777216xf32, #tpu.memory_space<hbm>> -> memref<16384xf32, #tpu.memory_space<hbm>>
    tpu.enqueue_dma source(%arg9 : memref<16384xf32, #tpu.memory_space<vmem>>) target(%dma_start3A_695 : memref<16384xf32, #tpu.memory_space<hbm>>) target_semaphore(%arg13 : memref<!tpu.dma_semaphore, #tpu.memory_space<semaphore_mem>>)
    %add3A_696 = arith.constant 26 : i32
    %add3A_697 = arith.addi %mul3A_2, %add3A_696 : i32
    %mul3A_698 = arith.constant 2048 : i32
    %mul3A_699 = arith.muli %add3A_697, %mul3A_698 : i32
    %dma_wait3A_700 = tpu.memref_slice %arg2[%mul3A_699] : memref<2097152xf32, #tpu.memory_space<hbm>> -> memref<2048xf32, #tpu.memory_space<hbm>>
    %dma_wait3A_701 = tpu.memref_slice %arg2[%mul3A_699] : memref<2097152xf32, #tpu.memory_space<hbm>> -> memref<2048xf32, #tpu.memory_space<hbm>>
    tpu.wait_dma2 semaphore(%arg10 : memref<!tpu.dma_semaphore, #tpu.memory_space<semaphore_mem>>) src(%dma_wait3A_701 : memref<2048xf32, #tpu.memory_space<hbm>>) dst(%arg6 : memref<2048xf32, #tpu.memory_space<vmem>>)
    %add3A_702 = arith.constant 27 : i32
    %add3A_703 = arith.addi %mul3A_2, %add3A_702 : i32
    %mul3A_704 = arith.constant 2048 : i32
    %mul3A_705 = arith.muli %add3A_703, %mul3A_704 : i32
    %dma_start3A_706 = tpu.memref_slice %arg2[%mul3A_705] : memref<2097152xf32, #tpu.memory_space<hbm>> -> memref<2048xf32, #tpu.memory_space<hbm>>
    %dma_start3A_707 = tpu.memref_slice %arg2[%mul3A_705] : memref<2097152xf32, #tpu.memory_space<hbm>> -> memref<2048xf32, #tpu.memory_space<hbm>>
    tpu.enqueue_dma source(%dma_start3A_707 : memref<2048xf32, #tpu.memory_space<hbm>>) target(%arg7 : memref<2048xf32, #tpu.memory_space<vmem>>) target_semaphore(%arg11 : memref<!tpu.dma_semaphore, #tpu.memory_space<semaphore_mem>>)
    %add3A_708 = arith.constant 24 : i32
    %add3A_709 = arith.addi %mul3A_2, %add3A_708 : i32
    %mul3A_710 = arith.constant 16384 : i32
    %mul3A_711 = arith.muli %add3A_709, %mul3A_710 : i32
    %dma_wait3A_712 = tpu.memref_slice %arg4[%mul3A_711] : memref<16777216xf32, #tpu.memory_space<hbm>> -> memref<16384xf32, #tpu.memory_space<hbm>>
    %dma_wait3A_713 = tpu.memref_slice %arg4[%mul3A_711] : memref<16777216xf32, #tpu.memory_space<hbm>> -> memref<16384xf32, #tpu.memory_space<hbm>>
    tpu.wait_dma2 semaphore(%arg12 : memref<!tpu.dma_semaphore, #tpu.memory_space<semaphore_mem>>) src(%arg8 : memref<16384xf32, #tpu.memory_space<vmem>>) dst(%dma_wait3A_713 : memref<16384xf32, #tpu.memory_space<hbm>>)
    %parallel_loop3A_714 = arith.constant 0 : i32
    %parallel_loop3A_715 = arith.constant 1024 : i32
    %parallel_loop3A_716 = arith.constant 1 : i32
    scf.for %parallel_loop3A_864 = %parallel_loop3A_714 to %parallel_loop3A_715 step %parallel_loop3A_716  : i32 {
      %parallel_loop3A_865 = arith.constant 16 : i32
      %parallel_loop3A_866 = arith.muli %parallel_loop3A_864, %parallel_loop3A_865 : i32
      %parallel_loop3A_867 = arith.index_cast %parallel_loop3A_866 : i32 to index
      %parallel_loop3A_868 = tpu.vector_load %arg5[%parallel_loop3A_867] {strides = array<i32>} : memref<16384xi32, #tpu.memory_space<vmem>>, vector<16xi32>,
      %parallel_loop3A_869 = tpu.vector_load_idx %arg6[%parallel_loop3A_868] : memref<2048xf32, #tpu.memory_space<vmem>>[vector<16xi32>], vector<16xf32>,
      %parallel_loop3A_870 = arith.index_cast %parallel_loop3A_866 : i32 to index
      %parallel_loop3A_871 = tpu.vector_load %arg8[%parallel_loop3A_870] {strides = array<i32>} : memref<16384xf32, #tpu.memory_space<vmem>>, vector<16xf32>,
      tpu.vector_store %arg8[%parallel_loop3A_870], %parallel_loop3A_869 {strides = array<i32>} : memref<16384xf32, #tpu.memory_space<vmem>>, vector<16xf32>,
    } {sc.loop_unroll_factor = 8 : i64, sc.parallel_access}
    %add3A_717 = arith.constant 26 : i32
    %add3A_718 = arith.addi %mul3A_2, %add3A_717 : i32
    %mul3A_719 = arith.constant 16384 : i32
    %mul3A_720 = arith.muli %add3A_718, %mul3A_719 : i32
    %dma_start3A_721 = tpu.memref_slice %arg4[%mul3A_720] : memref<16777216xf32, #tpu.memory_space<hbm>> -> memref<16384xf32, #tpu.memory_space<hbm>>
    %dma_start3A_722 = tpu.memref_slice %arg4[%mul3A_720] : memref<16777216xf32, #tpu.memory_space<hbm>> -> memref<16384xf32, #tpu.memory_space<hbm>>
    tpu.enqueue_dma source(%arg8 : memref<16384xf32, #tpu.memory_space<vmem>>) target(%dma_start3A_722 : memref<16384xf32, #tpu.memory_space<hbm>>) target_semaphore(%arg12 : memref<!tpu.dma_semaphore, #tpu.memory_space<semaphore_mem>>)
    %add3A_723 = arith.constant 27 : i32
    %add3A_724 = arith.addi %mul3A_2, %add3A_723 : i32
    %mul3A_725 = arith.constant 2048 : i32
    %mul3A_726 = arith.muli %add3A_724, %mul3A_725 : i32
    %dma_wait3A_727 = tpu.memref_slice %arg2[%mul3A_726] : memref<2097152xf32, #tpu.memory_space<hbm>> -> memref<2048xf32, #tpu.memory_space<hbm>>
    %dma_wait3A_728 = tpu.memref_slice %arg2[%mul3A_726] : memref<2097152xf32, #tpu.memory_space<hbm>> -> memref<2048xf32, #tpu.memory_space<hbm>>
    tpu.wait_dma2 semaphore(%arg11 : memref<!tpu.dma_semaphore, #tpu.memory_space<semaphore_mem>>) src(%dma_wait3A_728 : memref<2048xf32, #tpu.memory_space<hbm>>) dst(%arg7 : memref<2048xf32, #tpu.memory_space<vmem>>)
    %add3A_729 = arith.constant 28 : i32
    %add3A_730 = arith.addi %mul3A_2, %add3A_729 : i32
    %mul3A_731 = arith.constant 2048 : i32
    %mul3A_732 = arith.muli %add3A_730, %mul3A_731 : i32
    %dma_start3A_733 = tpu.memref_slice %arg2[%mul3A_732] : memref<2097152xf32, #tpu.memory_space<hbm>> -> memref<2048xf32, #tpu.memory_space<hbm>>
    %dma_start3A_734 = tpu.memref_slice %arg2[%mul3A_732] : memref<2097152xf32, #tpu.memory_space<hbm>> -> memref<2048xf32, #tpu.memory_space<hbm>>
    tpu.enqueue_dma source(%dma_start3A_734 : memref<2048xf32, #tpu.memory_space<hbm>>) target(%arg6 : memref<2048xf32, #tpu.memory_space<vmem>>) target_semaphore(%arg10 : memref<!tpu.dma_semaphore, #tpu.memory_space<semaphore_mem>>)
    %add3A_735 = arith.constant 25 : i32
    %add3A_736 = arith.addi %mul3A_2, %add3A_735 : i32
    %mul3A_737 = arith.constant 16384 : i32
    %mul3A_738 = arith.muli %add3A_736, %mul3A_737 : i32
    %dma_wait3A_739 = tpu.memref_slice %arg4[%mul3A_738] : memref<16777216xf32, #tpu.memory_space<hbm>> -> memref<16384xf32, #tpu.memory_space<hbm>>
    %dma_wait3A_740 = tpu.memref_slice %arg4[%mul3A_738] : memref<16777216xf32, #tpu.memory_space<hbm>> -> memref<16384xf32, #tpu.memory_space<hbm>>
    tpu.wait_dma2 semaphore(%arg13 : memref<!tpu.dma_semaphore, #tpu.memory_space<semaphore_mem>>) src(%arg9 : memref<16384xf32, #tpu.memory_space<vmem>>) dst(%dma_wait3A_740 : memref<16384xf32, #tpu.memory_space<hbm>>)
    %parallel_loop3A_741 = arith.constant 0 : i32
    %parallel_loop3A_742 = arith.constant 1024 : i32
    %parallel_loop3A_743 = arith.constant 1 : i32
    scf.for %parallel_loop3A_864 = %parallel_loop3A_741 to %parallel_loop3A_742 step %parallel_loop3A_743  : i32 {
      %parallel_loop3A_865 = arith.constant 16 : i32
      %parallel_loop3A_866 = arith.muli %parallel_loop3A_864, %parallel_loop3A_865 : i32
      %parallel_loop3A_867 = arith.index_cast %parallel_loop3A_866 : i32 to index
      %parallel_loop3A_868 = tpu.vector_load %arg5[%parallel_loop3A_867] {strides = array<i32>} : memref<16384xi32, #tpu.memory_space<vmem>>, vector<16xi32>,
      %parallel_loop3A_869 = tpu.vector_load_idx %arg7[%parallel_loop3A_868] : memref<2048xf32, #tpu.memory_space<vmem>>[vector<16xi32>], vector<16xf32>,
      %parallel_loop3A_870 = arith.index_cast %parallel_loop3A_866 : i32 to index
      %parallel_loop3A_871 = tpu.vector_load %arg9[%parallel_loop3A_870] {strides = array<i32>} : memref<16384xf32, #tpu.memory_space<vmem>>, vector<16xf32>,
      tpu.vector_store %arg9[%parallel_loop3A_870], %parallel_loop3A_869 {strides = array<i32>} : memref<16384xf32, #tpu.memory_space<vmem>>, vector<16xf32>,
    } {sc.loop_unroll_factor = 8 : i64, sc.parallel_access}
    %add3A_744 = arith.constant 27 : i32
    %add3A_745 = arith.addi %mul3A_2, %add3A_744 : i32
    %mul3A_746 = arith.constant 16384 : i32
    %mul3A_747 = arith.muli %add3A_745, %mul3A_746 : i32
    %dma_start3A_748 = tpu.memref_slice %arg4[%mul3A_747] : memref<16777216xf32, #tpu.memory_space<hbm>> -> memref<16384xf32, #tpu.memory_space<hbm>>
    %dma_start3A_749 = tpu.memref_slice %arg4[%mul3A_747] : memref<16777216xf32, #tpu.memory_space<hbm>> -> memref<16384xf32, #tpu.memory_space<hbm>>
    tpu.enqueue_dma source(%arg9 : memref<16384xf32, #tpu.memory_space<vmem>>) target(%dma_start3A_749 : memref<16384xf32, #tpu.memory_space<hbm>>) target_semaphore(%arg13 : memref<!tpu.dma_semaphore, #tpu.memory_space<semaphore_mem>>)
    %add3A_750 = arith.constant 28 : i32
    %add3A_751 = arith.addi %mul3A_2, %add3A_750 : i32
    %mul3A_752 = arith.constant 2048 : i32
    %mul3A_753 = arith.muli %add3A_751, %mul3A_752 : i32
    %dma_wait3A_754 = tpu.memref_slice %arg2[%mul3A_753] : memref<2097152xf32, #tpu.memory_space<hbm>> -> memref<2048xf32, #tpu.memory_space<hbm>>
    %dma_wait3A_755 = tpu.memref_slice %arg2[%mul3A_753] : memref<2097152xf32, #tpu.memory_space<hbm>> -> memref<2048xf32, #tpu.memory_space<hbm>>
    tpu.wait_dma2 semaphore(%arg10 : memref<!tpu.dma_semaphore, #tpu.memory_space<semaphore_mem>>) src(%dma_wait3A_755 : memref<2048xf32, #tpu.memory_space<hbm>>) dst(%arg6 : memref<2048xf32, #tpu.memory_space<vmem>>)
    %add3A_756 = arith.constant 29 : i32
    %add3A_757 = arith.addi %mul3A_2, %add3A_756 : i32
    %mul3A_758 = arith.constant 2048 : i32
    %mul3A_759 = arith.muli %add3A_757, %mul3A_758 : i32
    %dma_start3A_760 = tpu.memref_slice %arg2[%mul3A_759] : memref<2097152xf32, #tpu.memory_space<hbm>> -> memref<2048xf32, #tpu.memory_space<hbm>>
    %dma_start3A_761 = tpu.memref_slice %arg2[%mul3A_759] : memref<2097152xf32, #tpu.memory_space<hbm>> -> memref<2048xf32, #tpu.memory_space<hbm>>
    tpu.enqueue_dma source(%dma_start3A_761 : memref<2048xf32, #tpu.memory_space<hbm>>) target(%arg7 : memref<2048xf32, #tpu.memory_space<vmem>>) target_semaphore(%arg11 : memref<!tpu.dma_semaphore, #tpu.memory_space<semaphore_mem>>)
    %add3A_762 = arith.constant 26 : i32
    %add3A_763 = arith.addi %mul3A_2, %add3A_762 : i32
    %mul3A_764 = arith.constant 16384 : i32
    %mul3A_765 = arith.muli %add3A_763, %mul3A_764 : i32
    %dma_wait3A_766 = tpu.memref_slice %arg4[%mul3A_765] : memref<16777216xf32, #tpu.memory_space<hbm>> -> memref<16384xf32, #tpu.memory_space<hbm>>
    %dma_wait3A_767 = tpu.memref_slice %arg4[%mul3A_765] : memref<16777216xf32, #tpu.memory_space<hbm>> -> memref<16384xf32, #tpu.memory_space<hbm>>
    tpu.wait_dma2 semaphore(%arg12 : memref<!tpu.dma_semaphore, #tpu.memory_space<semaphore_mem>>) src(%arg8 : memref<16384xf32, #tpu.memory_space<vmem>>) dst(%dma_wait3A_767 : memref<16384xf32, #tpu.memory_space<hbm>>)
    %parallel_loop3A_768 = arith.constant 0 : i32
    %parallel_loop3A_769 = arith.constant 1024 : i32
    %parallel_loop3A_770 = arith.constant 1 : i32
    scf.for %parallel_loop3A_864 = %parallel_loop3A_768 to %parallel_loop3A_769 step %parallel_loop3A_770  : i32 {
      %parallel_loop3A_865 = arith.constant 16 : i32
      %parallel_loop3A_866 = arith.muli %parallel_loop3A_864, %parallel_loop3A_865 : i32
      %parallel_loop3A_867 = arith.index_cast %parallel_loop3A_866 : i32 to index
      %parallel_loop3A_868 = tpu.vector_load %arg5[%parallel_loop3A_867] {strides = array<i32>} : memref<16384xi32, #tpu.memory_space<vmem>>, vector<16xi32>,
      %parallel_loop3A_869 = tpu.vector_load_idx %arg6[%parallel_loop3A_868] : memref<2048xf32, #tpu.memory_space<vmem>>[vector<16xi32>], vector<16xf32>,
      %parallel_loop3A_870 = arith.index_cast %parallel_loop3A_866 : i32 to index
      %parallel_loop3A_871 = tpu.vector_load %arg8[%parallel_loop3A_870] {strides = array<i32>} : memref<16384xf32, #tpu.memory_space<vmem>>, vector<16xf32>,
      tpu.vector_store %arg8[%parallel_loop3A_870], %parallel_loop3A_869 {strides = array<i32>} : memref<16384xf32, #tpu.memory_space<vmem>>, vector<16xf32>,
    } {sc.loop_unroll_factor = 8 : i64, sc.parallel_access}
    %add3A_771 = arith.constant 28 : i32
    %add3A_772 = arith.addi %mul3A_2, %add3A_771 : i32
    %mul3A_773 = arith.constant 16384 : i32
    %mul3A_774 = arith.muli %add3A_772, %mul3A_773 : i32
    %dma_start3A_775 = tpu.memref_slice %arg4[%mul3A_774] : memref<16777216xf32, #tpu.memory_space<hbm>> -> memref<16384xf32, #tpu.memory_space<hbm>>
    %dma_start3A_776 = tpu.memref_slice %arg4[%mul3A_774] : memref<16777216xf32, #tpu.memory_space<hbm>> -> memref<16384xf32, #tpu.memory_space<hbm>>
    tpu.enqueue_dma source(%arg8 : memref<16384xf32, #tpu.memory_space<vmem>>) target(%dma_start3A_776 : memref<16384xf32, #tpu.memory_space<hbm>>) target_semaphore(%arg12 : memref<!tpu.dma_semaphore, #tpu.memory_space<semaphore_mem>>)
    %add3A_777 = arith.constant 29 : i32
    %add3A_778 = arith.addi %mul3A_2, %add3A_777 : i32
    %mul3A_779 = arith.constant 2048 : i32
    %mul3A_780 = arith.muli %add3A_778, %mul3A_779 : i32
    %dma_wait3A_781 = tpu.memref_slice %arg2[%mul3A_780] : memref<2097152xf32, #tpu.memory_space<hbm>> -> memref<2048xf32, #tpu.memory_space<hbm>>
    %dma_wait3A_782 = tpu.memref_slice %arg2[%mul3A_780] : memref<2097152xf32, #tpu.memory_space<hbm>> -> memref<2048xf32, #tpu.memory_space<hbm>>
    tpu.wait_dma2 semaphore(%arg11 : memref<!tpu.dma_semaphore, #tpu.memory_space<semaphore_mem>>) src(%dma_wait3A_782 : memref<2048xf32, #tpu.memory_space<hbm>>) dst(%arg7 : memref<2048xf32, #tpu.memory_space<vmem>>)
    %add3A_783 = arith.constant 30 : i32
    %add3A_784 = arith.addi %mul3A_2, %add3A_783 : i32
    %mul3A_785 = arith.constant 2048 : i32
    %mul3A_786 = arith.muli %add3A_784, %mul3A_785 : i32
    %dma_start3A_787 = tpu.memref_slice %arg2[%mul3A_786] : memref<2097152xf32, #tpu.memory_space<hbm>> -> memref<2048xf32, #tpu.memory_space<hbm>>
    %dma_start3A_788 = tpu.memref_slice %arg2[%mul3A_786] : memref<2097152xf32, #tpu.memory_space<hbm>> -> memref<2048xf32, #tpu.memory_space<hbm>>
    tpu.enqueue_dma source(%dma_start3A_788 : memref<2048xf32, #tpu.memory_space<hbm>>) target(%arg6 : memref<2048xf32, #tpu.memory_space<vmem>>) target_semaphore(%arg10 : memref<!tpu.dma_semaphore, #tpu.memory_space<semaphore_mem>>)
    %add3A_789 = arith.constant 27 : i32
    %add3A_790 = arith.addi %mul3A_2, %add3A_789 : i32
    %mul3A_791 = arith.constant 16384 : i32
    %mul3A_792 = arith.muli %add3A_790, %mul3A_791 : i32
    %dma_wait3A_793 = tpu.memref_slice %arg4[%mul3A_792] : memref<16777216xf32, #tpu.memory_space<hbm>> -> memref<16384xf32, #tpu.memory_space<hbm>>
    %dma_wait3A_794 = tpu.memref_slice %arg4[%mul3A_792] : memref<16777216xf32, #tpu.memory_space<hbm>> -> memref<16384xf32, #tpu.memory_space<hbm>>
    tpu.wait_dma2 semaphore(%arg13 : memref<!tpu.dma_semaphore, #tpu.memory_space<semaphore_mem>>) src(%arg9 : memref<16384xf32, #tpu.memory_space<vmem>>) dst(%dma_wait3A_794 : memref<16384xf32, #tpu.memory_space<hbm>>)
    %parallel_loop3A_795 = arith.constant 0 : i32
    %parallel_loop3A_796 = arith.constant 1024 : i32
    %parallel_loop3A_797 = arith.constant 1 : i32
    scf.for %parallel_loop3A_864 = %parallel_loop3A_795 to %parallel_loop3A_796 step %parallel_loop3A_797  : i32 {
      %parallel_loop3A_865 = arith.constant 16 : i32
      %parallel_loop3A_866 = arith.muli %parallel_loop3A_864, %parallel_loop3A_865 : i32
      %parallel_loop3A_867 = arith.index_cast %parallel_loop3A_866 : i32 to index
      %parallel_loop3A_868 = tpu.vector_load %arg5[%parallel_loop3A_867] {strides = array<i32>} : memref<16384xi32, #tpu.memory_space<vmem>>, vector<16xi32>,
      %parallel_loop3A_869 = tpu.vector_load_idx %arg7[%parallel_loop3A_868] : memref<2048xf32, #tpu.memory_space<vmem>>[vector<16xi32>], vector<16xf32>,
      %parallel_loop3A_870 = arith.index_cast %parallel_loop3A_866 : i32 to index
      %parallel_loop3A_871 = tpu.vector_load %arg9[%parallel_loop3A_870] {strides = array<i32>} : memref<16384xf32, #tpu.memory_space<vmem>>, vector<16xf32>,
      tpu.vector_store %arg9[%parallel_loop3A_870], %parallel_loop3A_869 {strides = array<i32>} : memref<16384xf32, #tpu.memory_space<vmem>>, vector<16xf32>,
    } {sc.loop_unroll_factor = 8 : i64, sc.parallel_access}
    %add3A_798 = arith.constant 29 : i32
    %add3A_799 = arith.addi %mul3A_2, %add3A_798 : i32
    %mul3A_800 = arith.constant 16384 : i32
    %mul3A_801 = arith.muli %add3A_799, %mul3A_800 : i32
    %dma_start3A_802 = tpu.memref_slice %arg4[%mul3A_801] : memref<16777216xf32, #tpu.memory_space<hbm>> -> memref<16384xf32, #tpu.memory_space<hbm>>
    %dma_start3A_803 = tpu.memref_slice %arg4[%mul3A_801] : memref<16777216xf32, #tpu.memory_space<hbm>> -> memref<16384xf32, #tpu.memory_space<hbm>>
    tpu.enqueue_dma source(%arg9 : memref<16384xf32, #tpu.memory_space<vmem>>) target(%dma_start3A_803 : memref<16384xf32, #tpu.memory_space<hbm>>) target_semaphore(%arg13 : memref<!tpu.dma_semaphore, #tpu.memory_space<semaphore_mem>>)
    %add3A_804 = arith.constant 30 : i32
    %add3A_805 = arith.addi %mul3A_2, %add3A_804 : i32
    %mul3A_806 = arith.constant 2048 : i32
    %mul3A_807 = arith.muli %add3A_805, %mul3A_806 : i32
    %dma_wait3A_808 = tpu.memref_slice %arg2[%mul3A_807] : memref<2097152xf32, #tpu.memory_space<hbm>> -> memref<2048xf32, #tpu.memory_space<hbm>>
    %dma_wait3A_809 = tpu.memref_slice %arg2[%mul3A_807] : memref<2097152xf32, #tpu.memory_space<hbm>> -> memref<2048xf32, #tpu.memory_space<hbm>>
    tpu.wait_dma2 semaphore(%arg10 : memref<!tpu.dma_semaphore, #tpu.memory_space<semaphore_mem>>) src(%dma_wait3A_809 : memref<2048xf32, #tpu.memory_space<hbm>>) dst(%arg6 : memref<2048xf32, #tpu.memory_space<vmem>>)
    %add3A_810 = arith.constant 31 : i32
    %add3A_811 = arith.addi %mul3A_2, %add3A_810 : i32
    %mul3A_812 = arith.constant 2048 : i32
    %mul3A_813 = arith.muli %add3A_811, %mul3A_812 : i32
    %dma_start3A_814 = tpu.memref_slice %arg2[%mul3A_813] : memref<2097152xf32, #tpu.memory_space<hbm>> -> memref<2048xf32, #tpu.memory_space<hbm>>
    %dma_start3A_815 = tpu.memref_slice %arg2[%mul3A_813] : memref<2097152xf32, #tpu.memory_space<hbm>> -> memref<2048xf32, #tpu.memory_space<hbm>>
    tpu.enqueue_dma source(%dma_start3A_815 : memref<2048xf32, #tpu.memory_space<hbm>>) target(%arg7 : memref<2048xf32, #tpu.memory_space<vmem>>) target_semaphore(%arg11 : memref<!tpu.dma_semaphore, #tpu.memory_space<semaphore_mem>>)
    %add3A_816 = arith.constant 28 : i32
    %add3A_817 = arith.addi %mul3A_2, %add3A_816 : i32
    %mul3A_818 = arith.constant 16384 : i32
    %mul3A_819 = arith.muli %add3A_817, %mul3A_818 : i32
    %dma_wait3A_820 = tpu.memref_slice %arg4[%mul3A_819] : memref<16777216xf32, #tpu.memory_space<hbm>> -> memref<16384xf32, #tpu.memory_space<hbm>>
    %dma_wait3A_821 = tpu.memref_slice %arg4[%mul3A_819] : memref<16777216xf32, #tpu.memory_space<hbm>> -> memref<16384xf32, #tpu.memory_space<hbm>>
    tpu.wait_dma2 semaphore(%arg12 : memref<!tpu.dma_semaphore, #tpu.memory_space<semaphore_mem>>) src(%arg8 : memref<16384xf32, #tpu.memory_space<vmem>>) dst(%dma_wait3A_821 : memref<16384xf32, #tpu.memory_space<hbm>>)
    %parallel_loop3A_822 = arith.constant 0 : i32
    %parallel_loop3A_823 = arith.constant 1024 : i32
    %parallel_loop3A_824 = arith.constant 1 : i32
    scf.for %parallel_loop3A_864 = %parallel_loop3A_822 to %parallel_loop3A_823 step %parallel_loop3A_824  : i32 {
      %parallel_loop3A_865 = arith.constant 16 : i32
      %parallel_loop3A_866 = arith.muli %parallel_loop3A_864, %parallel_loop3A_865 : i32
      %parallel_loop3A_867 = arith.index_cast %parallel_loop3A_866 : i32 to index
      %parallel_loop3A_868 = tpu.vector_load %arg5[%parallel_loop3A_867] {strides = array<i32>} : memref<16384xi32, #tpu.memory_space<vmem>>, vector<16xi32>,
      %parallel_loop3A_869 = tpu.vector_load_idx %arg6[%parallel_loop3A_868] : memref<2048xf32, #tpu.memory_space<vmem>>[vector<16xi32>], vector<16xf32>,
      %parallel_loop3A_870 = arith.index_cast %parallel_loop3A_866 : i32 to index
      %parallel_loop3A_871 = tpu.vector_load %arg8[%parallel_loop3A_870] {strides = array<i32>} : memref<16384xf32, #tpu.memory_space<vmem>>, vector<16xf32>,
      tpu.vector_store %arg8[%parallel_loop3A_870], %parallel_loop3A_869 {strides = array<i32>} : memref<16384xf32, #tpu.memory_space<vmem>>, vector<16xf32>,
    } {sc.loop_unroll_factor = 8 : i64, sc.parallel_access}
    %add3A_825 = arith.constant 30 : i32
    %add3A_826 = arith.addi %mul3A_2, %add3A_825 : i32
    %mul3A_827 = arith.constant 16384 : i32
    %mul3A_828 = arith.muli %add3A_826, %mul3A_827 : i32
    %dma_start3A_829 = tpu.memref_slice %arg4[%mul3A_828] : memref<16777216xf32, #tpu.memory_space<hbm>> -> memref<16384xf32, #tpu.memory_space<hbm>>
    %dma_start3A_830 = tpu.memref_slice %arg4[%mul3A_828] : memref<16777216xf32, #tpu.memory_space<hbm>> -> memref<16384xf32, #tpu.memory_space<hbm>>
    tpu.enqueue_dma source(%arg8 : memref<16384xf32, #tpu.memory_space<vmem>>) target(%dma_start3A_830 : memref<16384xf32, #tpu.memory_space<hbm>>) target_semaphore(%arg12 : memref<!tpu.dma_semaphore, #tpu.memory_space<semaphore_mem>>)
    %add3A_831 = arith.constant 31 : i32
    %add3A_832 = arith.addi %mul3A_2, %add3A_831 : i32
    %mul3A_833 = arith.constant 2048 : i32
    %mul3A_834 = arith.muli %add3A_832, %mul3A_833 : i32
    %dma_wait3A_835 = tpu.memref_slice %arg2[%mul3A_834] : memref<2097152xf32, #tpu.memory_space<hbm>> -> memref<2048xf32, #tpu.memory_space<hbm>>
    %dma_wait3A_836 = tpu.memref_slice %arg2[%mul3A_834] : memref<2097152xf32, #tpu.memory_space<hbm>> -> memref<2048xf32, #tpu.memory_space<hbm>>
    tpu.wait_dma2 semaphore(%arg11 : memref<!tpu.dma_semaphore, #tpu.memory_space<semaphore_mem>>) src(%dma_wait3A_836 : memref<2048xf32, #tpu.memory_space<hbm>>) dst(%arg7 : memref<2048xf32, #tpu.memory_space<vmem>>)
    %add3A_837 = arith.constant 29 : i32
    %add3A_838 = arith.addi %mul3A_2, %add3A_837 : i32
    %mul3A_839 = arith.constant 16384 : i32
    %mul3A_840 = arith.muli %add3A_838, %mul3A_839 : i32
    %dma_wait3A_841 = tpu.memref_slice %arg4[%mul3A_840] : memref<16777216xf32, #tpu.memory_space<hbm>> -> memref<16384xf32, #tpu.memory_space<hbm>>
    %dma_wait3A_842 = tpu.memref_slice %arg4[%mul3A_840] : memref<16777216xf32, #tpu.memory_space<hbm>> -> memref<16384xf32, #tpu.memory_space<hbm>>
    tpu.wait_dma2 semaphore(%arg13 : memref<!tpu.dma_semaphore, #tpu.memory_space<semaphore_mem>>) src(%arg9 : memref<16384xf32, #tpu.memory_space<vmem>>) dst(%dma_wait3A_842 : memref<16384xf32, #tpu.memory_space<hbm>>)
    %parallel_loop3A_843 = arith.constant 0 : i32
    %parallel_loop3A_844 = arith.constant 1024 : i32
    %parallel_loop3A_845 = arith.constant 1 : i32
    scf.for %parallel_loop3A_864 = %parallel_loop3A_843 to %parallel_loop3A_844 step %parallel_loop3A_845  : i32 {
      %parallel_loop3A_865 = arith.constant 16 : i32
      %parallel_loop3A_866 = arith.muli %parallel_loop3A_864, %parallel_loop3A_865 : i32
      %parallel_loop3A_867 = arith.index_cast %parallel_loop3A_866 : i32 to index
      %parallel_loop3A_868 = tpu.vector_load %arg5[%parallel_loop3A_867] {strides = array<i32>} : memref<16384xi32, #tpu.memory_space<vmem>>, vector<16xi32>,
      %parallel_loop3A_869 = tpu.vector_load_idx %arg7[%parallel_loop3A_868] : memref<2048xf32, #tpu.memory_space<vmem>>[vector<16xi32>], vector<16xf32>,
      %parallel_loop3A_870 = arith.index_cast %parallel_loop3A_866 : i32 to index
      %parallel_loop3A_871 = tpu.vector_load %arg9[%parallel_loop3A_870] {strides = array<i32>} : memref<16384xf32, #tpu.memory_space<vmem>>, vector<16xf32>,
      tpu.vector_store %arg9[%parallel_loop3A_870], %parallel_loop3A_869 {strides = array<i32>} : memref<16384xf32, #tpu.memory_space<vmem>>, vector<16xf32>,
    } {sc.loop_unroll_factor = 8 : i64, sc.parallel_access}
    %add3A_846 = arith.constant 31 : i32
    %add3A_847 = arith.addi %mul3A_2, %add3A_846 : i32
    %mul3A_848 = arith.constant 16384 : i32
    %mul3A_849 = arith.muli %add3A_847, %mul3A_848 : i32
    %dma_start3A_850 = tpu.memref_slice %arg4[%mul3A_849] : memref<16777216xf32, #tpu.memory_space<hbm>> -> memref<16384xf32, #tpu.memory_space<hbm>>
    %dma_start3A_851 = tpu.memref_slice %arg4[%mul3A_849] : memref<16777216xf32, #tpu.memory_space<hbm>> -> memref<16384xf32, #tpu.memory_space<hbm>>
    tpu.enqueue_dma source(%arg9 : memref<16384xf32, #tpu.memory_space<vmem>>) target(%dma_start3A_851 : memref<16384xf32, #tpu.memory_space<hbm>>) target_semaphore(%arg13 : memref<!tpu.dma_semaphore, #tpu.memory_space<semaphore_mem>>)
    %add3A_852 = arith.constant 30 : i32
    %add3A_853 = arith.addi %mul3A_2, %add3A_852 : i32
    %mul3A_854 = arith.constant 16384 : i32
    %mul3A_855 = arith.muli %add3A_853, %mul3A_854 : i32
    %dma_wait3A_856 = tpu.memref_slice %arg4[%mul3A_855] : memref<16777216xf32, #tpu.memory_space<hbm>> -> memref<16384xf32, #tpu.memory_space<hbm>>
    %dma_wait3A_857 = tpu.memref_slice %arg4[%mul3A_855] : memref<16777216xf32, #tpu.memory_space<hbm>> -> memref<16384xf32, #tpu.memory_space<hbm>>
    tpu.wait_dma2 semaphore(%arg12 : memref<!tpu.dma_semaphore, #tpu.memory_space<semaphore_mem>>) src(%arg8 : memref<16384xf32, #tpu.memory_space<vmem>>) dst(%dma_wait3A_857 : memref<16384xf32, #tpu.memory_space<hbm>>)
    %add3A_858 = arith.constant 31 : i32
    %add3A_859 = arith.addi %mul3A_2, %add3A_858 : i32
    %mul3A_860 = arith.constant 16384 : i32
    %mul3A_861 = arith.muli %add3A_859, %mul3A_860 : i32
    %dma_wait3A_862 = tpu.memref_slice %arg4[%mul3A_861] : memref<16777216xf32, #tpu.memory_space<hbm>> -> memref<16384xf32, #tpu.memory_space<hbm>>
    %dma_wait3A_863 = tpu.memref_slice %arg4[%mul3A_861] : memref<16777216xf32, #tpu.memory_space<hbm>> -> memref<16384xf32, #tpu.memory_space<hbm>>
    tpu.wait_dma2 semaphore(%arg13 : memref<!tpu.dma_semaphore, #tpu.memory_space<semaphore_mem>>) src(%arg9 : memref<16384xf32, #tpu.memory_space<vmem>>) dst(%dma_wait3A_863 : memref<16384xf32, #tpu.memory_space<hbm>>)
    return
  }
}

</mosaic_0001>

<sc_bundles>
// kernel: _gather.3.cloned.1.call-start
scs
__scs_entry_jumppad:
0x0: {  	(pc) =	sbr.rel $0x88, $3  }
0x1: {  	(tag) =	ssettag $0x0;
	lr =	simm.s32 $0x1  }
0x2: {  	[smem:$0x3F9F] =	sst lr;
	_ =	strace $0xD0000000  }
0x3: {  	_ = 	snop  }
0x4: {  	_ = 	snop  }
0x5: {  	_ = 	snop  }
0x6: {  	_ = 	snop  }
0x7: {  	_ = 	snop  }
__scs_overlays_trampoline_lowered:
0x8: {  	[smem:$0x3FAE] =	sst s0  }
0x9: {  	[smem:$0x3FAF] =	sst s1  }
0xa: {  	[smem:$0x3FB0] =	sst s2  }
0xb: {  	[smem:$0x3FB1] =	sst s3  }
0xc: {  	[smem:$0x3FB2] =	sst s4  }
0xd: {  	[smem:$0x3FB3] =	sst s5  }
0xe: {  	[smem:$0x3FB4] =	sst s6  }
0xf: {  	[smem:$0x3FB5] =	sst s7  }
0x10: {  	[smem:$0x3FB6] =	sst s8  }
0x11: {  	[smem:$0x3FB7] =	sst s9;
	s0 =	simm.s32 @!p0 $0x0  }
0x12: {  	s1 =	sld [smem:$0x3F9D];
	s0 =	simm.s32 @p0 $0x1  }
0x13: {  	[smem:$0x3FB8] =	sst s0;
	s0 =	simm.s32 @!p1 $0x0  }
0x14: {  	s2 =	sld [smem:$0x3F9C];
	s0 =	simm.s32 @p1 $0x1  }
0x15: {  	[smem:$0x3FB9] =	sst s0;
	s0 =	simm.s32 @!p2 $0x0  }
0x16: {  	s3 =	sld [smem:$0x3FDB];
	s0 =	simm.s32 @p2 $0x1  }
0x17: {  	s4 =	simm.s32 $0x1BF5;
	[smem:$0x3FBB] =	sst s0  }
0x18: {  	s0 =	sld [smem:$0x3F9E];
	_ =	swait.ge [sflag:s4], $0x0  }
0x19: {  	s7 =	sld [smem:$0x3F9F]  }
0x1a: {  	s8 =	sadd.s32 $0xFFFFE003, lr  }
0x1b: {  	s9 =	sadd.s32 $0xFFFFFEF7, lr;
	s5 =	simm.s32 $0xFFFFFFFF;
	p2 =	slt.u32 s8, $0xFFFFF086  }
0x1c: {  	p1 =	slt.u32 s9, $0xF7A;
	s5 =	simm.s32 @!p2 $0x0  }
0x1d: {  	s5 =	simm.s32 @p1 $0x1;
	p0 =	seq.s32 s7, s2  }
0x1e: {  	s7 =	smul.u32 @!p0 $0xF7A, s2;
	p2 =	seq.s32 @!p0 s5, $0x0  }
0x1f: {  	s9 =	smul.u32 $0xF7A, s1;
	s8 =	simm.s32 @!p0 $0x1BF5;
	p2 =	por !p2, p0  }
0x20: {  	[sflag:s8] =	ssyncset.s32 @!p0 $0xFFFFF086;
	s6 =	sadd.s32 @!p0 s3, s7;
	s7 =	simm.s32 @!p0 $0x108  }
0x21: {  	s3 =	sadd.s32 s3, s9;
	s6 =	sadd.s32 @!p0 $0x88, s6;
	s7 =	simm.s32 @p2 $0x1082  }
0x22: {  	[simem:s7], [sflag:s8] =	dma.local @!p0 [hbm:s6], $0xF7A  }
0x23: {  	s9 =	sor.u32 $0xD0000000, s2;
	s6 =	simm.s32 $0x108;
	_ =	swait.ge @!p0 [sflag:s8], $0x0  }
0x24: {  	s3 =	sadd.s32 $0x88, s3;
	s6 =	simm.s32 @!p1 $0x1082;
	[sflag:s4] =	ssyncset.s32 $0xFFFFF086  }
0x25: {  	[simem:s6], [sflag:s4] =	dma.local [hbm:s3], $0xF7A  }
0x26: {  	[smem:$0x3F9F] =	sst s1;
	(tag) =	ssettag s2;
	_ =	strace s9  }
0x27: {  	s1 =	sld [smem:$0x3FAF]  }
0x28: {  	s2 =	sld [smem:$0x3FB0]  }
0x29: {  	s4 =	sld [smem:$0x3FB2]  }
0x2a: {  	p0 =	seq.s32 s5, $0x0;
	s5 =	sld [smem:$0x3FB3]  }
0x2b: {  	s6 =	sld [smem:$0x3FB4]  }
0x2c: {  	s7 =	sld [smem:$0x3FB5]  }
0x2d: {  	s3 =	simm.s32 $0x108;
	s8 =	sld [smem:$0x3FB6]  }
0x2e: {  	s3 =	simm.s32 @!p0 $0x1082;
	s9 =	sld [smem:$0x3FB7]  }
0x2f: {  	lr =	sadd.s32 s0, s3;
	s0 =	sld [smem:$0x3FAE]  }
0x30: {  	s3 =	sld [smem:$0x3FB1]  }
0x31: {  	[smem:$0x3FBA] =	sst s10  }
0x32: {  	s10 =	sld [smem:$0x3FB8];
	_ =	sdelay $0x3  }
0x33: {  	p0 =	seq.s32 s10, $0x1;
	s10 =	sld [smem:$0x3FBA];
	_ =	sdelay $0x3  }
0x34: {  	[smem:$0x3FBA] =	sst s10  }
0x35: {  	s10 =	sld [smem:$0x3FB9];
	_ =	sdelay $0x3  }
0x36: {  	p1 =	seq.s32 s10, $0x1;
	s10 =	sld [smem:$0x3FBA];
	_ =	sdelay $0x3  }
0x37: {  	[smem:$0x3FBA] =	sst s10  }
0x38: {  	s10 =	sld [smem:$0x3FBB]  }
0x39: {  	_ = 	snop;
	(pc) =	sbr.ind lr, $3  }
0x3a: {  	_ = 	snop  }
0x3b: {  	_ = 	snop  }
0x3c: {  	p2 =	seq.s32 s10, $0x1;
	s10 =	sld [smem:$0x3FBA]  }
0x3d: {  	_ =	shalt  }
0x3e: {  	_ =	shalt  }
0x3f: {  	_ =	shalt  }
0x40: {  	_ =	shalt  }
0x41: {  	_ =	shalt  }
0x42: {  	_ =	shalt  }
0x43: {  	_ =	shalt  }
0x44: {  	_ =	shalt  }
0x45: {  	_ =	shalt  }
0x46: {  	_ =	shalt  }
0x47: {  	_ =	shalt  }
0x48: {  	_ =	shalt  }
0x49: {  	_ =	shalt  }
0x4a: {  	_ =	shalt  }
0x4b: {  	_ =	shalt  }
0x4c: {  	_ =	shalt  }
0x4d: {  	_ =	shalt  }
0x4e: {  	_ =	shalt  }
0x4f: {  	_ =	shalt  }
0x50: {  	_ =	shalt  }
0x51: {  	_ =	shalt  }
0x52: {  	_ =	shalt  }
0x53: {  	_ =	shalt  }
0x54: {  	_ =	shalt  }
0x55: {  	_ =	shalt  }
0x56: {  	_ =	shalt  }
0x57: {  	_ =	shalt  }
0x58: {  	_ =	shalt  }
0x59: {  	_ =	shalt  }
0x5a: {  	_ =	shalt  }
0x5b: {  	_ =	shalt  }
0x5c: {  	_ =	shalt  }
0x5d: {  	_ =	shalt  }
0x5e: {  	_ =	shalt  }
0x5f: {  	_ =	shalt  }
0x60: {  	_ =	shalt  }
0x61: {  	_ =	shalt  }
0x62: {  	_ =	shalt  }
0x63: {  	_ =	shalt  }
0x64: {  	_ =	shalt  }
0x65: {  	_ =	shalt  }
0x66: {  	_ =	shalt  }
0x67: {  	_ =	shalt  }
0x68: {  	_ =	shalt  }
0x69: {  	_ =	shalt  }
0x6a: {  	_ =	shalt  }
0x6b: {  	_ =	shalt  }
0x6c: {  	_ =	shalt  }
0x6d: {  	_ =	shalt  }
0x6e: {  	_ =	shalt  }
0x6f: {  	_ =	shalt  }
0x70: {  	_ =	shalt  }
0x71: {  	_ =	shalt  }
0x72: {  	_ =	shalt  }
0x73: {  	_ =	shalt  }
0x74: {  	_ =	shalt  }
0x75: {  	_ =	shalt  }
0x76: {  	_ =	shalt  }
0x77: {  	_ =	shalt  }
0x78: {  	_ =	shalt  }
0x79: {  	_ =	shalt  }
0x7a: {  	_ =	shalt  }
0x7b: {  	_ =	shalt  }
0x7c: {  	_ =	shalt  }
0x7d: {  	_ =	shalt  }
0x7e: {  	_ =	shalt  }
0x7f: {  	_ =	shalt  }
0x80: {  	_ =	shalt  }
0x81: {  	_ =	shalt  }
0x82: {  	_ =	shalt  }
0x83: {  	_ =	shalt  }
0x84: {  	_ =	shalt  }
0x85: {  	_ =	shalt  }
0x86: {  	_ =	shalt  }
0x87: {  	_ =	shalt  }
.Lfunc_end0:
.L_simem_size_0:
called_computation_lowered:
.L_overlay_start_0:
0x88: {  	s2 =	sld [smem:$0x3FD9]  }
0x89: {  	s3 =	sld [smem:$0x3FFE];
	_ =	sdelay $0x1  }
0x8a: {  	s1 =	srdreg.scid  }
0x8b: {  	s0 =	sand.u32 $0x1, s1  }
0x8c: {  	s18 =	sshll.u32 s0, $0xA;
	s2 =	sadd.s32 s3, s2  }
0x8d: {  	s2 =	sadd.s32 s2, s18  }
0x8e: {  	[smem:$0x3FC6] =	sst s2  }
0x8f: {  	_ = 	snop  }
0x90: {  	s2 =	sld [smem:$0x3FC9]  }
0x91: {  	s19 =	sld [smem:$0x3FC8]  }
0x92: {  	s4 =	sld [smem:$0x3FD0];
	(tm) =	ssettm $0x1  }
0x93: {  	s5 =	sld [smem:$0x3FFB];
	_ =	sdelay $0x3  }
0x94: {  	_ =	strace s5  }
0x95: {  	s5 =	sld [smem:$0x3FFC];
	_ =	sdelay $0x3  }
0x96: {  	_ =	strace s5  }
0x97: {  	s5 =	sld [smem:$0x3FFD];
	_ =	sdelay $0x3  }
0x98: {  	_ =	strace s5  }
0x99: {  	_ =	strace $0x8FFFFFFF  }
0x9a: {  	s20 =	sld [smem:$0x3FDB];
	_ =	sdelay $0x1  }
0x9b: {  	s6 =	simm.s32 $_scs_section_size  }
0x9c: {  	s7 =	simm.s32 $_size__tile_overlayer_lowered;
	s8 =	simm.s32 $_tile_overlayer_lowered  }
0x9d: {  	s23 =	simm.s32 $0x1BFF;
	s22 =	sshll.u32 s8, $0x1;
	s5 =	sadd.s32 s6, s20  }
0x9e: {  	s9 =	simm.s32 $0x0;
	s21 =	sshll.u32 s7, $0x1;
	s7 =	sadd.s32 s22, s5  }
0x9f: {  	[timem:s9], [sflag:s23] =	dma.local [hbm:s7], s21  }
0xa0: {  	_ =	swait.ge [sflag:s23], s21  }
0xa1: {  	s6 =	ssub.s32 $0x0, s21;
	[sflag:s23] =	ssyncset.done $0x0  }
0xa2: {  	[sflag:s23] =	ssyncadd.s32 s6;
	_ =	sdelay $0x1  }
0xa3: {  	s24 =	simm.s32 $0x1B8B  }
0xa4: {  	_ =	swait.ge [sflag:s24], $0x1  }
0xa5: {  	[sflag:s24] =	ssyncset.done $0x0  }
0xa6: {  	s25 =	simm.s32 $0x1B8E;
	[sflag:s24] =	ssyncadd.s32 $0xFFFFFFFF  }
0xa7: {  	s26 =	simm.s32 $execute0_lowered;
	[smem:$0x3FD2] =	sst s25  }
0xa8: {  	s6 =	sshll.u32 s26, $0x1;
	_ =	strace $0x80000046;
	[dreg:$0x1] =	wrdreg $0xFFFFFFFF  }
0xa9: {  	s28 =	simm.s32 $_size_execute0_lowered;
	s5 =	sadd.s32 s5, s6;
	[dreg:$0x0] =	wrdreg $0x0  }
0xaa: {  	s6 =	sshll.u32 s28, $0x1;
	[dreg:$0x2] =	wrdreg s5  }
0xab: {  	[dreg:$0x3] =	wrdreg s6  }
0xac: {  	[dreg:$0x4] =	wrdreg $0xC0  }
0xad: {  	_ =	task [dreg:s9], $0x5FFFF  }
0xae: {  	[dreg:$0x1] =	wrdreg $0xFFFFFFFF  }
0xaf: {  	[dreg:$0x0] =	wrdreg $0x60  }
0xb0: {  	[dreg:$0x2] =	wrdreg s2  }
0xb1: {  	[dreg:$0x3] =	wrdreg s19  }
0xb2: {  	[dreg:$0x4] =	wrdreg s4  }
0xb3: {  	[dreg:$0x5] =	wrdreg $0x9  }
0xb4: {  	_ =	task.clear_ibuf [dreg:s9], $0x6FFFF;
	_ =	strace $0x90000046  }
0xb5: {  	s29 =	simm.s32 $0x9;
	_ =	strace $0x80000048  }
0xb6: {  	_ =	swait.ge [sflag:s29], $0x1  }
0xb7: {  	[sflag:s29] =	ssyncadd.s32 $0xFFFFFFFF  }
0xb8: {  	_ =	strace $0x90000048  }
0xb9: {  	_ =	sfence  }
0xba: {  	s30 =	sld [smem:$0x0];
	_ =	sdelay $0x2  }
0xbb: {  	s31 =	sshll.u32 s1, $0xD;
	s1 =	sshrl.u32 s1, $0x2  }
0xbc: {  	s3 =	sand.u32 $0x4000, s31;
	s1 =	sadd.s32 s1, s30  }
0xbd: {  	s0 =	sor.u32 s3, s0;
	s1 =	sshll.u32 s1, $0x11  }
0xbe: {  	s0 =	sor.u32 s1, s0  }
0xbf: {  	s0 =	sadd.s32 $0x8F2B, s0  }
0xc0: {  	[sflag:s0] =	ssyncadd.remote.s32 $0x1  }
0xc1: {  	_ =	sfence.sel $0xFFFF  }
0xc2: {  	[dreg:$0x0] =	wrdreg $0xFFFFFFFF;
	(pc) =	sbr.abs _section_cstart, $3  }
0xc3: {  	[dreg:$0x1] =	wrdreg $0xFFFFFFFF  }
0xc4: {  	_ =	task.clear_ibuf [dreg:s9], $0x2FFFF;
	_ =	strace $0x9FFFFFFF  }
0xc5: {  	(tm) =	ssettm $0x7FFFFFFF  }
tec
execute0_lowered:
.L_overlay_start_1:
0x0: {  	(tag) =	ssettag $0x1  }
0x1: {  	s0 =	srdreg.scid  }
0x2: {  	s1 =	stileid.u32;
	s0 =	sand.u32 $0x1, s0  }
0x3: {  	s1 =	sshll.u32 s1, $0x1;
	s3 =	ssub.s32 $0x2, s0  }
0x4: {  	s2 =	rddreg [dreg:$0x0];
	s0 =	sor.u32 s0, s1;
	s4 =	sshrl.u32 s3, $0x1  }
0x5: {  	s1 =	sshll.u32 s0, $0x5;
	s25 =	sshll.u32 s0, $0xD;
	s3 =	ssub.s32 s3, s4  }
0x6: {  	s26 =	sor.u32 $0x1, s1;
	s5 =	sor.u32 $0x2, s1;
	s7 =	sor.u32 $0x3, s1  }
0x7: {  	s9 =	sor.u32 $0x4, s1;
	s12 =	sor.u32 $0x6, s1;
	[smem:$0x7FD] =	sst s3  }
0x8: {  	s28 =	sor.u32 $0x18, s1;
	s29 =	sor.u32 $0x19, s1;
	[smem:$0x7E7] =	sst s26  }
0x9: {  	s30 =	sor.u32 $0x1A, s1;
	s31 =	sor.u32 $0x1B, s1;
	[smem:$0x7E8] =	sst s5  }
0xa: {  	s3 =	sadd.s32 s2, s25;
	s4 =	sshll.u32 s26, $0x8;
	[smem:$0x7EC] =	sst s7  }
0xb: {  	s6 =	sshll.u32 s5, $0x8;
	s8 =	sshll.u32 s7, $0x8;
	[smem:$0x7ED] =	sst s9  }
0xc: {  	s10 =	sshll.u32 s9, $0x8;
	s9 =	sor.u32 $0x5, s1;
	[smem:$0x7F1] =	sst s12  }
0xd: {  	s13 =	sshll.u32 s12, $0x8;
	s12 =	sor.u32 $0x8, s1;
	[dreg:$0x4] =	wrdreg s3  }
0xe: {  	s3 =	sadd.s32 s2, s4;
	s11 =	sshll.u32 s9, $0x8;
	s15 =	sshll.u32 s12, $0x8  }
0xf: {  	s9 =	sshll.u32 s9, $0xB;
	[dreg:$0x5] =	wrdreg s3;
	s3 =	sadd.s32 s2, s6  }
0x10: {  	[dreg:$0x6] =	wrdreg s3;
	s3 =	sadd.s32 s2, s8;
	s8 =	sshll.u32 s28, $0x8  }
0x11: {  	[dreg:$0x7] =	wrdreg s3;
	s3 =	sadd.s32 s2, s10;
	s10 =	sor.u32 $0x7, s1  }
0x12: {  	[dreg:$0x8] =	wrdreg s3;
	s3 =	sadd.s32 s2, s11;
	s14 =	sshll.u32 s10, $0x8  }
0x13: {  	s11 =	sor.u32 $0x9, s1;
	[dreg:$0x9] =	wrdreg s3;
	s3 =	sadd.s32 s2, s13  }
0x14: {  	s16 =	sshll.u32 s11, $0x8;
	s13 =	sor.u32 $0xA, s1;
	[dreg:$0xa] =	wrdreg s3  }
0x15: {  	s3 =	sadd.s32 s2, s14;
	s17 =	sshll.u32 s13, $0x8;
	s14 =	sor.u32 $0xC, s1  }
0x16: {  	[dreg:$0xb] =	wrdreg s3;
	s3 =	sadd.s32 s2, s15;
	s15 =	sor.u32 $0xB, s1  }
0x17: {  	s19 =	sshll.u32 s14, $0x8;
	[dreg:$0xc] =	wrdreg s3;
	s3 =	sadd.s32 s2, s16  }
0x18: {  	s18 =	sshll.u32 s15, $0x8;
	s16 =	sor.u32 $0xD, s1;
	[dreg:$0xd] =	wrdreg s3  }
0x19: {  	s3 =	sadd.s32 s2, s17;
	s20 =	sshll.u32 s16, $0x8;
	s17 =	sor.u32 $0xE, s1  }
0x1a: {  	[dreg:$0xe] =	wrdreg s3;
	s3 =	sadd.s32 s2, s18;
	s21 =	sshll.u32 s17, $0x8  }
0x1b: {  	s18 =	sor.u32 $0xF, s1;
	[dreg:$0xf] =	wrdreg s3;
	s3 =	sadd.s32 s2, s19  }
0x1c: {  	s22 =	sshll.u32 s18, $0x8;
	s19 =	sor.u32 $0x10, s1;
	[dreg:$0x10] =	wrdreg s3  }
0x1d: {  	s3 =	sadd.s32 s2, s20;
	s23 =	sshll.u32 s19, $0x8;
	s20 =	sor.u32 $0x11, s1  }
0x1e: {  	[dreg:$0x11] =	wrdreg s3;
	s3 =	sadd.s32 s2, s21;
	s24 =	sshll.u32 s20, $0x8  }
0x1f: {  	s21 =	sor.u32 $0x12, s1;
	[dreg:$0x12] =	wrdreg s3;
	s3 =	sadd.s32 s2, s22  }
0x20: {  	s25 =	sshll.u32 s21, $0x8;
	s22 =	sor.u32 $0x13, s1;
	s21 =	sshll.u32 s21, $0xB  }
0x21: {  	[dreg:$0x13] =	wrdreg s3;
	s3 =	sadd.s32 s2, s23;
	s26 =	sshll.u32 s22, $0x8  }
0x22: {  	s23 =	sor.u32 $0x14, s1;
	[dreg:$0x14] =	wrdreg s3;
	s3 =	sadd.s32 s2, s24  }
0x23: {  	s4 =	sshll.u32 s23, $0x8;
	s24 =	sor.u32 $0x15, s1;
	[dreg:$0x15] =	wrdreg s3  }
0x24: {  	s3 =	sadd.s32 s2, s25;
	s5 =	sshll.u32 s24, $0x8;
	s25 =	sor.u32 $0x16, s1  }
0x25: {  	[dreg:$0x16] =	wrdreg s3;
	s3 =	sadd.s32 s2, s26;
	s6 =	sshll.u32 s25, $0x8  }
0x26: {  	s26 =	sor.u32 $0x17, s1;
	[dreg:$0x17] =	wrdreg s3;
	s3 =	sadd.s32 s2, s4  }
0x27: {  	s7 =	sshll.u32 s26, $0x8;
	[dreg:$0x18] =	wrdreg s3;
	s3 =	sadd.s32 s2, s5  }
0x28: {  	s4 =	sshll.u32 s29, $0x8;
	[dreg:$0x19] =	wrdreg s3;
	s3 =	sadd.s32 s2, s6  }
0x29: {  	s5 =	sshll.u32 s30, $0x8;
	[dreg:$0x1a] =	wrdreg s3;
	s3 =	sadd.s32 s2, s7  }
0x2a: {  	s6 =	sshll.u32 s31, $0x8;
	[dreg:$0x1b] =	wrdreg s3;
	s3 =	sadd.s32 s2, s8  }
0x2b: {  	s8 =	sor.u32 $0x1C, s1;
	[dreg:$0x1c] =	wrdreg s3;
	s3 =	sadd.s32 s2, s4  }
0x2c: {  	s7 =	sshll.u32 s8, $0x8;
	[dreg:$0x1d] =	wrdreg s3;
	s3 =	sadd.s32 s2, s5  }
0x2d: {  	s5 =	sor.u32 $0x1D, s1;
	[dreg:$0x1e] =	wrdreg s3;
	s3 =	sadd.s32 s2, s6  }
0x2e: {  	s4 =	sshll.u32 s5, $0x8;
	[dreg:$0x1f] =	wrdreg s3;
	s3 =	sadd.s32 s2, s7  }
0x2f: {  	s6 =	sor.u32 $0x1E, s1;
	s1 =	sadd.s32 s2, s4;
	[smem:$0x7E3] =	sst s3  }
0x30: {  	s7 =	sshll.u32 s6, $0x8;
	s4 =	sshllo.u32 s0, $0x5;
	[smem:$0x7E4] =	sst s1  }
0x31: {  	s1 =	sadd.s32 s2, s7;
	s3 =	sshll.u32 s0, $0x10;
	s0 =	rddreg [dreg:$0x2]  }
0x32: {  	s22 =	sshll.u32 s22, $0xB;
	s7 =	sshll.u32 s4, $0x8;
	[smem:$0x7E5] =	sst s1  }
0x33: {  	s23 =	sshll.u32 s23, $0xB;
	s2 =	sadd.s32 s2, s7;
	s7 =	sld [smem:$0x7E8]  }
0x34: {  	s5 =	sshll.u32 s5, $0xB;
	s1 =	simm.s32 $0x0;
	[smem:$0x7E6] =	sst s2  }
0x35: {  	s4 =	sshll.u32 s4, $0xB;
	s3 =	sadd.s32 s0, s3;
	[smem:$0x7FF] =	sst s1  }
0x36: {  	s9 =	sadd.s32 s0, s9;
	s21 =	sadd.s32 s0, s21;
	s2 =	sld [smem:$0x7E7]  }
0x37: {  	s22 =	sadd.s32 s0, s22;
	s23 =	sadd.s32 s0, s23;
	[smem:$0x7E9] =	sst s3  }
0x38: {  	s4 =	sadd.s32 s0, s4;
	[smem:$0x7F0] =	sst s9;
	s9 =	sshll.u32 s12, $0xB  }
0x39: {  	s3 =	sld [smem:$0x7EC];
	s12 =	sadd.s32 s0, s9;
	s7 =	sshll.u32 s7, $0xB  }
0x3a: {  	s9 =	sshll.u32 s15, $0xB;
	[smem:$0x7F4] =	sst s12;
	s7 =	sadd.s32 s0, s7  }
0x3b: {  	s12 =	sshll.u32 s14, $0xB;
	s14 =	sshll.u32 s17, $0xB;
	[smem:$0x7EB] =	sst s7  }
0x3c: {  	s17 =	sshll.u32 s18, $0xB;
	s2 =	sshll.u32 s2, $0xB;
	s7 =	sld [smem:$0x7ED]  }
0x3d: {  	s18 =	sshll.u32 s19, $0xB;
	s19 =	sshll.u32 s20, $0xB;
	s2 =	sadd.s32 s0, s2  }
0x3e: {  	s20 =	sadd.s32 s0, s18;
	[smem:$0x7EA] =	sst s2;
	s2 =	sshll.u32 s3, $0xB  }
0x3f: {  	[smem:$0x7FC] =	sst s20;
	s2 =	sadd.s32 s0, s2;
	s3 =	sshll.u32 s7, $0xB  }
0x40: {  	[smem:$0x7EE] =	sst s2;
	s7 =	sshll.u32 s10, $0xB;
	s3 =	sadd.s32 s0, s3  }
0x41: {  	s20 =	sadd.s32 s0, s19;
	s10 =	sadd.s32 s0, s7;
	[smem:$0x7EF] =	sst s3  }
0x42: {  	s7 =	sshll.u32 s13, $0xB;
	s13 =	sshll.u32 s16, $0xB;
	s3 =	sld [smem:$0x7F1]  }
0x43: {  	s16 =	sadd.s32 s0, s14;
	s14 =	sshll.u32 s30, $0xB;
	[smem:$0x7F3] =	sst s10  }
0x44: {  	s10 =	sadd.s32 s0, s7;
	s15 =	sadd.s32 s0, s13;
	[smem:$0x7FA] =	sst s16  }
0x45: {  	s13 =	sshll.u32 s29, $0xB;
	s30 =	sadd.s32 s0, s14;
	s16 =	sshll.u32 s8, $0xB  }
0x46: {  	s7 =	simm.s32 $0x4000;
	s8 =	simm.s32 $0x1;
	[smem:$0x7F6] =	sst s10  }
0x47: {  	s14 =	simm.s32 $0x4;
	[smem:$0x7F9] =	sst s15;
	s10 =	sshll.u32 s25, $0xB  }
0x48: {  	s29 =	sadd.s32 s0, s13;
	s15 =	sshll.u32 s31, $0xB;
	s19 =	sadd.s32 s0, s16  }
0x49: {  	s2 =	sshll.u32 s3, $0xB;
	s3 =	sshll.u32 s11, $0xB;
	s11 =	sadd.s32 s0, s9  }
0x4a: {  	s13 =	simm.s32 $0x3;
	s2 =	sadd.s32 s0, s2;
	[smem:$0x7F7] =	sst s11  }
0x4b: {  	s25 =	sadd.s32 s0, s10;
	[smem:$0x7F2] =	sst s2;
	s2 =	sadd.s32 s0, s3  }
0x4c: {  	s31 =	sadd.s32 s0, s15;
	[smem:$0x7F5] =	sst s2;
	s2 =	sadd.s32 s0, s12  }
0x4d: {  	s10 =	simm.s32 $0x5000;
	[smem:$0x7F8] =	sst s2;
	s2 =	sadd.s32 s0, s17  }
0x4e: {  	s15 =	simm.s32 $0x0;
	s9 =	sshll.u32 s24, $0xB;
	[smem:$0x7FB] =	sst s2  }
0x4f: {  	s11 =	sshll.u32 s26, $0xB;
	s24 =	sadd.s32 s0, s9;
	_ =	strace $0x80000047  }
0x50: {  	s9 =	simm.s32 $0x4800;
	s12 =	sshll.u32 s28, $0xB;
	s18 =	sld [smem:$0x7FD]  }
0x51: {  	s26 =	sadd.s32 s0, s11;
	s11 =	simm.s32 $0x2;
	s28 =	sadd.s32 s0, s12  }
0x52: {  	s17 =	sshll.u32 s6, $0xB;
	s6 =	simm.s32 $0x5;
	s12 =	simm.s32 $0x9000  }
0x53: {  	s2 =	sadd.s32 s0, s5;
	s3 =	sadd.s32 s0, s17;
	s5 =	smax.u32 s18, $0x1  }
.LBB2_1:
0x54: {  	s0 =	rddreg [dreg:$0x1]  }
0x55: {  	[tilespmem:s1], [sflag:$0x5] =	stream.linear.gather [hbm4b:s0+s1], $0x4000, $0x38;
	[tilespmem:$0xD000] =	vst v63  }
0x56: {  	_ =	swait.ge [sflag:s6], $0x4000  }
0x57: {  	[sflag:s6] =	ssyncset.done $0x0  }
0x58: {  	s16 =	rddreg [dreg:$0x4];
	[sflag:s6] =	ssyncadd.s32 $0xFFFFC000  }
0x59: {  	[tilespmem:s7], [sflag:$0x1] =	stream.linear.gather [hbm4b:s16+s1], $0x800, $0x38;
	[tilespmem:$0xD000] =	vst v63  }
0x5a: {  	_ =	swait.ge [sflag:s8], $0x800  }
0x5b: {  	[sflag:s8] =	ssyncset.done $0x0  }
0x5c: {  	s18 =	simm.s32 $0x40;
	s17 =	rddreg [dreg:$0x5];
	[sflag:s8] =	ssyncadd.s32 $0xFFFFF800  }
0x5d: {  	[tilespmem:s9], [sflag:$0x2] =	stream.linear.gather [hbm4b:s17+s1], $0x800, $0x38;
	[tilespmem:$0xD000] =	vst v63  }
0x5e: {  	v0 =	vld [tilespmem:s18+$0x30]  }
0x5f: {  	v1 =	vld [tilespmem:s18+$0xFFFFFFD0]  }
0x60: {  	v2 =	vld [tilespmem:s18+$0xFFFFFFE0]  }
0x61: {  	v3 =	vld [tilespmem:s18+$0xFFFFFFF0]  }
0x62: {  	v4 =	vld [tilespmem:s18+$0x0]  }
0x63: {  	v6 =	vld [tilespmem:s18+$0x10]  }
0x64: {  	v7 =	vld [tilespmem:s18+$0x20]  }
0x65: {  	v8 =	vld [tilespmem:s18+$0xFFFFFFC0]  }
0x66: {  	v9 =	vld.idx.msk [tilespmem:v0+s7+$0x0], $0xffff  }
0x67: {  	v10 =	vld.idx.msk [tilespmem:v1+s7+$0x0], $0xffff  }
0x68: {  	v5 =	vld.idx.msk [tilespmem:v2+s7+$0x0], $0xffff  }
0x69: {  	v3 =	vld.idx.msk [tilespmem:v3+s7+$0x0], $0xffff  }
0x6a: {  	v0 =	vld.idx.msk [tilespmem:v4+s7+$0x0], $0xffff  }
0x6b: {  	s16 =	simm.s32 $0x5040;
	v1 =	vld.idx.msk [tilespmem:v6+s7+$0x0], $0xffff  }
0x6c: {  	v2 =	vld.idx.msk [tilespmem:v7+s7+$0x0], $0xffff;
	[tilespmem:s16+$0x30] =	vst v9  }
0x6d: {  	s17 =	simm.s32 $0x0;
	s18 =	simm.s32 $0xC0;
	v4 =	vld.idx.msk [tilespmem:v8+s7+$0x0], $0xffff;
	[tilespmem:s16+$0xFFFFFFD0] =	vst v10  }
.LBB2_2:
0x6e: {  	v6 =	vld [tilespmem:s18+$0x30];
	s17 =	sadd.s32 $0x8, s17;
	[tilespmem:s16+$0xFFFFFFE0] =	vst v5  }
0x6f: {  	v5 =	vld [tilespmem:s18+$0xFFFFFFD0];
	p0 =	slt.u32 s17, $0x3F8;
	[tilespmem:s16+$0xFFFFFFF0] =	vst v3  }
0x70: {  	v3 =	vld [tilespmem:s18+$0xFFFFFFE0];
	[tilespmem:s16+$0x0] =	vst v0  }
0x71: {  	v0 =	vld [tilespmem:s18+$0xFFFFFFF0];
	[tilespmem:s16+$0x10] =	vst v1  }
0x72: {  	v1 =	vld [tilespmem:s18+$0x0];
	[tilespmem:s16+$0x20] =	vst v2  }
0x73: {  	v2 =	vld [tilespmem:s18+$0x10];
	[tilespmem:s16+$0xFFFFFFC0] =	vst v4  }
0x74: {  	v4 =	vld [tilespmem:s18+$0x20]  }
0x75: {  	v7 =	vld [tilespmem:s18+$0xFFFFFFC0]  }
0x76: {  	v6 =	vld.idx.msk [tilespmem:v6+s7+$0x0], $0xffff  }
0x77: {  	v8 =	vld.idx.msk [tilespmem:v5+s7+$0x0], $0xffff  }
0x78: {  	v5 =	vld.idx.msk [tilespmem:v3+s7+$0x0], $0xffff  }
.Ltmp0:
0x79: {  	v3 =	vld.idx.msk [tilespmem:v0+s7+$0x0], $0xffff;
	(pc) =	sbr.rel @p0 .LBB2_2-.Ltmp0, $4  }
0x7a: {  	v0 =	vld.idx.msk [tilespmem:v1+s7+$0x0], $0xffff  }
0x7b: {  	s16 =	sadd.s32 $0x80, s16;
	v1 =	vld.idx.msk [tilespmem:v2+s7+$0x0], $0xffff  }
0x7c: {  	v2 =	vld.idx.msk [tilespmem:v4+s7+$0x0], $0xffff;
	[tilespmem:s16+$0x30] =	vst v6  }
0x7d: {  	s18 =	sadd.s32 $0x80, s18;
	v4 =	vld.idx.msk [tilespmem:v7+s7+$0x0], $0xffff;
	[tilespmem:s16+$0xFFFFFFD0] =	vst v8  }
0x7e: {  	[tilespmem:s16+$0xFFFFFFE0] =	vst v5  }
0x7f: {  	[tilespmem:s16+$0xFFFFFFF0] =	vst v3  }
0x80: {  	[tilespmem:s16+$0x0] =	vst v0  }
0x81: {  	[tilespmem:s16+$0x10] =	vst v1  }
0x82: {  	[tilespmem:s16+$0x20] =	vst v2  }
0x83: {  	[tilespmem:s16+$0xFFFFFFC0] =	vst v4  }
0x84: {  	s0 =	sld [smem:$0x7E9];
	_ =	sdelay $0x2  }
0x85: {  	[hbm4b:s0+s1] =	stream.linear.scatter [tilespmem:s10], [sflag:$0x3], $0x4000, $0x38;
	[tilespmem:$0xD000] =	vst v63  }
0x86: {  	_ =	swait.ge [sflag:s11], $0x800  }
0x87: {  	[sflag:s11] =	ssyncset.done $0x0  }
0x88: {  	s18 =	simm.s32 $0x40;
	s17 =	rddreg [dreg:$0x6];
	[sflag:s11] =	ssyncadd.s32 $0xFFFFF800  }
0x89: {  	[tilespmem:s7], [sflag:$0x1] =	stream.linear.gather [hbm4b:s17+s1], $0x800, $0x38;
	[tilespmem:$0xD000] =	vst v63  }
0x8a: {  	v0 =	vld [tilespmem:s18+$0x30]  }
0x8b: {  	v1 =	vld [tilespmem:s18+$0xFFFFFFD0]  }
0x8c: {  	v2 =	vld [tilespmem:s18+$0xFFFFFFE0]  }
0x8d: {  	v3 =	vld [tilespmem:s18+$0xFFFFFFF0]  }
0x8e: {  	v4 =	vld [tilespmem:s18+$0x0]  }
0x8f: {  	v6 =	vld [tilespmem:s18+$0x10]  }
0x90: {  	v7 =	vld [tilespmem:s18+$0x20]  }
0x91: {  	v8 =	vld [tilespmem:s18+$0xFFFFFFC0]  }
0x92: {  	v9 =	vld.idx.msk [tilespmem:v0+s9+$0x0], $0xffff  }
0x93: {  	v10 =	vld.idx.msk [tilespmem:v1+s9+$0x0], $0xffff  }
0x94: {  	v5 =	vld.idx.msk [tilespmem:v2+s9+$0x0], $0xffff  }
0x95: {  	v3 =	vld.idx.msk [tilespmem:v3+s9+$0x0], $0xffff  }
0x96: {  	v0 =	vld.idx.msk [tilespmem:v4+s9+$0x0], $0xffff  }
0x97: {  	s16 =	simm.s32 $0x9040;
	v1 =	vld.idx.msk [tilespmem:v6+s9+$0x0], $0xffff  }
0x98: {  	v2 =	vld.idx.msk [tilespmem:v7+s9+$0x0], $0xffff;
	[tilespmem:s16+$0x30] =	vst v9  }
0x99: {  	s17 =	simm.s32 $0x0;
	s18 =	simm.s32 $0xC0;
	v4 =	vld.idx.msk [tilespmem:v8+s9+$0x0], $0xffff;
	[tilespmem:s16+$0xFFFFFFD0] =	vst v10  }
.LBB2_4:
0x9a: {  	v6 =	vld [tilespmem:s18+$0x30];
	s17 =	sadd.s32 $0x8, s17;
	[tilespmem:s16+$0xFFFFFFE0] =	vst v5  }
0x9b: {  	v5 =	vld [tilespmem:s18+$0xFFFFFFD0];
	p0 =	slt.u32 s17, $0x3F8;
	[tilespmem:s16+$0xFFFFFFF0] =	vst v3  }
0x9c: {  	v3 =	vld [tilespmem:s18+$0xFFFFFFE0];
	[tilespmem:s16+$0x0] =	vst v0  }
0x9d: {  	v0 =	vld [tilespmem:s18+$0xFFFFFFF0];
	[tilespmem:s16+$0x10] =	vst v1  }
0x9e: {  	v1 =	vld [tilespmem:s18+$0x0];
	[tilespmem:s16+$0x20] =	vst v2  }
0x9f: {  	v2 =	vld [tilespmem:s18+$0x10];
	[tilespmem:s16+$0xFFFFFFC0] =	vst v4  }
0xa0: {  	v4 =	vld [tilespmem:s18+$0x20]  }
0xa1: {  	v7 =	vld [tilespmem:s18+$0xFFFFFFC0]  }
0xa2: {  	v6 =	vld.idx.msk [tilespmem:v6+s9+$0x0], $0xffff  }
0xa3: {  	v8 =	vld.idx.msk [tilespmem:v5+s9+$0x0], $0xffff  }
0xa4: {  	v5 =	vld.idx.msk [tilespmem:v3+s9+$0x0], $0xffff  }
.Ltmp1:
0xa5: {  	v3 =	vld.idx.msk [tilespmem:v0+s9+$0x0], $0xffff;
	(pc) =	sbr.rel @p0 .LBB2_4-.Ltmp1, $4  }
0xa6: {  	v0 =	vld.idx.msk [tilespmem:v1+s9+$0x0], $0xffff  }
0xa7: {  	s16 =	sadd.s32 $0x80, s16;
	v1 =	vld.idx.msk [tilespmem:v2+s9+$0x0], $0xffff  }
0xa8: {  	v2 =	vld.idx.msk [tilespmem:v4+s9+$0x0], $0xffff;
	[tilespmem:s16+$0x30] =	vst v6  }
0xa9: {  	s18 =	sadd.s32 $0x80, s18;
	v4 =	vld.idx.msk [tilespmem:v7+s9+$0x0], $0xffff;
	[tilespmem:s16+$0xFFFFFFD0] =	vst v8  }
0xaa: {  	[tilespmem:s16+$0xFFFFFFE0] =	vst v5  }
0xab: {  	[tilespmem:s16+$0xFFFFFFF0] =	vst v3  }
0xac: {  	[tilespmem:s16+$0x0] =	vst v0  }
0xad: {  	[tilespmem:s16+$0x10] =	vst v1  }
0xae: {  	[tilespmem:s16+$0x20] =	vst v2  }
0xaf: {  	[tilespmem:s16+$0xFFFFFFC0] =	vst v4  }
0xb0: {  	s0 =	sld [smem:$0x7EA];
	_ =	sdelay $0x2  }
0xb1: {  	[hbm4b:s0+s1] =	stream.linear.scatter [tilespmem:s12], [sflag:$0x4], $0x4000, $0x38;
	[tilespmem:$0xD000] =	vst v63  }
0xb2: {  	_ =	swait.ge [sflag:s8], $0x800  }
0xb3: {  	[sflag:s8] =	ssyncset.done $0x0  }
0xb4: {  	s17 =	rddreg [dreg:$0x7];
	[sflag:s8] =	ssyncadd.s32 $0xFFFFF800  }
0xb5: {  	[tilespmem:s9], [sflag:$0x2] =	stream.linear.gather [hbm4b:s17+s1], $0x800, $0x38;
	[tilespmem:$0xD000] =	vst v63  }
0xb6: {  	_ =	swait.ge [sflag:s13], $0x4000  }
0xb7: {  	[sflag:s13] =	ssyncset.done $0x0  }
0xb8: {  	s18 =	simm.s32 $0x40;
	[sflag:s13] =	ssyncadd.s32 $0xFFFFC000  }
0xb9: {  	v0 =	vld [tilespmem:s18+$0x30]  }
0xba: {  	v1 =	vld [tilespmem:s18+$0xFFFFFFD0]  }
0xbb: {  	v2 =	vld [tilespmem:s18+$0xFFFFFFE0]  }
0xbc: {  	v3 =	vld [tilespmem:s18+$0xFFFFFFF0]  }
0xbd: {  	v4 =	vld [tilespmem:s18+$0x0]  }
0xbe: {  	v6 =	vld [tilespmem:s18+$0x10]  }
0xbf: {  	v7 =	vld [tilespmem:s18+$0x20]  }
0xc0: {  	v8 =	vld [tilespmem:s18+$0xFFFFFFC0]  }
0xc1: {  	v9 =	vld.idx.msk [tilespmem:v0+s7+$0x0], $0xffff  }
0xc2: {  	v10 =	vld.idx.msk [tilespmem:v1+s7+$0x0], $0xffff  }
0xc3: {  	v5 =	vld.idx.msk [tilespmem:v2+s7+$0x0], $0xffff  }
0xc4: {  	v3 =	vld.idx.msk [tilespmem:v3+s7+$0x0], $0xffff  }
0xc5: {  	v0 =	vld.idx.msk [tilespmem:v4+s7+$0x0], $0xffff  }
0xc6: {  	s16 =	simm.s32 $0x5040;
	v1 =	vld.idx.msk [tilespmem:v6+s7+$0x0], $0xffff  }
0xc7: {  	v2 =	vld.idx.msk [tilespmem:v7+s7+$0x0], $0xffff;
	[tilespmem:s16+$0x30] =	vst v9  }
0xc8: {  	s17 =	simm.s32 $0x0;
	s18 =	simm.s32 $0xC0;
	v4 =	vld.idx.msk [tilespmem:v8+s7+$0x0], $0xffff;
	[tilespmem:s16+$0xFFFFFFD0] =	vst v10  }
.LBB2_6:
0xc9: {  	v6 =	vld [tilespmem:s18+$0x30];
	s17 =	sadd.s32 $0x8, s17;
	[tilespmem:s16+$0xFFFFFFE0] =	vst v5  }
0xca: {  	v5 =	vld [tilespmem:s18+$0xFFFFFFD0];
	p0 =	slt.u32 s17, $0x3F8;
	[tilespmem:s16+$0xFFFFFFF0] =	vst v3  }
0xcb: {  	v3 =	vld [tilespmem:s18+$0xFFFFFFE0];
	[tilespmem:s16+$0x0] =	vst v0  }
0xcc: {  	v0 =	vld [tilespmem:s18+$0xFFFFFFF0];
	[tilespmem:s16+$0x10] =	vst v1  }
0xcd: {  	v1 =	vld [tilespmem:s18+$0x0];
	[tilespmem:s16+$0x20] =	vst v2  }
0xce: {  	v2 =	vld [tilespmem:s18+$0x10];
	[tilespmem:s16+$0xFFFFFFC0] =	vst v4  }
0xcf: {  	v4 =	vld [tilespmem:s18+$0x20]  }
0xd0: {  	v7 =	vld [tilespmem:s18+$0xFFFFFFC0]  }
0xd1: {  	v6 =	vld.idx.msk [tilespmem:v6+s7+$0x0], $0xffff  }
0xd2: {  	v8 =	vld.idx.msk [tilespmem:v5+s7+$0x0], $0xffff  }
0xd3: {  	v5 =	vld.idx.msk [tilespmem:v3+s7+$0x0], $0xffff  }
.Ltmp2:
0xd4: {  	v3 =	vld.idx.msk [tilespmem:v0+s7+$0x0], $0xffff;
	(pc) =	sbr.rel @p0 .LBB2_6-.Ltmp2, $4  }
0xd5: {  	v0 =	vld.idx.msk [tilespmem:v1+s7+$0x0], $0xffff  }
0xd6: {  	s16 =	sadd.s32 $0x80, s16;
	v1 =	vld.idx.msk [tilespmem:v2+s7+$0x0], $0xffff  }
0xd7: {  	v2 =	vld.idx.msk [tilespmem:v4+s7+$0x0], $0xffff;
	[tilespmem:s16+$0x30] =	vst v6  }
0xd8: {  	s18 =	sadd.s32 $0x80, s18;
	v4 =	vld.idx.msk [tilespmem:v7+s7+$0x0], $0xffff;
	[tilespmem:s16+$0xFFFFFFD0] =	vst v8  }
0xd9: {  	[tilespmem:s16+$0xFFFFFFE0] =	vst v5  }
0xda: {  	[tilespmem:s16+$0xFFFFFFF0] =	vst v3  }
0xdb: {  	[tilespmem:s16+$0x0] =	vst v0  }
0xdc: {  	[tilespmem:s16+$0x10] =	vst v1  }
0xdd: {  	[tilespmem:s16+$0x20] =	vst v2  }
0xde: {  	[tilespmem:s16+$0xFFFFFFC0] =	vst v4  }
0xdf: {  	s0 =	sld [smem:$0x7EB];
	_ =	sdelay $0x2  }
0xe0: {  	[hbm4b:s0+s1] =	stream.linear.scatter [tilespmem:s10], [sflag:$0x3], $0x4000, $0x38;
	[tilespmem:$0xD000] =	vst v63  }
0xe1: {  	_ =	swait.ge [sflag:s11], $0x800  }
0xe2: {  	[sflag:s11] =	ssyncset.done $0x0  }
0xe3: {  	s17 =	rddreg [dreg:$0x8];
	[sflag:s11] =	ssyncadd.s32 $0xFFFFF800  }
0xe4: {  	[tilespmem:s7], [sflag:$0x1] =	stream.linear.gather [hbm4b:s17+s1], $0x800, $0x38;
	[tilespmem:$0xD000] =	vst v63  }
0xe5: {  	_ =	swait.ge [sflag:s14], $0x4000  }
0xe6: {  	[sflag:s14] =	ssyncset.done $0x0  }
0xe7: {  	s18 =	simm.s32 $0x40;
	[sflag:s14] =	ssyncadd.s32 $0xFFFFC000  }
0xe8: {  	v0 =	vld [tilespmem:s18+$0x30]  }
0xe9: {  	v1 =	vld [tilespmem:s18+$0xFFFFFFD0]  }
0xea: {  	v2 =	vld [tilespmem:s18+$0xFFFFFFE0]  }
0xeb: {  	v3 =	vld [tilespmem:s18+$0xFFFFFFF0]  }
0xec: {  	v4 =	vld [tilespmem:s18+$0x0]  }
0xed: {  	v6 =	vld [tilespmem:s18+$0x10]  }
0xee: {  	v7 =	vld [tilespmem:s18+$0x20]  }
0xef: {  	v8 =	vld [tilespmem:s18+$0xFFFFFFC0]  }
0xf0: {  	v9 =	vld.idx.msk [tilespmem:v0+s9+$0x0], $0xffff  }
0xf1: {  	v10 =	vld.idx.msk [tilespmem:v1+s9+$0x0], $0xffff  }
0xf2: {  	v5 =	vld.idx.msk [tilespmem:v2+s9+$0x0], $0xffff  }
0xf3: {  	v3 =	vld.idx.msk [tilespmem:v3+s9+$0x0], $0xffff  }
0xf4: {  	v0 =	vld.idx.msk [tilespmem:v4+s9+$0x0], $0xffff  }
0xf5: {  	s16 =	simm.s32 $0x9040;
	v1 =	vld.idx.msk [tilespmem:v6+s9+$0x0], $0xffff  }
0xf6: {  	v2 =	vld.idx.msk [tilespmem:v7+s9+$0x0], $0xffff;
	[tilespmem:s16+$0x30] =	vst v9  }
0xf7: {  	s17 =	simm.s32 $0x0;
	s18 =	simm.s32 $0xC0;
	v4 =	vld.idx.msk [tilespmem:v8+s9+$0x0], $0xffff;
	[tilespmem:s16+$0xFFFFFFD0] =	vst v10  }
.LBB2_8:
0xf8: {  	v6 =	vld [tilespmem:s18+$0x30];
	s17 =	sadd.s32 $0x8, s17;
	[tilespmem:s16+$0xFFFFFFE0] =	vst v5  }
0xf9: {  	v5 =	vld [tilespmem:s18+$0xFFFFFFD0];
	p0 =	slt.u32 s17, $0x3F8;
	[tilespmem:s16+$0xFFFFFFF0] =	vst v3  }
0xfa: {  	v3 =	vld [tilespmem:s18+$0xFFFFFFE0];
	[tilespmem:s16+$0x0] =	vst v0  }
0xfb: {  	v0 =	vld [tilespmem:s18+$0xFFFFFFF0];
	[tilespmem:s16+$0x10] =	vst v1  }
0xfc: {  	v1 =	vld [tilespmem:s18+$0x0];
	[tilespmem:s16+$0x20] =	vst v2  }
0xfd: {  	v2 =	vld [tilespmem:s18+$0x10];
	[tilespmem:s16+$0xFFFFFFC0] =	vst v4  }
0xfe: {  	v4 =	vld [tilespmem:s18+$0x20]  }
0xff: {  	v7 =	vld [tilespmem:s18+$0xFFFFFFC0]  }
0x100: {  	v6 =	vld.idx.msk [tilespmem:v6+s9+$0x0], $0xffff  }
0x101: {  	v8 =	vld.idx.msk [tilespmem:v5+s9+$0x0], $0xffff  }
0x102: {  	v5 =	vld.idx.msk [tilespmem:v3+s9+$0x0], $0xffff  }
.Ltmp3:
0x103: {  	v3 =	vld.idx.msk [tilespmem:v0+s9+$0x0], $0xffff;
	(pc) =	sbr.rel @p0 .LBB2_8-.Ltmp3, $4  }
0x104: {  	v0 =	vld.idx.msk [tilespmem:v1+s9+$0x0], $0xffff  }
0x105: {  	s16 =	sadd.s32 $0x80, s16;
	v1 =	vld.idx.msk [tilespmem:v2+s9+$0x0], $0xffff  }
0x106: {  	v2 =	vld.idx.msk [tilespmem:v4+s9+$0x0], $0xffff;
	[tilespmem:s16+$0x30] =	vst v6  }
0x107: {  	s18 =	sadd.s32 $0x80, s18;
	v4 =	vld.idx.msk [tilespmem:v7+s9+$0x0], $0xffff;
	[tilespmem:s16+$0xFFFFFFD0] =	vst v8  }
0x108: {  	[tilespmem:s16+$0xFFFFFFE0] =	vst v5  }
0x109: {  	[tilespmem:s16+$0xFFFFFFF0] =	vst v3  }
0x10a: {  	[tilespmem:s16+$0x0] =	vst v0  }
0x10b: {  	[tilespmem:s16+$0x10] =	vst v1  }
0x10c: {  	[tilespmem:s16+$0x20] =	vst v2  }
0x10d: {  	[tilespmem:s16+$0xFFFFFFC0] =	vst v4  }
0x10e: {  	s0 =	sld [smem:$0x7EE];
	_ =	sdelay $0x2  }
0x10f: {  	[hbm4b:s0+s1] =	stream.linear.scatter [tilespmem:s12], [sflag:$0x4], $0x4000, $0x38;
	[tilespmem:$0xD000] =	vst v63  }
0x110: {  	_ =	swait.ge [sflag:s8], $0x800  }
0x111: {  	[sflag:s8] =	ssyncset.done $0x0  }
0x112: {  	s17 =	rddreg [dreg:$0x9];
	[sflag:s8] =	ssyncadd.s32 $0xFFFFF800  }
0x113: {  	[tilespmem:s9], [sflag:$0x2] =	stream.linear.gather [hbm4b:s17+s1], $0x800, $0x38;
	[tilespmem:$0xD000] =	vst v63  }
0x114: {  	_ =	swait.ge [sflag:s13], $0x4000  }
0x115: {  	[sflag:s13] =	ssyncset.done $0x0  }
0x116: {  	s18 =	simm.s32 $0x40;
	[sflag:s13] =	ssyncadd.s32 $0xFFFFC000  }
0x117: {  	v0 =	vld [tilespmem:s18+$0x30]  }
0x118: {  	v1 =	vld [tilespmem:s18+$0xFFFFFFD0]  }
0x119: {  	v2 =	vld [tilespmem:s18+$0xFFFFFFE0]  }
0x11a: {  	v3 =	vld [tilespmem:s18+$0xFFFFFFF0]  }
0x11b: {  	v4 =	vld [tilespmem:s18+$0x0]  }
0x11c: {  	v6 =	vld [tilespmem:s18+$0x10]  }
0x11d: {  	v7 =	vld [tilespmem:s18+$0x20]  }
0x11e: {  	v8 =	vld [tilespmem:s18+$0xFFFFFFC0]  }
0x11f: {  	v9 =	vld.idx.msk [tilespmem:v0+s7+$0x0], $0xffff  }
0x120: {  	v10 =	vld.idx.msk [tilespmem:v1+s7+$0x0], $0xffff  }
0x121: {  	v5 =	vld.idx.msk [tilespmem:v2+s7+$0x0], $0xffff  }
0x122: {  	v3 =	vld.idx.msk [tilespmem:v3+s7+$0x0], $0xffff  }
0x123: {  	v0 =	vld.idx.msk [tilespmem:v4+s7+$0x0], $0xffff  }
0x124: {  	s16 =	simm.s32 $0x5040;
	v1 =	vld.idx.msk [tilespmem:v6+s7+$0x0], $0xffff  }
0x125: {  	v2 =	vld.idx.msk [tilespmem:v7+s7+$0x0], $0xffff;
	[tilespmem:s16+$0x30] =	vst v9  }
0x126: {  	s17 =	simm.s32 $0x0;
	s18 =	simm.s32 $0xC0;
	v4 =	vld.idx.msk [tilespmem:v8+s7+$0x0], $0xffff;
	[tilespmem:s16+$0xFFFFFFD0] =	vst v10  }
.LBB2_10:
0x127: {  	v6 =	vld [tilespmem:s18+$0x30];
	s17 =	sadd.s32 $0x8, s17;
	[tilespmem:s16+$0xFFFFFFE0] =	vst v5  }
0x128: {  	v5 =	vld [tilespmem:s18+$0xFFFFFFD0];
	p0 =	slt.u32 s17, $0x3F8;
	[tilespmem:s16+$0xFFFFFFF0] =	vst v3  }
0x129: {  	v3 =	vld [tilespmem:s18+$0xFFFFFFE0];
	[tilespmem:s16+$0x0] =	vst v0  }
0x12a: {  	v0 =	vld [tilespmem:s18+$0xFFFFFFF0];
	[tilespmem:s16+$0x10] =	vst v1  }
0x12b: {  	v1 =	vld [tilespmem:s18+$0x0];
	[tilespmem:s16+$0x20] =	vst v2  }
0x12c: {  	v2 =	vld [tilespmem:s18+$0x10];
	[tilespmem:s16+$0xFFFFFFC0] =	vst v4  }
0x12d: {  	v4 =	vld [tilespmem:s18+$0x20]  }
0x12e: {  	v7 =	vld [tilespmem:s18+$0xFFFFFFC0]  }
0x12f: {  	v6 =	vld.idx.msk [tilespmem:v6+s7+$0x0], $0xffff  }
0x130: {  	v8 =	vld.idx.msk [tilespmem:v5+s7+$0x0], $0xffff  }
0x131: {  	v5 =	vld.idx.msk [tilespmem:v3+s7+$0x0], $0xffff  }
.Ltmp4:
0x132: {  	v3 =	vld.idx.msk [tilespmem:v0+s7+$0x0], $0xffff;
	(pc) =	sbr.rel @p0 .LBB2_10-.Ltmp4, $4  }
0x133: {  	v0 =	vld.idx.msk [tilespmem:v1+s7+$0x0], $0xffff  }
0x134: {  	s16 =	sadd.s32 $0x80, s16;
	v1 =	vld.idx.msk [tilespmem:v2+s7+$0x0], $0xffff  }
0x135: {  	v2 =	vld.idx.msk [tilespmem:v4+s7+$0x0], $0xffff;
	[tilespmem:s16+$0x30] =	vst v6  }
0x136: {  	s18 =	sadd.s32 $0x80, s18;
	v4 =	vld.idx.msk [tilespmem:v7+s7+$0x0], $0xffff;
	[tilespmem:s16+$0xFFFFFFD0] =	vst v8  }
0x137: {  	[tilespmem:s16+$0xFFFFFFE0] =	vst v5  }
0x138: {  	[tilespmem:s16+$0xFFFFFFF0] =	vst v3  }
0x139: {  	[tilespmem:s16+$0x0] =	vst v0  }
0x13a: {  	[tilespmem:s16+$0x10] =	vst v1  }
0x13b: {  	[tilespmem:s16+$0x20] =	vst v2  }
0x13c: {  	[tilespmem:s16+$0xFFFFFFC0] =	vst v4  }
0x13d: {  	s0 =	sld [smem:$0x7EF];
	_ =	sdelay $0x2  }
0x13e: {  	[hbm4b:s0+s1] =	stream.linear.scatter [tilespmem:s10], [sflag:$0x3], $0x4000, $0x38;
	[tilespmem:$0xD000] =	vst v63  }
0x13f: {  	_ =	swait.ge [sflag:s11], $0x800  }
0x140: {  	[sflag:s11] =	ssyncset.done $0x0  }
0x141: {  	s17 =	rddreg [dreg:$0xa];
	[sflag:s11] =	ssyncadd.s32 $0xFFFFF800  }
0x142: {  	[tilespmem:s7], [sflag:$0x1] =	stream.linear.gather [hbm4b:s17+s1], $0x800, $0x38;
	[tilespmem:$0xD000] =	vst v63  }
0x143: {  	_ =	swait.ge [sflag:s14], $0x4000  }
0x144: {  	[sflag:s14] =	ssyncset.done $0x0  }
0x145: {  	s18 =	simm.s32 $0x40;
	[sflag:s14] =	ssyncadd.s32 $0xFFFFC000  }
0x146: {  	v0 =	vld [tilespmem:s18+$0x30]  }
0x147: {  	v1 =	vld [tilespmem:s18+$0xFFFFFFD0]  }
0x148: {  	v2 =	vld [tilespmem:s18+$0xFFFFFFE0]  }
0x149: {  	v3 =	vld [tilespmem:s18+$0xFFFFFFF0]  }
0x14a: {  	v4 =	vld [tilespmem:s18+$0x0]  }
0x14b: {  	v6 =	vld [tilespmem:s18+$0x10]  }
0x14c: {  	v7 =	vld [tilespmem:s18+$0x20]  }
0x14d: {  	v8 =	vld [tilespmem:s18+$0xFFFFFFC0]  }
0x14e: {  	v9 =	vld.idx.msk [tilespmem:v0+s9+$0x0], $0xffff  }
0x14f: {  	v10 =	vld.idx.msk [tilespmem:v1+s9+$0x0], $0xffff  }
0x150: {  	v5 =	vld.idx.msk [tilespmem:v2+s9+$0x0], $0xffff  }
0x151: {  	v3 =	vld.idx.msk [tilespmem:v3+s9+$0x0], $0xffff  }
0x152: {  	v0 =	vld.idx.msk [tilespmem:v4+s9+$0x0], $0xffff  }
0x153: {  	s16 =	simm.s32 $0x9040;
	v1 =	vld.idx.msk [tilespmem:v6+s9+$0x0], $0xffff  }
0x154: {  	v2 =	vld.idx.msk [tilespmem:v7+s9+$0x0], $0xffff;
	[tilespmem:s16+$0x30] =	vst v9  }
0x155: {  	s17 =	simm.s32 $0x0;
	s18 =	simm.s32 $0xC0;
	v4 =	vld.idx.msk [tilespmem:v8+s9+$0x0], $0xffff;
	[tilespmem:s16+$0xFFFFFFD0] =	vst v10  }
.LBB2_12:
0x156: {  	v6 =	vld [tilespmem:s18+$0x30];
	s17 =	sadd.s32 $0x8, s17;
	[tilespmem:s16+$0xFFFFFFE0] =	vst v5  }
0x157: {  	v5 =	vld [tilespmem:s18+$0xFFFFFFD0];
	p0 =	slt.u32 s17, $0x3F8;
	[tilespmem:s16+$0xFFFFFFF0] =	vst v3  }
0x158: {  	v3 =	vld [tilespmem:s18+$0xFFFFFFE0];
	[tilespmem:s16+$0x0] =	vst v0  }
0x159: {  	v0 =	vld [tilespmem:s18+$0xFFFFFFF0];
	[tilespmem:s16+$0x10] =	vst v1  }
0x15a: {  	v1 =	vld [tilespmem:s18+$0x0];
	[tilespmem:s16+$0x20] =	vst v2  }
0x15b: {  	v2 =	vld [tilespmem:s18+$0x10];
	[tilespmem:s16+$0xFFFFFFC0] =	vst v4  }
0x15c: {  	v4 =	vld [tilespmem:s18+$0x20]  }
0x15d: {  	v7 =	vld [tilespmem:s18+$0xFFFFFFC0]  }
0x15e: {  	v6 =	vld.idx.msk [tilespmem:v6+s9+$0x0], $0xffff  }
0x15f: {  	v8 =	vld.idx.msk [tilespmem:v5+s9+$0x0], $0xffff  }
0x160: {  	v5 =	vld.idx.msk [tilespmem:v3+s9+$0x0], $0xffff  }
.Ltmp5:
0x161: {  	v3 =	vld.idx.msk [tilespmem:v0+s9+$0x0], $0xffff;
	(pc) =	sbr.rel @p0 .LBB2_12-.Ltmp5, $4  }
0x162: {  	v0 =	vld.idx.msk [tilespmem:v1+s9+$0x0], $0xffff  }
0x163: {  	s16 =	sadd.s32 $0x80, s16;
	v1 =	vld.idx.msk [tilespmem:v2+s9+$0x0], $0xffff  }
0x164: {  	v2 =	vld.idx.msk [tilespmem:v4+s9+$0x0], $0xffff;
	[tilespmem:s16+$0x30] =	vst v6  }
0x165: {  	s18 =	sadd.s32 $0x80, s18;
	v4 =	vld.idx.msk [tilespmem:v7+s9+$0x0], $0xffff;
	[tilespmem:s16+$0xFFFFFFD0] =	vst v8  }
0x166: {  	[tilespmem:s16+$0xFFFFFFE0] =	vst v5  }
0x167: {  	[tilespmem:s16+$0xFFFFFFF0] =	vst v3  }
0x168: {  	[tilespmem:s16+$0x0] =	vst v0  }
0x169: {  	[tilespmem:s16+$0x10] =	vst v1  }
0x16a: {  	[tilespmem:s16+$0x20] =	vst v2  }
0x16b: {  	[tilespmem:s16+$0xFFFFFFC0] =	vst v4  }
0x16c: {  	s0 =	sld [smem:$0x7F0];
	_ =	sdelay $0x2  }
0x16d: {  	[hbm4b:s0+s1] =	stream.linear.scatter [tilespmem:s12], [sflag:$0x4], $0x4000, $0x38;
	[tilespmem:$0xD000] =	vst v63  }
0x16e: {  	_ =	swait.ge [sflag:s8], $0x800  }
0x16f: {  	[sflag:s8] =	ssyncset.done $0x0  }
0x170: {  	s17 =	rddreg [dreg:$0xb];
	[sflag:s8] =	ssyncadd.s32 $0xFFFFF800  }
0x171: {  	[tilespmem:s9], [sflag:$0x2] =	stream.linear.gather [hbm4b:s17+s1], $0x800, $0x38;
	[tilespmem:$0xD000] =	vst v63  }
0x172: {  	_ =	swait.ge [sflag:s13], $0x4000  }
0x173: {  	[sflag:s13] =	ssyncset.done $0x0  }
0x174: {  	s18 =	simm.s32 $0x40;
	[sflag:s13] =	ssyncadd.s32 $0xFFFFC000  }
0x175: {  	v0 =	vld [tilespmem:s18+$0x30]  }
0x176: {  	v1 =	vld [tilespmem:s18+$0xFFFFFFD0]  }
0x177: {  	v2 =	vld [tilespmem:s18+$0xFFFFFFE0]  }
0x178: {  	v3 =	vld [tilespmem:s18+$0xFFFFFFF0]  }
0x179: {  	v4 =	vld [tilespmem:s18+$0x0]  }
0x17a: {  	v6 =	vld [tilespmem:s18+$0x10]  }
0x17b: {  	v7 =	vld [tilespmem:s18+$0x20]  }
0x17c: {  	v8 =	vld [tilespmem:s18+$0xFFFFFFC0]  }
0x17d: {  	v9 =	vld.idx.msk [tilespmem:v0+s7+$0x0], $0xffff  }
0x17e: {  	v10 =	vld.idx.msk [tilespmem:v1+s7+$0x0], $0xffff  }
0x17f: {  	v5 =	vld.idx.msk [tilespmem:v2+s7+$0x0], $0xffff  }
0x180: {  	v3 =	vld.idx.msk [tilespmem:v3+s7+$0x0], $0xffff  }
0x181: {  	v0 =	vld.idx.msk [tilespmem:v4+s7+$0x0], $0xffff  }
0x182: {  	s16 =	simm.s32 $0x5040;
	v1 =	vld.idx.msk [tilespmem:v6+s7+$0x0], $0xffff  }
0x183: {  	v2 =	vld.idx.msk [tilespmem:v7+s7+$0x0], $0xffff;
	[tilespmem:s16+$0x30] =	vst v9  }
0x184: {  	s17 =	simm.s32 $0x0;
	s18 =	simm.s32 $0xC0;
	v4 =	vld.idx.msk [tilespmem:v8+s7+$0x0], $0xffff;
	[tilespmem:s16+$0xFFFFFFD0] =	vst v10  }
.LBB2_14:
0x185: {  	v6 =	vld [tilespmem:s18+$0x30];
	s17 =	sadd.s32 $0x8, s17;
	[tilespmem:s16+$0xFFFFFFE0] =	vst v5  }
0x186: {  	v5 =	vld [tilespmem:s18+$0xFFFFFFD0];
	p0 =	slt.u32 s17, $0x3F8;
	[tilespmem:s16+$0xFFFFFFF0] =	vst v3  }
0x187: {  	v3 =	vld [tilespmem:s18+$0xFFFFFFE0];
	[tilespmem:s16+$0x0] =	vst v0  }
0x188: {  	v0 =	vld [tilespmem:s18+$0xFFFFFFF0];
	[tilespmem:s16+$0x10] =	vst v1  }
0x189: {  	v1 =	vld [tilespmem:s18+$0x0];
	[tilespmem:s16+$0x20] =	vst v2  }
0x18a: {  	v2 =	vld [tilespmem:s18+$0x10];
	[tilespmem:s16+$0xFFFFFFC0] =	vst v4  }
0x18b: {  	v4 =	vld [tilespmem:s18+$0x20]  }
0x18c: {  	v7 =	vld [tilespmem:s18+$0xFFFFFFC0]  }
0x18d: {  	v6 =	vld.idx.msk [tilespmem:v6+s7+$0x0], $0xffff  }
0x18e: {  	v8 =	vld.idx.msk [tilespmem:v5+s7+$0x0], $0xffff  }
0x18f: {  	v5 =	vld.idx.msk [tilespmem:v3+s7+$0x0], $0xffff  }
.Ltmp6:
0x190: {  	v3 =	vld.idx.msk [tilespmem:v0+s7+$0x0], $0xffff;
	(pc) =	sbr.rel @p0 .LBB2_14-.Ltmp6, $4  }
0x191: {  	v0 =	vld.idx.msk [tilespmem:v1+s7+$0x0], $0xffff  }
0x192: {  	s16 =	sadd.s32 $0x80, s16;
	v1 =	vld.idx.msk [tilespmem:v2+s7+$0x0], $0xffff  }
0x193: {  	v2 =	vld.idx.msk [tilespmem:v4+s7+$0x0], $0xffff;
	[tilespmem:s16+$0x30] =	vst v6  }
0x194: {  	s18 =	sadd.s32 $0x80, s18;
	v4 =	vld.idx.msk [tilespmem:v7+s7+$0x0], $0xffff;
	[tilespmem:s16+$0xFFFFFFD0] =	vst v8  }
0x195: {  	[tilespmem:s16+$0xFFFFFFE0] =	vst v5  }
0x196: {  	[tilespmem:s16+$0xFFFFFFF0] =	vst v3  }
0x197: {  	[tilespmem:s16+$0x0] =	vst v0  }
0x198: {  	[tilespmem:s16+$0x10] =	vst v1  }
0x199: {  	[tilespmem:s16+$0x20] =	vst v2  }
0x19a: {  	[tilespmem:s16+$0xFFFFFFC0] =	vst v4  }
0x19b: {  	s0 =	sld [smem:$0x7F2];
	_ =	sdelay $0x2  }
0x19c: {  	[hbm4b:s0+s1] =	stream.linear.scatter [tilespmem:s10], [sflag:$0x3], $0x4000, $0x38;
	[tilespmem:$0xD000] =	vst v63  }
0x19d: {  	_ =	swait.ge [sflag:s11], $0x800  }
0x19e: {  	[sflag:s11] =	ssyncset.done $0x0  }
0x19f: {  	s17 =	rddreg [dreg:$0xc];
	[sflag:s11] =	ssyncadd.s32 $0xFFFFF800  }
0x1a0: {  	[tilespmem:s7], [sflag:$0x1] =	stream.linear.gather [hbm4b:s17+s1], $0x800, $0x38;
	[tilespmem:$0xD000] =	vst v63  }
0x1a1: {  	_ =	swait.ge [sflag:s14], $0x4000  }
0x1a2: {  	[sflag:s14] =	ssyncset.done $0x0  }
0x1a3: {  	s18 =	simm.s32 $0x40;
	[sflag:s14] =	ssyncadd.s32 $0xFFFFC000  }
0x1a4: {  	v0 =	vld [tilespmem:s18+$0x30]  }
0x1a5: {  	v1 =	vld [tilespmem:s18+$0xFFFFFFD0]  }
0x1a6: {  	v2 =	vld [tilespmem:s18+$0xFFFFFFE0]  }
0x1a7: {  	v3 =	vld [tilespmem:s18+$0xFFFFFFF0]  }
0x1a8: {  	v4 =	vld [tilespmem:s18+$0x0]  }
0x1a9: {  	v6 =	vld [tilespmem:s18+$0x10]  }
0x1aa: {  	v7 =	vld [tilespmem:s18+$0x20]  }
0x1ab: {  	v8 =	vld [tilespmem:s18+$0xFFFFFFC0]  }
0x1ac: {  	v9 =	vld.idx.msk [tilespmem:v0+s9+$0x0], $0xffff  }
0x1ad: {  	v10 =	vld.idx.msk [tilespmem:v1+s9+$0x0], $0xffff  }
0x1ae: {  	v5 =	vld.idx.msk [tilespmem:v2+s9+$0x0], $0xffff  }
0x1af: {  	v3 =	vld.idx.msk [tilespmem:v3+s9+$0x0], $0xffff  }
0x1b0: {  	v0 =	vld.idx.msk [tilespmem:v4+s9+$0x0], $0xffff  }
0x1b1: {  	s16 =	simm.s32 $0x9040;
	v1 =	vld.idx.msk [tilespmem:v6+s9+$0x0], $0xffff  }
0x1b2: {  	v2 =	vld.idx.msk [tilespmem:v7+s9+$0x0], $0xffff;
	[tilespmem:s16+$0x30] =	vst v9  }
0x1b3: {  	s17 =	simm.s32 $0x0;
	s18 =	simm.s32 $0xC0;
	v4 =	vld.idx.msk [tilespmem:v8+s9+$0x0], $0xffff;
	[tilespmem:s16+$0xFFFFFFD0] =	vst v10  }
.LBB2_16:
0x1b4: {  	v6 =	vld [tilespmem:s18+$0x30];
	s17 =	sadd.s32 $0x8, s17;
	[tilespmem:s16+$0xFFFFFFE0] =	vst v5  }
0x1b5: {  	v5 =	vld [tilespmem:s18+$0xFFFFFFD0];
	p0 =	slt.u32 s17, $0x3F8;
	[tilespmem:s16+$0xFFFFFFF0] =	vst v3  }
0x1b6: {  	v3 =	vld [tilespmem:s18+$0xFFFFFFE0];
	[tilespmem:s16+$0x0] =	vst v0  }
0x1b7: {  	v0 =	vld [tilespmem:s18+$0xFFFFFFF0];
	[tilespmem:s16+$0x10] =	vst v1  }
0x1b8: {  	v1 =	vld [tilespmem:s18+$0x0];
	[tilespmem:s16+$0x20] =	vst v2  }
0x1b9: {  	v2 =	vld [tilespmem:s18+$0x10];
	[tilespmem:s16+$0xFFFFFFC0] =	vst v4  }
0x1ba: {  	v4 =	vld [tilespmem:s18+$0x20]  }
0x1bb: {  	v7 =	vld [tilespmem:s18+$0xFFFFFFC0]  }
0x1bc: {  	v6 =	vld.idx.msk [tilespmem:v6+s9+$0x0], $0xffff  }
0x1bd: {  	v8 =	vld.idx.msk [tilespmem:v5+s9+$0x0], $0xffff  }
0x1be: {  	v5 =	vld.idx.msk [tilespmem:v3+s9+$0x0], $0xffff  }
.Ltmp7:
0x1bf: {  	v3 =	vld.idx.msk [tilespmem:v0+s9+$0x0], $0xffff;
	(pc) =	sbr.rel @p0 .LBB2_16-.Ltmp7, $4  }
0x1c0: {  	v0 =	vld.idx.msk [tilespmem:v1+s9+$0x0], $0xffff  }
0x1c1: {  	s16 =	sadd.s32 $0x80, s16;
	v1 =	vld.idx.msk [tilespmem:v2+s9+$0x0], $0xffff  }
0x1c2: {  	v2 =	vld.idx.msk [tilespmem:v4+s9+$0x0], $0xffff;
	[tilespmem:s16+$0x30] =	vst v6  }
0x1c3: {  	s18 =	sadd.s32 $0x80, s18;
	v4 =	vld.idx.msk [tilespmem:v7+s9+$0x0], $0xffff;
	[tilespmem:s16+$0xFFFFFFD0] =	vst v8  }
0x1c4: {  	[tilespmem:s16+$0xFFFFFFE0] =	vst v5  }
0x1c5: {  	[tilespmem:s16+$0xFFFFFFF0] =	vst v3  }
0x1c6: {  	[tilespmem:s16+$0x0] =	vst v0  }
0x1c7: {  	[tilespmem:s16+$0x10] =	vst v1  }
0x1c8: {  	[tilespmem:s16+$0x20] =	vst v2  }
0x1c9: {  	[tilespmem:s16+$0xFFFFFFC0] =	vst v4  }
0x1ca: {  	s0 =	sld [smem:$0x7F3];
	_ =	sdelay $0x2  }
0x1cb: {  	[hbm4b:s0+s1] =	stream.linear.scatter [tilespmem:s12], [sflag:$0x4], $0x4000, $0x38;
	[tilespmem:$0xD000] =	vst v63  }
0x1cc: {  	_ =	swait.ge [sflag:s8], $0x800  }
0x1cd: {  	[sflag:s8] =	ssyncset.done $0x0  }
0x1ce: {  	s17 =	rddreg [dreg:$0xd];
	[sflag:s8] =	ssyncadd.s32 $0xFFFFF800  }
0x1cf: {  	[tilespmem:s9], [sflag:$0x2] =	stream.linear.gather [hbm4b:s17+s1], $0x800, $0x38;
	[tilespmem:$0xD000] =	vst v63  }
0x1d0: {  	_ =	swait.ge [sflag:s13], $0x4000  }
0x1d1: {  	[sflag:s13] =	ssyncset.done $0x0  }
0x1d2: {  	s18 =	simm.s32 $0x40;
	[sflag:s13] =	ssyncadd.s32 $0xFFFFC000  }
0x1d3: {  	v0 =	vld [tilespmem:s18+$0x30]  }
0x1d4: {  	v1 =	vld [tilespmem:s18+$0xFFFFFFD0]  }
0x1d5: {  	v2 =	vld [tilespmem:s18+$0xFFFFFFE0]  }
0x1d6: {  	v3 =	vld [tilespmem:s18+$0xFFFFFFF0]  }
0x1d7: {  	v4 =	vld [tilespmem:s18+$0x0]  }
0x1d8: {  	v6 =	vld [tilespmem:s18+$0x10]  }
0x1d9: {  	v7 =	vld [tilespmem:s18+$0x20]  }
0x1da: {  	v8 =	vld [tilespmem:s18+$0xFFFFFFC0]  }
0x1db: {  	v9 =	vld.idx.msk [tilespmem:v0+s7+$0x0], $0xffff  }
0x1dc: {  	v10 =	vld.idx.msk [tilespmem:v1+s7+$0x0], $0xffff  }
0x1dd: {  	v5 =	vld.idx.msk [tilespmem:v2+s7+$0x0], $0xffff  }
0x1de: {  	v3 =	vld.idx.msk [tilespmem:v3+s7+$0x0], $0xffff  }
0x1df: {  	v0 =	vld.idx.msk [tilespmem:v4+s7+$0x0], $0xffff  }
0x1e0: {  	s16 =	simm.s32 $0x5040;
	v1 =	vld.idx.msk [tilespmem:v6+s7+$0x0], $0xffff  }
0x1e1: {  	v2 =	vld.idx.msk [tilespmem:v7+s7+$0x0], $0xffff;
	[tilespmem:s16+$0x30] =	vst v9  }
0x1e2: {  	s17 =	simm.s32 $0x0;
	s18 =	simm.s32 $0xC0;
	v4 =	vld.idx.msk [tilespmem:v8+s7+$0x0], $0xffff;
	[tilespmem:s16+$0xFFFFFFD0] =	vst v10  }
.LBB2_18:
0x1e3: {  	v6 =	vld [tilespmem:s18+$0x30];
	s17 =	sadd.s32 $0x8, s17;
	[tilespmem:s16+$0xFFFFFFE0] =	vst v5  }
0x1e4: {  	v5 =	vld [tilespmem:s18+$0xFFFFFFD0];
	p0 =	slt.u32 s17, $0x3F8;
	[tilespmem:s16+$0xFFFFFFF0] =	vst v3  }
0x1e5: {  	v3 =	vld [tilespmem:s18+$0xFFFFFFE0];
	[tilespmem:s16+$0x0] =	vst v0  }
0x1e6: {  	v0 =	vld [tilespmem:s18+$0xFFFFFFF0];
	[tilespmem:s16+$0x10] =	vst v1  }
0x1e7: {  	v1 =	vld [tilespmem:s18+$0x0];
	[tilespmem:s16+$0x20] =	vst v2  }
0x1e8: {  	v2 =	vld [tilespmem:s18+$0x10];
	[tilespmem:s16+$0xFFFFFFC0] =	vst v4  }
0x1e9: {  	v4 =	vld [tilespmem:s18+$0x20]  }
0x1ea: {  	v7 =	vld [tilespmem:s18+$0xFFFFFFC0]  }
0x1eb: {  	v6 =	vld.idx.msk [tilespmem:v6+s7+$0x0], $0xffff  }
0x1ec: {  	v8 =	vld.idx.msk [tilespmem:v5+s7+$0x0], $0xffff  }
0x1ed: {  	v5 =	vld.idx.msk [tilespmem:v3+s7+$0x0], $0xffff  }
.Ltmp8:
0x1ee: {  	v3 =	vld.idx.msk [tilespmem:v0+s7+$0x0], $0xffff;
	(pc) =	sbr.rel @p0 .LBB2_18-.Ltmp8, $4  }
0x1ef: {  	v0 =	vld.idx.msk [tilespmem:v1+s7+$0x0], $0xffff  }
0x1f0: {  	s16 =	sadd.s32 $0x80, s16;
	v1 =	vld.idx.msk [tilespmem:v2+s7+$0x0], $0xffff  }
0x1f1: {  	v2 =	vld.idx.msk [tilespmem:v4+s7+$0x0], $0xffff;
	[tilespmem:s16+$0x30] =	vst v6  }
0x1f2: {  	s18 =	sadd.s32 $0x80, s18;
	v4 =	vld.idx.msk [tilespmem:v7+s7+$0x0], $0xffff;
	[tilespmem:s16+$0xFFFFFFD0] =	vst v8  }
0x1f3: {  	[tilespmem:s16+$0xFFFFFFE0] =	vst v5  }
0x1f4: {  	[tilespmem:s16+$0xFFFFFFF0] =	vst v3  }
0x1f5: {  	[tilespmem:s16+$0x0] =	vst v0  }
0x1f6: {  	[tilespmem:s16+$0x10] =	vst v1  }
0x1f7: {  	[tilespmem:s16+$0x20] =	vst v2  }
0x1f8: {  	[tilespmem:s16+$0xFFFFFFC0] =	vst v4  }
0x1f9: {  	s0 =	sld [smem:$0x7F4];
	_ =	sdelay $0x2  }
0x1fa: {  	[hbm4b:s0+s1] =	stream.linear.scatter [tilespmem:s10], [sflag:$0x3], $0x4000, $0x38;
	[tilespmem:$0xD000] =	vst v63  }
0x1fb: {  	_ =	swait.ge [sflag:s11], $0x800  }
0x1fc: {  	[sflag:s11] =	ssyncset.done $0x0  }
0x1fd: {  	s17 =	rddreg [dreg:$0xe];
	[sflag:s11] =	ssyncadd.s32 $0xFFFFF800  }
0x1fe: {  	[tilespmem:s7], [sflag:$0x1] =	stream.linear.gather [hbm4b:s17+s1], $0x800, $0x38;
	[tilespmem:$0xD000] =	vst v63  }
0x1ff: {  	_ =	swait.ge [sflag:s14], $0x4000  }
0x200: {  	[sflag:s14] =	ssyncset.done $0x0  }
0x201: {  	s18 =	simm.s32 $0x40;
	[sflag:s14] =	ssyncadd.s32 $0xFFFFC000  }
0x202: {  	v0 =	vld [tilespmem:s18+$0x30]  }
0x203: {  	v1 =	vld [tilespmem:s18+$0xFFFFFFD0]  }
0x204: {  	v2 =	vld [tilespmem:s18+$0xFFFFFFE0]  }
0x205: {  	v3 =	vld [tilespmem:s18+$0xFFFFFFF0]  }
0x206: {  	v4 =	vld [tilespmem:s18+$0x0]  }
0x207: {  	v6 =	vld [tilespmem:s18+$0x10]  }
0x208: {  	v7 =	vld [tilespmem:s18+$0x20]  }
0x209: {  	v8 =	vld [tilespmem:s18+$0xFFFFFFC0]  }
0x20a: {  	v9 =	vld.idx.msk [tilespmem:v0+s9+$0x0], $0xffff  }
0x20b: {  	v10 =	vld.idx.msk [tilespmem:v1+s9+$0x0], $0xffff  }
0x20c: {  	v5 =	vld.idx.msk [tilespmem:v2+s9+$0x0], $0xffff  }
0x20d: {  	v3 =	vld.idx.msk [tilespmem:v3+s9+$0x0], $0xffff  }
0x20e: {  	v0 =	vld.idx.msk [tilespmem:v4+s9+$0x0], $0xffff  }
0x20f: {  	s16 =	simm.s32 $0x9040;
	v1 =	vld.idx.msk [tilespmem:v6+s9+$0x0], $0xffff  }
0x210: {  	v2 =	vld.idx.msk [tilespmem:v7+s9+$0x0], $0xffff;
	[tilespmem:s16+$0x30] =	vst v9  }
0x211: {  	s17 =	simm.s32 $0x0;
	s18 =	simm.s32 $0xC0;
	v4 =	vld.idx.msk [tilespmem:v8+s9+$0x0], $0xffff;
	[tilespmem:s16+$0xFFFFFFD0] =	vst v10  }
.LBB2_20:
0x212: {  	v6 =	vld [tilespmem:s18+$0x30];
	s17 =	sadd.s32 $0x8, s17;
	[tilespmem:s16+$0xFFFFFFE0] =	vst v5  }
0x213: {  	v5 =	vld [tilespmem:s18+$0xFFFFFFD0];
	p0 =	slt.u32 s17, $0x3F8;
	[tilespmem:s16+$0xFFFFFFF0] =	vst v3  }
0x214: {  	v3 =	vld [tilespmem:s18+$0xFFFFFFE0];
	[tilespmem:s16+$0x0] =	vst v0  }
0x215: {  	v0 =	vld [tilespmem:s18+$0xFFFFFFF0];
	[tilespmem:s16+$0x10] =	vst v1  }
0x216: {  	v1 =	vld [tilespmem:s18+$0x0];
	[tilespmem:s16+$0x20] =	vst v2  }
0x217: {  	v2 =	vld [tilespmem:s18+$0x10];
	[tilespmem:s16+$0xFFFFFFC0] =	vst v4  }
0x218: {  	v4 =	vld [tilespmem:s18+$0x20]  }
0x219: {  	v7 =	vld [tilespmem:s18+$0xFFFFFFC0]  }
0x21a: {  	v6 =	vld.idx.msk [tilespmem:v6+s9+$0x0], $0xffff  }
0x21b: {  	v8 =	vld.idx.msk [tilespmem:v5+s9+$0x0], $0xffff  }
0x21c: {  	v5 =	vld.idx.msk [tilespmem:v3+s9+$0x0], $0xffff  }
.Ltmp9:
0x21d: {  	v3 =	vld.idx.msk [tilespmem:v0+s9+$0x0], $0xffff;
	(pc) =	sbr.rel @p0 .LBB2_20-.Ltmp9, $4  }
0x21e: {  	v0 =	vld.idx.msk [tilespmem:v1+s9+$0x0], $0xffff  }
0x21f: {  	s16 =	sadd.s32 $0x80, s16;
	v1 =	vld.idx.msk [tilespmem:v2+s9+$0x0], $0xffff  }
0x220: {  	v2 =	vld.idx.msk [tilespmem:v4+s9+$0x0], $0xffff;
	[tilespmem:s16+$0x30] =	vst v6  }
0x221: {  	s18 =	sadd.s32 $0x80, s18;
	v4 =	vld.idx.msk [tilespmem:v7+s9+$0x0], $0xffff;
	[tilespmem:s16+$0xFFFFFFD0] =	vst v8  }
0x222: {  	[tilespmem:s16+$0xFFFFFFE0] =	vst v5  }
0x223: {  	[tilespmem:s16+$0xFFFFFFF0] =	vst v3  }
0x224: {  	[tilespmem:s16+$0x0] =	vst v0  }
0x225: {  	[tilespmem:s16+$0x10] =	vst v1  }
0x226: {  	[tilespmem:s16+$0x20] =	vst v2  }
0x227: {  	[tilespmem:s16+$0xFFFFFFC0] =	vst v4  }
0x228: {  	s0 =	sld [smem:$0x7F5];
	_ =	sdelay $0x2  }
0x229: {  	[hbm4b:s0+s1] =	stream.linear.scatter [tilespmem:s12], [sflag:$0x4], $0x4000, $0x38;
	[tilespmem:$0xD000] =	vst v63  }
0x22a: {  	_ =	swait.ge [sflag:s8], $0x800  }
0x22b: {  	[sflag:s8] =	ssyncset.done $0x0  }
0x22c: {  	s17 =	rddreg [dreg:$0xf];
	[sflag:s8] =	ssyncadd.s32 $0xFFFFF800  }
0x22d: {  	[tilespmem:s9], [sflag:$0x2] =	stream.linear.gather [hbm4b:s17+s1], $0x800, $0x38;
	[tilespmem:$0xD000] =	vst v63  }
0x22e: {  	_ =	swait.ge [sflag:s13], $0x4000  }
0x22f: {  	[sflag:s13] =	ssyncset.done $0x0  }
0x230: {  	s18 =	simm.s32 $0x40;
	[sflag:s13] =	ssyncadd.s32 $0xFFFFC000  }
0x231: {  	v0 =	vld [tilespmem:s18+$0x30]  }
0x232: {  	v1 =	vld [tilespmem:s18+$0xFFFFFFD0]  }
0x233: {  	v2 =	vld [tilespmem:s18+$0xFFFFFFE0]  }
0x234: {  	v3 =	vld [tilespmem:s18+$0xFFFFFFF0]  }
0x235: {  	v4 =	vld [tilespmem:s18+$0x0]  }
0x236: {  	v6 =	vld [tilespmem:s18+$0x10]  }
0x237: {  	v7 =	vld [tilespmem:s18+$0x20]  }
0x238: {  	v8 =	vld [tilespmem:s18+$0xFFFFFFC0]  }
0x239: {  	v9 =	vld.idx.msk [tilespmem:v0+s7+$0x0], $0xffff  }
0x23a: {  	v10 =	vld.idx.msk [tilespmem:v1+s7+$0x0], $0xffff  }
0x23b: {  	v5 =	vld.idx.msk [tilespmem:v2+s7+$0x0], $0xffff  }
0x23c: {  	v3 =	vld.idx.msk [tilespmem:v3+s7+$0x0], $0xffff  }
0x23d: {  	v0 =	vld.idx.msk [tilespmem:v4+s7+$0x0], $0xffff  }
0x23e: {  	s16 =	simm.s32 $0x5040;
	v1 =	vld.idx.msk [tilespmem:v6+s7+$0x0], $0xffff  }
0x23f: {  	v2 =	vld.idx.msk [tilespmem:v7+s7+$0x0], $0xffff;
	[tilespmem:s16+$0x30] =	vst v9  }
0x240: {  	s17 =	simm.s32 $0x0;
	s18 =	simm.s32 $0xC0;
	v4 =	vld.idx.msk [tilespmem:v8+s7+$0x0], $0xffff;
	[tilespmem:s16+$0xFFFFFFD0] =	vst v10  }
.LBB2_22:
0x241: {  	v6 =	vld [tilespmem:s18+$0x30];
	s17 =	sadd.s32 $0x8, s17;
	[tilespmem:s16+$0xFFFFFFE0] =	vst v5  }
0x242: {  	v5 =	vld [tilespmem:s18+$0xFFFFFFD0];
	p0 =	slt.u32 s17, $0x3F8;
	[tilespmem:s16+$0xFFFFFFF0] =	vst v3  }
0x243: {  	v3 =	vld [tilespmem:s18+$0xFFFFFFE0];
	[tilespmem:s16+$0x0] =	vst v0  }
0x244: {  	v0 =	vld [tilespmem:s18+$0xFFFFFFF0];
	[tilespmem:s16+$0x10] =	vst v1  }
0x245: {  	v1 =	vld [tilespmem:s18+$0x0];
	[tilespmem:s16+$0x20] =	vst v2  }
0x246: {  	v2 =	vld [tilespmem:s18+$0x10];
	[tilespmem:s16+$0xFFFFFFC0] =	vst v4  }
0x247: {  	v4 =	vld [tilespmem:s18+$0x20]  }
0x248: {  	v7 =	vld [tilespmem:s18+$0xFFFFFFC0]  }
0x249: {  	v6 =	vld.idx.msk [tilespmem:v6+s7+$0x0], $0xffff  }
0x24a: {  	v8 =	vld.idx.msk [tilespmem:v5+s7+$0x0], $0xffff  }
0x24b: {  	v5 =	vld.idx.msk [tilespmem:v3+s7+$0x0], $0xffff  }
.Ltmp10:
0x24c: {  	v3 =	vld.idx.msk [tilespmem:v0+s7+$0x0], $0xffff;
	(pc) =	sbr.rel @p0 .LBB2_22-.Ltmp10, $4  }
0x24d: {  	v0 =	vld.idx.msk [tilespmem:v1+s7+$0x0], $0xffff  }
0x24e: {  	s16 =	sadd.s32 $0x80, s16;
	v1 =	vld.idx.msk [tilespmem:v2+s7+$0x0], $0xffff  }
0x24f: {  	v2 =	vld.idx.msk [tilespmem:v4+s7+$0x0], $0xffff;
	[tilespmem:s16+$0x30] =	vst v6  }
0x250: {  	s18 =	sadd.s32 $0x80, s18;
	v4 =	vld.idx.msk [tilespmem:v7+s7+$0x0], $0xffff;
	[tilespmem:s16+$0xFFFFFFD0] =	vst v8  }
0x251: {  	[tilespmem:s16+$0xFFFFFFE0] =	vst v5  }
0x252: {  	[tilespmem:s16+$0xFFFFFFF0] =	vst v3  }
0x253: {  	[tilespmem:s16+$0x0] =	vst v0  }
0x254: {  	[tilespmem:s16+$0x10] =	vst v1  }
0x255: {  	[tilespmem:s16+$0x20] =	vst v2  }
0x256: {  	[tilespmem:s16+$0xFFFFFFC0] =	vst v4  }
0x257: {  	s0 =	sld [smem:$0x7F6];
	_ =	sdelay $0x2  }
0x258: {  	[hbm4b:s0+s1] =	stream.linear.scatter [tilespmem:s10], [sflag:$0x3], $0x4000, $0x38;
	[tilespmem:$0xD000] =	vst v63  }
0x259: {  	_ =	swait.ge [sflag:s11], $0x800  }
0x25a: {  	[sflag:s11] =	ssyncset.done $0x0  }
0x25b: {  	s17 =	rddreg [dreg:$0x10];
	[sflag:s11] =	ssyncadd.s32 $0xFFFFF800  }
0x25c: {  	[tilespmem:s7], [sflag:$0x1] =	stream.linear.gather [hbm4b:s17+s1], $0x800, $0x38;
	[tilespmem:$0xD000] =	vst v63  }
0x25d: {  	_ =	swait.ge [sflag:s14], $0x4000  }
0x25e: {  	[sflag:s14] =	ssyncset.done $0x0  }
0x25f: {  	s18 =	simm.s32 $0x40;
	[sflag:s14] =	ssyncadd.s32 $0xFFFFC000  }
0x260: {  	v0 =	vld [tilespmem:s18+$0x30]  }
0x261: {  	v1 =	vld [tilespmem:s18+$0xFFFFFFD0]  }
0x262: {  	v2 =	vld [tilespmem:s18+$0xFFFFFFE0]  }
0x263: {  	v3 =	vld [tilespmem:s18+$0xFFFFFFF0]  }
0x264: {  	v4 =	vld [tilespmem:s18+$0x0]  }
0x265: {  	v6 =	vld [tilespmem:s18+$0x10]  }
0x266: {  	v7 =	vld [tilespmem:s18+$0x20]  }
0x267: {  	v8 =	vld [tilespmem:s18+$0xFFFFFFC0]  }
0x268: {  	v9 =	vld.idx.msk [tilespmem:v0+s9+$0x0], $0xffff  }
0x269: {  	v10 =	vld.idx.msk [tilespmem:v1+s9+$0x0], $0xffff  }
0x26a: {  	v5 =	vld.idx.msk [tilespmem:v2+s9+$0x0], $0xffff  }
0x26b: {  	v3 =	vld.idx.msk [tilespmem:v3+s9+$0x0], $0xffff  }
0x26c: {  	v0 =	vld.idx.msk [tilespmem:v4+s9+$0x0], $0xffff  }
0x26d: {  	s16 =	simm.s32 $0x9040;
	v1 =	vld.idx.msk [tilespmem:v6+s9+$0x0], $0xffff  }
0x26e: {  	v2 =	vld.idx.msk [tilespmem:v7+s9+$0x0], $0xffff;
	[tilespmem:s16+$0x30] =	vst v9  }
0x26f: {  	s17 =	simm.s32 $0x0;
	s18 =	simm.s32 $0xC0;
	v4 =	vld.idx.msk [tilespmem:v8+s9+$0x0], $0xffff;
	[tilespmem:s16+$0xFFFFFFD0] =	vst v10  }
.LBB2_24:
0x270: {  	v6 =	vld [tilespmem:s18+$0x30];
	s17 =	sadd.s32 $0x8, s17;
	[tilespmem:s16+$0xFFFFFFE0] =	vst v5  }
0x271: {  	v5 =	vld [tilespmem:s18+$0xFFFFFFD0];
	p0 =	slt.u32 s17, $0x3F8;
	[tilespmem:s16+$0xFFFFFFF0] =	vst v3  }
0x272: {  	v3 =	vld [tilespmem:s18+$0xFFFFFFE0];
	[tilespmem:s16+$0x0] =	vst v0  }
0x273: {  	v0 =	vld [tilespmem:s18+$0xFFFFFFF0];
	[tilespmem:s16+$0x10] =	vst v1  }
0x274: {  	v1 =	vld [tilespmem:s18+$0x0];
	[tilespmem:s16+$0x20] =	vst v2  }
0x275: {  	v2 =	vld [tilespmem:s18+$0x10];
	[tilespmem:s16+$0xFFFFFFC0] =	vst v4  }
0x276: {  	v4 =	vld [tilespmem:s18+$0x20]  }
0x277: {  	v7 =	vld [tilespmem:s18+$0xFFFFFFC0]  }
0x278: {  	v6 =	vld.idx.msk [tilespmem:v6+s9+$0x0], $0xffff  }
0x279: {  	v8 =	vld.idx.msk [tilespmem:v5+s9+$0x0], $0xffff  }
0x27a: {  	v5 =	vld.idx.msk [tilespmem:v3+s9+$0x0], $0xffff  }
.Ltmp11:
0x27b: {  	v3 =	vld.idx.msk [tilespmem:v0+s9+$0x0], $0xffff;
	(pc) =	sbr.rel @p0 .LBB2_24-.Ltmp11, $4  }
0x27c: {  	v0 =	vld.idx.msk [tilespmem:v1+s9+$0x0], $0xffff  }
0x27d: {  	s16 =	sadd.s32 $0x80, s16;
	v1 =	vld.idx.msk [tilespmem:v2+s9+$0x0], $0xffff  }
0x27e: {  	v2 =	vld.idx.msk [tilespmem:v4+s9+$0x0], $0xffff;
	[tilespmem:s16+$0x30] =	vst v6  }
0x27f: {  	s18 =	sadd.s32 $0x80, s18;
	v4 =	vld.idx.msk [tilespmem:v7+s9+$0x0], $0xffff;
	[tilespmem:s16+$0xFFFFFFD0] =	vst v8  }
0x280: {  	[tilespmem:s16+$0xFFFFFFE0] =	vst v5  }
0x281: {  	[tilespmem:s16+$0xFFFFFFF0] =	vst v3  }
0x282: {  	[tilespmem:s16+$0x0] =	vst v0  }
0x283: {  	[tilespmem:s16+$0x10] =	vst v1  }
0x284: {  	[tilespmem:s16+$0x20] =	vst v2  }
0x285: {  	[tilespmem:s16+$0xFFFFFFC0] =	vst v4  }
0x286: {  	s0 =	sld [smem:$0x7F7];
	_ =	sdelay $0x2  }
0x287: {  	[hbm4b:s0+s1] =	stream.linear.scatter [tilespmem:s12], [sflag:$0x4], $0x4000, $0x38;
	[tilespmem:$0xD000] =	vst v63  }
0x288: {  	_ =	swait.ge [sflag:s8], $0x800  }
0x289: {  	[sflag:s8] =	ssyncset.done $0x0  }
0x28a: {  	s17 =	rddreg [dreg:$0x11];
	[sflag:s8] =	ssyncadd.s32 $0xFFFFF800  }
0x28b: {  	[tilespmem:s9], [sflag:$0x2] =	stream.linear.gather [hbm4b:s17+s1], $0x800, $0x38;
	[tilespmem:$0xD000] =	vst v63  }
0x28c: {  	_ =	swait.ge [sflag:s13], $0x4000  }
0x28d: {  	[sflag:s13] =	ssyncset.done $0x0  }
0x28e: {  	s18 =	simm.s32 $0x40;
	[sflag:s13] =	ssyncadd.s32 $0xFFFFC000  }
0x28f: {  	v0 =	vld [tilespmem:s18+$0x30]  }
0x290: {  	v1 =	vld [tilespmem:s18+$0xFFFFFFD0]  }
0x291: {  	v2 =	vld [tilespmem:s18+$0xFFFFFFE0]  }
0x292: {  	v3 =	vld [tilespmem:s18+$0xFFFFFFF0]  }
0x293: {  	v4 =	vld [tilespmem:s18+$0x0]  }
0x294: {  	v6 =	vld [tilespmem:s18+$0x10]  }
0x295: {  	v7 =	vld [tilespmem:s18+$0x20]  }
0x296: {  	v8 =	vld [tilespmem:s18+$0xFFFFFFC0]  }
0x297: {  	v9 =	vld.idx.msk [tilespmem:v0+s7+$0x0], $0xffff  }
0x298: {  	v10 =	vld.idx.msk [tilespmem:v1+s7+$0x0], $0xffff  }
0x299: {  	v5 =	vld.idx.msk [tilespmem:v2+s7+$0x0], $0xffff  }
0x29a: {  	v3 =	vld.idx.msk [tilespmem:v3+s7+$0x0], $0xffff  }
0x29b: {  	v0 =	vld.idx.msk [tilespmem:v4+s7+$0x0], $0xffff  }
0x29c: {  	s16 =	simm.s32 $0x5040;
	v1 =	vld.idx.msk [tilespmem:v6+s7+$0x0], $0xffff  }
0x29d: {  	v2 =	vld.idx.msk [tilespmem:v7+s7+$0x0], $0xffff;
	[tilespmem:s16+$0x30] =	vst v9  }
0x29e: {  	s17 =	simm.s32 $0x0;
	s18 =	simm.s32 $0xC0;
	v4 =	vld.idx.msk [tilespmem:v8+s7+$0x0], $0xffff;
	[tilespmem:s16+$0xFFFFFFD0] =	vst v10  }
.LBB2_26:
0x29f: {  	v6 =	vld [tilespmem:s18+$0x30];
	s17 =	sadd.s32 $0x8, s17;
	[tilespmem:s16+$0xFFFFFFE0] =	vst v5  }
0x2a0: {  	v5 =	vld [tilespmem:s18+$0xFFFFFFD0];
	p0 =	slt.u32 s17, $0x3F8;
	[tilespmem:s16+$0xFFFFFFF0] =	vst v3  }
0x2a1: {  	v3 =	vld [tilespmem:s18+$0xFFFFFFE0];
	[tilespmem:s16+$0x0] =	vst v0  }
0x2a2: {  	v0 =	vld [tilespmem:s18+$0xFFFFFFF0];
	[tilespmem:s16+$0x10] =	vst v1  }
0x2a3: {  	v1 =	vld [tilespmem:s18+$0x0];
	[tilespmem:s16+$0x20] =	vst v2  }
0x2a4: {  	v2 =	vld [tilespmem:s18+$0x10];
	[tilespmem:s16+$0xFFFFFFC0] =	vst v4  }
0x2a5: {  	v4 =	vld [tilespmem:s18+$0x20]  }
0x2a6: {  	v7 =	vld [tilespmem:s18+$0xFFFFFFC0]  }
0x2a7: {  	v6 =	vld.idx.msk [tilespmem:v6+s7+$0x0], $0xffff  }
0x2a8: {  	v8 =	vld.idx.msk [tilespmem:v5+s7+$0x0], $0xffff  }
0x2a9: {  	v5 =	vld.idx.msk [tilespmem:v3+s7+$0x0], $0xffff  }
.Ltmp12:
0x2aa: {  	v3 =	vld.idx.msk [tilespmem:v0+s7+$0x0], $0xffff;
	(pc) =	sbr.rel @p0 .LBB2_26-.Ltmp12, $4  }
0x2ab: {  	v0 =	vld.idx.msk [tilespmem:v1+s7+$0x0], $0xffff  }
0x2ac: {  	s16 =	sadd.s32 $0x80, s16;
	v1 =	vld.idx.msk [tilespmem:v2+s7+$0x0], $0xffff  }
0x2ad: {  	v2 =	vld.idx.msk [tilespmem:v4+s7+$0x0], $0xffff;
	[tilespmem:s16+$0x30] =	vst v6  }
0x2ae: {  	s18 =	sadd.s32 $0x80, s18;
	v4 =	vld.idx.msk [tilespmem:v7+s7+$0x0], $0xffff;
	[tilespmem:s16+$0xFFFFFFD0] =	vst v8  }
0x2af: {  	[tilespmem:s16+$0xFFFFFFE0] =	vst v5  }
0x2b0: {  	[tilespmem:s16+$0xFFFFFFF0] =	vst v3  }
0x2b1: {  	[tilespmem:s16+$0x0] =	vst v0  }
0x2b2: {  	[tilespmem:s16+$0x10] =	vst v1  }
0x2b3: {  	[tilespmem:s16+$0x20] =	vst v2  }
0x2b4: {  	[tilespmem:s16+$0xFFFFFFC0] =	vst v4  }
0x2b5: {  	s0 =	sld [smem:$0x7F8];
	_ =	sdelay $0x2  }
0x2b6: {  	[hbm4b:s0+s1] =	stream.linear.scatter [tilespmem:s10], [sflag:$0x3], $0x4000, $0x38;
	[tilespmem:$0xD000] =	vst v63  }
0x2b7: {  	_ =	swait.ge [sflag:s11], $0x800  }
0x2b8: {  	[sflag:s11] =	ssyncset.done $0x0  }
0x2b9: {  	s17 =	rddreg [dreg:$0x12];
	[sflag:s11] =	ssyncadd.s32 $0xFFFFF800  }
0x2ba: {  	[tilespmem:s7], [sflag:$0x1] =	stream.linear.gather [hbm4b:s17+s1], $0x800, $0x38;
	[tilespmem:$0xD000] =	vst v63  }
0x2bb: {  	_ =	swait.ge [sflag:s14], $0x4000  }
0x2bc: {  	[sflag:s14] =	ssyncset.done $0x0  }
0x2bd: {  	s18 =	simm.s32 $0x40;
	[sflag:s14] =	ssyncadd.s32 $0xFFFFC000  }
0x2be: {  	v0 =	vld [tilespmem:s18+$0x30]  }
0x2bf: {  	v1 =	vld [tilespmem:s18+$0xFFFFFFD0]  }
0x2c0: {  	v2 =	vld [tilespmem:s18+$0xFFFFFFE0]  }
0x2c1: {  	v3 =	vld [tilespmem:s18+$0xFFFFFFF0]  }
0x2c2: {  	v4 =	vld [tilespmem:s18+$0x0]  }
0x2c3: {  	v6 =	vld [tilespmem:s18+$0x10]  }
0x2c4: {  	v7 =	vld [tilespmem:s18+$0x20]  }
0x2c5: {  	v8 =	vld [tilespmem:s18+$0xFFFFFFC0]  }
0x2c6: {  	v9 =	vld.idx.msk [tilespmem:v0+s9+$0x0], $0xffff  }
0x2c7: {  	v10 =	vld.idx.msk [tilespmem:v1+s9+$0x0], $0xffff  }
0x2c8: {  	v5 =	vld.idx.msk [tilespmem:v2+s9+$0x0], $0xffff  }
0x2c9: {  	v3 =	vld.idx.msk [tilespmem:v3+s9+$0x0], $0xffff  }
0x2ca: {  	v0 =	vld.idx.msk [tilespmem:v4+s9+$0x0], $0xffff  }
0x2cb: {  	s16 =	simm.s32 $0x9040;
	v1 =	vld.idx.msk [tilespmem:v6+s9+$0x0], $0xffff  }
0x2cc: {  	v2 =	vld.idx.msk [tilespmem:v7+s9+$0x0], $0xffff;
	[tilespmem:s16+$0x30] =	vst v9  }
0x2cd: {  	s17 =	simm.s32 $0x0;
	s18 =	simm.s32 $0xC0;
	v4 =	vld.idx.msk [tilespmem:v8+s9+$0x0], $0xffff;
	[tilespmem:s16+$0xFFFFFFD0] =	vst v10  }
.LBB2_28:
0x2ce: {  	v6 =	vld [tilespmem:s18+$0x30];
	s17 =	sadd.s32 $0x8, s17;
	[tilespmem:s16+$0xFFFFFFE0] =	vst v5  }
0x2cf: {  	v5 =	vld [tilespmem:s18+$0xFFFFFFD0];
	p0 =	slt.u32 s17, $0x3F8;
	[tilespmem:s16+$0xFFFFFFF0] =	vst v3  }
0x2d0: {  	v3 =	vld [tilespmem:s18+$0xFFFFFFE0];
	[tilespmem:s16+$0x0] =	vst v0  }
0x2d1: {  	v0 =	vld [tilespmem:s18+$0xFFFFFFF0];
	[tilespmem:s16+$0x10] =	vst v1  }
0x2d2: {  	v1 =	vld [tilespmem:s18+$0x0];
	[tilespmem:s16+$0x20] =	vst v2  }
0x2d3: {  	v2 =	vld [tilespmem:s18+$0x10];
	[tilespmem:s16+$0xFFFFFFC0] =	vst v4  }
0x2d4: {  	v4 =	vld [tilespmem:s18+$0x20]  }
0x2d5: {  	v7 =	vld [tilespmem:s18+$0xFFFFFFC0]  }
0x2d6: {  	v6 =	vld.idx.msk [tilespmem:v6+s9+$0x0], $0xffff  }
0x2d7: {  	v8 =	vld.idx.msk [tilespmem:v5+s9+$0x0], $0xffff  }
0x2d8: {  	v5 =	vld.idx.msk [tilespmem:v3+s9+$0x0], $0xffff  }
.Ltmp13:
0x2d9: {  	v3 =	vld.idx.msk [tilespmem:v0+s9+$0x0], $0xffff;
	(pc) =	sbr.rel @p0 .LBB2_28-.Ltmp13, $4  }
0x2da: {  	v0 =	vld.idx.msk [tilespmem:v1+s9+$0x0], $0xffff  }
0x2db: {  	s16 =	sadd.s32 $0x80, s16;
	v1 =	vld.idx.msk [tilespmem:v2+s9+$0x0], $0xffff  }
0x2dc: {  	v2 =	vld.idx.msk [tilespmem:v4+s9+$0x0], $0xffff;
	[tilespmem:s16+$0x30] =	vst v6  }
0x2dd: {  	s18 =	sadd.s32 $0x80, s18;
	v4 =	vld.idx.msk [tilespmem:v7+s9+$0x0], $0xffff;
	[tilespmem:s16+$0xFFFFFFD0] =	vst v8  }
0x2de: {  	[tilespmem:s16+$0xFFFFFFE0] =	vst v5  }
0x2df: {  	[tilespmem:s16+$0xFFFFFFF0] =	vst v3  }
0x2e0: {  	[tilespmem:s16+$0x0] =	vst v0  }
0x2e1: {  	[tilespmem:s16+$0x10] =	vst v1  }
0x2e2: {  	[tilespmem:s16+$0x20] =	vst v2  }
0x2e3: {  	[tilespmem:s16+$0xFFFFFFC0] =	vst v4  }
0x2e4: {  	s0 =	sld [smem:$0x7F9];
	_ =	sdelay $0x2  }
0x2e5: {  	[hbm4b:s0+s1] =	stream.linear.scatter [tilespmem:s12], [sflag:$0x4], $0x4000, $0x38;
	[tilespmem:$0xD000] =	vst v63  }
0x2e6: {  	_ =	swait.ge [sflag:s8], $0x800  }
0x2e7: {  	[sflag:s8] =	ssyncset.done $0x0  }
0x2e8: {  	s17 =	rddreg [dreg:$0x13];
	[sflag:s8] =	ssyncadd.s32 $0xFFFFF800  }
0x2e9: {  	[tilespmem:s9], [sflag:$0x2] =	stream.linear.gather [hbm4b:s17+s1], $0x800, $0x38;
	[tilespmem:$0xD000] =	vst v63  }
0x2ea: {  	_ =	swait.ge [sflag:s13], $0x4000  }
0x2eb: {  	[sflag:s13] =	ssyncset.done $0x0  }
0x2ec: {  	s18 =	simm.s32 $0x40;
	[sflag:s13] =	ssyncadd.s32 $0xFFFFC000  }
0x2ed: {  	v0 =	vld [tilespmem:s18+$0x30]  }
0x2ee: {  	v1 =	vld [tilespmem:s18+$0xFFFFFFD0]  }
0x2ef: {  	v2 =	vld [tilespmem:s18+$0xFFFFFFE0]  }
0x2f0: {  	v3 =	vld [tilespmem:s18+$0xFFFFFFF0]  }
0x2f1: {  	v4 =	vld [tilespmem:s18+$0x0]  }
0x2f2: {  	v6 =	vld [tilespmem:s18+$0x10]  }
0x2f3: {  	v7 =	vld [tilespmem:s18+$0x20]  }
0x2f4: {  	v8 =	vld [tilespmem:s18+$0xFFFFFFC0]  }
0x2f5: {  	v9 =	vld.idx.msk [tilespmem:v0+s7+$0x0], $0xffff  }
0x2f6: {  	v10 =	vld.idx.msk [tilespmem:v1+s7+$0x0], $0xffff  }
0x2f7: {  	v5 =	vld.idx.msk [tilespmem:v2+s7+$0x0], $0xffff  }
0x2f8: {  	v3 =	vld.idx.msk [tilespmem:v3+s7+$0x0], $0xffff  }
0x2f9: {  	v0 =	vld.idx.msk [tilespmem:v4+s7+$0x0], $0xffff  }
0x2fa: {  	s16 =	simm.s32 $0x5040;
	v1 =	vld.idx.msk [tilespmem:v6+s7+$0x0], $0xffff  }
0x2fb: {  	v2 =	vld.idx.msk [tilespmem:v7+s7+$0x0], $0xffff;
	[tilespmem:s16+$0x30] =	vst v9  }
0x2fc: {  	s17 =	simm.s32 $0x0;
	s18 =	simm.s32 $0xC0;
	v4 =	vld.idx.msk [tilespmem:v8+s7+$0x0], $0xffff;
	[tilespmem:s16+$0xFFFFFFD0] =	vst v10  }
.LBB2_30:
0x2fd: {  	v6 =	vld [tilespmem:s18+$0x30];
	s17 =	sadd.s32 $0x8, s17;
	[tilespmem:s16+$0xFFFFFFE0] =	vst v5  }
0x2fe: {  	v5 =	vld [tilespmem:s18+$0xFFFFFFD0];
	p0 =	slt.u32 s17, $0x3F8;
	[tilespmem:s16+$0xFFFFFFF0] =	vst v3  }
0x2ff: {  	v3 =	vld [tilespmem:s18+$0xFFFFFFE0];
	[tilespmem:s16+$0x0] =	vst v0  }
0x300: {  	v0 =	vld [tilespmem:s18+$0xFFFFFFF0];
	[tilespmem:s16+$0x10] =	vst v1  }
0x301: {  	v1 =	vld [tilespmem:s18+$0x0];
	[tilespmem:s16+$0x20] =	vst v2  }
0x302: {  	v2 =	vld [tilespmem:s18+$0x10];
	[tilespmem:s16+$0xFFFFFFC0] =	vst v4  }
0x303: {  	v4 =	vld [tilespmem:s18+$0x20]  }
0x304: {  	v7 =	vld [tilespmem:s18+$0xFFFFFFC0]  }
0x305: {  	v6 =	vld.idx.msk [tilespmem:v6+s7+$0x0], $0xffff  }
0x306: {  	v8 =	vld.idx.msk [tilespmem:v5+s7+$0x0], $0xffff  }
0x307: {  	v5 =	vld.idx.msk [tilespmem:v3+s7+$0x0], $0xffff  }
.Ltmp14:
0x308: {  	v3 =	vld.idx.msk [tilespmem:v0+s7+$0x0], $0xffff;
	(pc) =	sbr.rel @p0 .LBB2_30-.Ltmp14, $4  }
0x309: {  	v0 =	vld.idx.msk [tilespmem:v1+s7+$0x0], $0xffff  }
0x30a: {  	s16 =	sadd.s32 $0x80, s16;
	v1 =	vld.idx.msk [tilespmem:v2+s7+$0x0], $0xffff  }
0x30b: {  	v2 =	vld.idx.msk [tilespmem:v4+s7+$0x0], $0xffff;
	[tilespmem:s16+$0x30] =	vst v6  }
0x30c: {  	s18 =	sadd.s32 $0x80, s18;
	v4 =	vld.idx.msk [tilespmem:v7+s7+$0x0], $0xffff;
	[tilespmem:s16+$0xFFFFFFD0] =	vst v8  }
0x30d: {  	[tilespmem:s16+$0xFFFFFFE0] =	vst v5  }
0x30e: {  	[tilespmem:s16+$0xFFFFFFF0] =	vst v3  }
0x30f: {  	[tilespmem:s16+$0x0] =	vst v0  }
0x310: {  	[tilespmem:s16+$0x10] =	vst v1  }
0x311: {  	[tilespmem:s16+$0x20] =	vst v2  }
0x312: {  	[tilespmem:s16+$0xFFFFFFC0] =	vst v4  }
0x313: {  	s0 =	sld [smem:$0x7FA];
	_ =	sdelay $0x2  }
0x314: {  	[hbm4b:s0+s1] =	stream.linear.scatter [tilespmem:s10], [sflag:$0x3], $0x4000, $0x38;
	[tilespmem:$0xD000] =	vst v63  }
0x315: {  	_ =	swait.ge [sflag:s11], $0x800  }
0x316: {  	[sflag:s11] =	ssyncset.done $0x0  }
0x317: {  	s17 =	rddreg [dreg:$0x14];
	[sflag:s11] =	ssyncadd.s32 $0xFFFFF800  }
0x318: {  	[tilespmem:s7], [sflag:$0x1] =	stream.linear.gather [hbm4b:s17+s1], $0x800, $0x38;
	[tilespmem:$0xD000] =	vst v63  }
0x319: {  	_ =	swait.ge [sflag:s14], $0x4000  }
0x31a: {  	[sflag:s14] =	ssyncset.done $0x0  }
0x31b: {  	s18 =	simm.s32 $0x40;
	[sflag:s14] =	ssyncadd.s32 $0xFFFFC000  }
0x31c: {  	v0 =	vld [tilespmem:s18+$0x30]  }
0x31d: {  	v1 =	vld [tilespmem:s18+$0xFFFFFFD0]  }
0x31e: {  	v2 =	vld [tilespmem:s18+$0xFFFFFFE0]  }
0x31f: {  	v3 =	vld [tilespmem:s18+$0xFFFFFFF0]  }
0x320: {  	v4 =	vld [tilespmem:s18+$0x0]  }
0x321: {  	v6 =	vld [tilespmem:s18+$0x10]  }
0x322: {  	v7 =	vld [tilespmem:s18+$0x20]  }
0x323: {  	v8 =	vld [tilespmem:s18+$0xFFFFFFC0]  }
0x324: {  	v9 =	vld.idx.msk [tilespmem:v0+s9+$0x0], $0xffff  }
0x325: {  	v10 =	vld.idx.msk [tilespmem:v1+s9+$0x0], $0xffff  }
0x326: {  	v5 =	vld.idx.msk [tilespmem:v2+s9+$0x0], $0xffff  }
0x327: {  	v3 =	vld.idx.msk [tilespmem:v3+s9+$0x0], $0xffff  }
0x328: {  	v0 =	vld.idx.msk [tilespmem:v4+s9+$0x0], $0xffff  }
0x329: {  	s16 =	simm.s32 $0x9040;
	v1 =	vld.idx.msk [tilespmem:v6+s9+$0x0], $0xffff  }
0x32a: {  	v2 =	vld.idx.msk [tilespmem:v7+s9+$0x0], $0xffff;
	[tilespmem:s16+$0x30] =	vst v9  }
0x32b: {  	s17 =	simm.s32 $0x0;
	s18 =	simm.s32 $0xC0;
	v4 =	vld.idx.msk [tilespmem:v8+s9+$0x0], $0xffff;
	[tilespmem:s16+$0xFFFFFFD0] =	vst v10  }
.LBB2_32:
0x32c: {  	v6 =	vld [tilespmem:s18+$0x30];
	s17 =	sadd.s32 $0x8, s17;
	[tilespmem:s16+$0xFFFFFFE0] =	vst v5  }
0x32d: {  	v5 =	vld [tilespmem:s18+$0xFFFFFFD0];
	p0 =	slt.u32 s17, $0x3F8;
	[tilespmem:s16+$0xFFFFFFF0] =	vst v3  }
0x32e: {  	v3 =	vld [tilespmem:s18+$0xFFFFFFE0];
	[tilespmem:s16+$0x0] =	vst v0  }
0x32f: {  	v0 =	vld [tilespmem:s18+$0xFFFFFFF0];
	[tilespmem:s16+$0x10] =	vst v1  }
0x330: {  	v1 =	vld [tilespmem:s18+$0x0];
	[tilespmem:s16+$0x20] =	vst v2  }
0x331: {  	v2 =	vld [tilespmem:s18+$0x10];
	[tilespmem:s16+$0xFFFFFFC0] =	vst v4  }
0x332: {  	v4 =	vld [tilespmem:s18+$0x20]  }
0x333: {  	v7 =	vld [tilespmem:s18+$0xFFFFFFC0]  }
0x334: {  	v6 =	vld.idx.msk [tilespmem:v6+s9+$0x0], $0xffff  }
0x335: {  	v8 =	vld.idx.msk [tilespmem:v5+s9+$0x0], $0xffff  }
0x336: {  	v5 =	vld.idx.msk [tilespmem:v3+s9+$0x0], $0xffff  }
.Ltmp15:
0x337: {  	v3 =	vld.idx.msk [tilespmem:v0+s9+$0x0], $0xffff;
	(pc) =	sbr.rel @p0 .LBB2_32-.Ltmp15, $4  }
0x338: {  	v0 =	vld.idx.msk [tilespmem:v1+s9+$0x0], $0xffff  }
0x339: {  	s16 =	sadd.s32 $0x80, s16;
	v1 =	vld.idx.msk [tilespmem:v2+s9+$0x0], $0xffff  }
0x33a: {  	v2 =	vld.idx.msk [tilespmem:v4+s9+$0x0], $0xffff;
	[tilespmem:s16+$0x30] =	vst v6  }
0x33b: {  	s18 =	sadd.s32 $0x80, s18;
	v4 =	vld.idx.msk [tilespmem:v7+s9+$0x0], $0xffff;
	[tilespmem:s16+$0xFFFFFFD0] =	vst v8  }
0x33c: {  	[tilespmem:s16+$0xFFFFFFE0] =	vst v5  }
0x33d: {  	[tilespmem:s16+$0xFFFFFFF0] =	vst v3  }
0x33e: {  	[tilespmem:s16+$0x0] =	vst v0  }
0x33f: {  	[tilespmem:s16+$0x10] =	vst v1  }
0x340: {  	[tilespmem:s16+$0x20] =	vst v2  }
0x341: {  	[tilespmem:s16+$0xFFFFFFC0] =	vst v4  }
0x342: {  	s0 =	sld [smem:$0x7FB];
	_ =	sdelay $0x2  }
0x343: {  	[hbm4b:s0+s1] =	stream.linear.scatter [tilespmem:s12], [sflag:$0x4], $0x4000, $0x38;
	[tilespmem:$0xD000] =	vst v63  }
0x344: {  	_ =	swait.ge [sflag:s8], $0x800  }
0x345: {  	[sflag:s8] =	ssyncset.done $0x0  }
0x346: {  	s17 =	rddreg [dreg:$0x15];
	[sflag:s8] =	ssyncadd.s32 $0xFFFFF800  }
0x347: {  	[tilespmem:s9], [sflag:$0x2] =	stream.linear.gather [hbm4b:s17+s1], $0x800, $0x38;
	[tilespmem:$0xD000] =	vst v63  }
0x348: {  	_ =	swait.ge [sflag:s13], $0x4000  }
0x349: {  	[sflag:s13] =	ssyncset.done $0x0  }
0x34a: {  	s18 =	simm.s32 $0x40;
	[sflag:s13] =	ssyncadd.s32 $0xFFFFC000  }
0x34b: {  	v0 =	vld [tilespmem:s18+$0x30]  }
0x34c: {  	v1 =	vld [tilespmem:s18+$0xFFFFFFD0]  }
0x34d: {  	v2 =	vld [tilespmem:s18+$0xFFFFFFE0]  }
0x34e: {  	v3 =	vld [tilespmem:s18+$0xFFFFFFF0]  }
0x34f: {  	v4 =	vld [tilespmem:s18+$0x0]  }
0x350: {  	v6 =	vld [tilespmem:s18+$0x10]  }
0x351: {  	v7 =	vld [tilespmem:s18+$0x20]  }
0x352: {  	v8 =	vld [tilespmem:s18+$0xFFFFFFC0]  }
0x353: {  	v9 =	vld.idx.msk [tilespmem:v0+s7+$0x0], $0xffff  }
0x354: {  	v10 =	vld.idx.msk [tilespmem:v1+s7+$0x0], $0xffff  }
0x355: {  	v5 =	vld.idx.msk [tilespmem:v2+s7+$0x0], $0xffff  }
0x356: {  	v3 =	vld.idx.msk [tilespmem:v3+s7+$0x0], $0xffff  }
0x357: {  	v0 =	vld.idx.msk [tilespmem:v4+s7+$0x0], $0xffff  }
0x358: {  	s16 =	simm.s32 $0x5040;
	v1 =	vld.idx.msk [tilespmem:v6+s7+$0x0], $0xffff  }
0x359: {  	v2 =	vld.idx.msk [tilespmem:v7+s7+$0x0], $0xffff;
	[tilespmem:s16+$0x30] =	vst v9  }
0x35a: {  	s17 =	simm.s32 $0x0;
	s18 =	simm.s32 $0xC0;
	v4 =	vld.idx.msk [tilespmem:v8+s7+$0x0], $0xffff;
	[tilespmem:s16+$0xFFFFFFD0] =	vst v10  }
.LBB2_34:
0x35b: {  	v6 =	vld [tilespmem:s18+$0x30];
	s17 =	sadd.s32 $0x8, s17;
	[tilespmem:s16+$0xFFFFFFE0] =	vst v5  }
0x35c: {  	v5 =	vld [tilespmem:s18+$0xFFFFFFD0];
	p0 =	slt.u32 s17, $0x3F8;
	[tilespmem:s16+$0xFFFFFFF0] =	vst v3  }
0x35d: {  	v3 =	vld [tilespmem:s18+$0xFFFFFFE0];
	[tilespmem:s16+$0x0] =	vst v0  }
0x35e: {  	v0 =	vld [tilespmem:s18+$0xFFFFFFF0];
	[tilespmem:s16+$0x10] =	vst v1  }
0x35f: {  	v1 =	vld [tilespmem:s18+$0x0];
	[tilespmem:s16+$0x20] =	vst v2  }
0x360: {  	v2 =	vld [tilespmem:s18+$0x10];
	[tilespmem:s16+$0xFFFFFFC0] =	vst v4  }
0x361: {  	v4 =	vld [tilespmem:s18+$0x20]  }
0x362: {  	v7 =	vld [tilespmem:s18+$0xFFFFFFC0]  }
0x363: {  	v6 =	vld.idx.msk [tilespmem:v6+s7+$0x0], $0xffff  }
0x364: {  	v8 =	vld.idx.msk [tilespmem:v5+s7+$0x0], $0xffff  }
0x365: {  	v5 =	vld.idx.msk [tilespmem:v3+s7+$0x0], $0xffff  }
.Ltmp16:
0x366: {  	v3 =	vld.idx.msk [tilespmem:v0+s7+$0x0], $0xffff;
	(pc) =	sbr.rel @p0 .LBB2_34-.Ltmp16, $4  }
0x367: {  	v0 =	vld.idx.msk [tilespmem:v1+s7+$0x0], $0xffff  }
0x368: {  	s16 =	sadd.s32 $0x80, s16;
	v1 =	vld.idx.msk [tilespmem:v2+s7+$0x0], $0xffff  }
0x369: {  	v2 =	vld.idx.msk [tilespmem:v4+s7+$0x0], $0xffff;
	[tilespmem:s16+$0x30] =	vst v6  }
0x36a: {  	s18 =	sadd.s32 $0x80, s18;
	v4 =	vld.idx.msk [tilespmem:v7+s7+$0x0], $0xffff;
	[tilespmem:s16+$0xFFFFFFD0] =	vst v8  }
0x36b: {  	[tilespmem:s16+$0xFFFFFFE0] =	vst v5  }
0x36c: {  	[tilespmem:s16+$0xFFFFFFF0] =	vst v3  }
0x36d: {  	[tilespmem:s16+$0x0] =	vst v0  }
0x36e: {  	[tilespmem:s16+$0x10] =	vst v1  }
0x36f: {  	[tilespmem:s16+$0x20] =	vst v2  }
0x370: {  	[tilespmem:s16+$0xFFFFFFC0] =	vst v4  }
0x371: {  	s0 =	sld [smem:$0x7FC];
	_ =	sdelay $0x2  }
0x372: {  	[hbm4b:s0+s1] =	stream.linear.scatter [tilespmem:s10], [sflag:$0x3], $0x4000, $0x38;
	[tilespmem:$0xD000] =	vst v63  }
0x373: {  	_ =	swait.ge [sflag:s11], $0x800  }
0x374: {  	[sflag:s11] =	ssyncset.done $0x0  }
0x375: {  	s17 =	rddreg [dreg:$0x16];
	[sflag:s11] =	ssyncadd.s32 $0xFFFFF800  }
0x376: {  	[tilespmem:s7], [sflag:$0x1] =	stream.linear.gather [hbm4b:s17+s1], $0x800, $0x38;
	[tilespmem:$0xD000] =	vst v63  }
0x377: {  	_ =	swait.ge [sflag:s14], $0x4000  }
0x378: {  	[sflag:s14] =	ssyncset.done $0x0  }
0x379: {  	s18 =	simm.s32 $0x40;
	[sflag:s14] =	ssyncadd.s32 $0xFFFFC000  }
0x37a: {  	v0 =	vld [tilespmem:s18+$0x30]  }
0x37b: {  	v1 =	vld [tilespmem:s18+$0xFFFFFFD0]  }
0x37c: {  	v2 =	vld [tilespmem:s18+$0xFFFFFFE0]  }
0x37d: {  	v3 =	vld [tilespmem:s18+$0xFFFFFFF0]  }
0x37e: {  	v4 =	vld [tilespmem:s18+$0x0]  }
0x37f: {  	v6 =	vld [tilespmem:s18+$0x10]  }
0x380: {  	v7 =	vld [tilespmem:s18+$0x20]  }
0x381: {  	v8 =	vld [tilespmem:s18+$0xFFFFFFC0]  }
0x382: {  	v9 =	vld.idx.msk [tilespmem:v0+s9+$0x0], $0xffff  }
0x383: {  	v10 =	vld.idx.msk [tilespmem:v1+s9+$0x0], $0xffff  }
0x384: {  	v5 =	vld.idx.msk [tilespmem:v2+s9+$0x0], $0xffff  }
0x385: {  	v3 =	vld.idx.msk [tilespmem:v3+s9+$0x0], $0xffff  }
0x386: {  	v0 =	vld.idx.msk [tilespmem:v4+s9+$0x0], $0xffff  }
0x387: {  	s16 =	simm.s32 $0x9040;
	v1 =	vld.idx.msk [tilespmem:v6+s9+$0x0], $0xffff  }
0x388: {  	v2 =	vld.idx.msk [tilespmem:v7+s9+$0x0], $0xffff;
	[tilespmem:s16+$0x30] =	vst v9  }
0x389: {  	s17 =	simm.s32 $0x0;
	s18 =	simm.s32 $0xC0;
	v4 =	vld.idx.msk [tilespmem:v8+s9+$0x0], $0xffff;
	[tilespmem:s16+$0xFFFFFFD0] =	vst v10  }
.LBB2_36:
0x38a: {  	v6 =	vld [tilespmem:s18+$0x30];
	s17 =	sadd.s32 $0x8, s17;
	[tilespmem:s16+$0xFFFFFFE0] =	vst v5  }
0x38b: {  	v5 =	vld [tilespmem:s18+$0xFFFFFFD0];
	p0 =	slt.u32 s17, $0x3F8;
	[tilespmem:s16+$0xFFFFFFF0] =	vst v3  }
0x38c: {  	v3 =	vld [tilespmem:s18+$0xFFFFFFE0];
	[tilespmem:s16+$0x0] =	vst v0  }
0x38d: {  	v0 =	vld [tilespmem:s18+$0xFFFFFFF0];
	[tilespmem:s16+$0x10] =	vst v1  }
0x38e: {  	v1 =	vld [tilespmem:s18+$0x0];
	[tilespmem:s16+$0x20] =	vst v2  }
0x38f: {  	v2 =	vld [tilespmem:s18+$0x10];
	[tilespmem:s16+$0xFFFFFFC0] =	vst v4  }
0x390: {  	v4 =	vld [tilespmem:s18+$0x20]  }
0x391: {  	v7 =	vld [tilespmem:s18+$0xFFFFFFC0]  }
0x392: {  	v6 =	vld.idx.msk [tilespmem:v6+s9+$0x0], $0xffff  }
0x393: {  	v8 =	vld.idx.msk [tilespmem:v5+s9+$0x0], $0xffff  }
0x394: {  	v5 =	vld.idx.msk [tilespmem:v3+s9+$0x0], $0xffff  }
.Ltmp17:
0x395: {  	v3 =	vld.idx.msk [tilespmem:v0+s9+$0x0], $0xffff;
	(pc) =	sbr.rel @p0 .LBB2_36-.Ltmp17, $4  }
0x396: {  	v0 =	vld.idx.msk [tilespmem:v1+s9+$0x0], $0xffff  }
0x397: {  	s16 =	sadd.s32 $0x80, s16;
	v1 =	vld.idx.msk [tilespmem:v2+s9+$0x0], $0xffff  }
0x398: {  	v2 =	vld.idx.msk [tilespmem:v4+s9+$0x0], $0xffff;
	[tilespmem:s16+$0x30] =	vst v6  }
0x399: {  	s18 =	sadd.s32 $0x80, s18;
	v4 =	vld.idx.msk [tilespmem:v7+s9+$0x0], $0xffff;
	[tilespmem:s16+$0xFFFFFFD0] =	vst v8  }
0x39a: {  	[tilespmem:s16+$0xFFFFFFE0] =	vst v5  }
0x39b: {  	[tilespmem:s16+$0xFFFFFFF0] =	vst v3  }
0x39c: {  	[tilespmem:s16+$0x0] =	vst v0  }
0x39d: {  	[tilespmem:s16+$0x10] =	vst v1  }
0x39e: {  	[tilespmem:s16+$0x20] =	vst v2  }
0x39f: {  	[tilespmem:s16+$0xFFFFFFC0] =	vst v4  }
0x3a0: {  	[hbm4b:s20+s1] =	stream.linear.scatter [tilespmem:s12], [sflag:$0x4], $0x4000, $0x38;
	[tilespmem:$0xD000] =	vst v63  }
0x3a1: {  	_ =	swait.ge [sflag:s8], $0x800  }
0x3a2: {  	[sflag:s8] =	ssyncset.done $0x0  }
0x3a3: {  	s0 =	rddreg [dreg:$0x17];
	[sflag:s8] =	ssyncadd.s32 $0xFFFFF800  }
0x3a4: {  	[tilespmem:s9], [sflag:$0x2] =	stream.linear.gather [hbm4b:s0+s1], $0x800, $0x38;
	[tilespmem:$0xD000] =	vst v63  }
0x3a5: {  	_ =	swait.ge [sflag:s13], $0x4000  }
0x3a6: {  	[sflag:s13] =	ssyncset.done $0x0  }
0x3a7: {  	s18 =	simm.s32 $0x40;
	[sflag:s13] =	ssyncadd.s32 $0xFFFFC000  }
0x3a8: {  	v0 =	vld [tilespmem:s18+$0x30]  }
0x3a9: {  	v1 =	vld [tilespmem:s18+$0xFFFFFFD0]  }
0x3aa: {  	v2 =	vld [tilespmem:s18+$0xFFFFFFE0]  }
0x3ab: {  	v3 =	vld [tilespmem:s18+$0xFFFFFFF0]  }
0x3ac: {  	v4 =	vld [tilespmem:s18+$0x0]  }
0x3ad: {  	v6 =	vld [tilespmem:s18+$0x10]  }
0x3ae: {  	v7 =	vld [tilespmem:s18+$0x20]  }
0x3af: {  	v8 =	vld [tilespmem:s18+$0xFFFFFFC0]  }
0x3b0: {  	v9 =	vld.idx.msk [tilespmem:v0+s7+$0x0], $0xffff  }
0x3b1: {  	v10 =	vld.idx.msk [tilespmem:v1+s7+$0x0], $0xffff  }
0x3b2: {  	v5 =	vld.idx.msk [tilespmem:v2+s7+$0x0], $0xffff  }
0x3b3: {  	v3 =	vld.idx.msk [tilespmem:v3+s7+$0x0], $0xffff  }
0x3b4: {  	v0 =	vld.idx.msk [tilespmem:v4+s7+$0x0], $0xffff  }
0x3b5: {  	s16 =	simm.s32 $0x5040;
	v1 =	vld.idx.msk [tilespmem:v6+s7+$0x0], $0xffff  }
0x3b6: {  	v2 =	vld.idx.msk [tilespmem:v7+s7+$0x0], $0xffff;
	[tilespmem:s16+$0x30] =	vst v9  }
0x3b7: {  	s17 =	simm.s32 $0x0;
	s18 =	simm.s32 $0xC0;
	v4 =	vld.idx.msk [tilespmem:v8+s7+$0x0], $0xffff;
	[tilespmem:s16+$0xFFFFFFD0] =	vst v10  }
.LBB2_38:
0x3b8: {  	v6 =	vld [tilespmem:s18+$0x30];
	s17 =	sadd.s32 $0x8, s17;
	[tilespmem:s16+$0xFFFFFFE0] =	vst v5  }
0x3b9: {  	v5 =	vld [tilespmem:s18+$0xFFFFFFD0];
	p0 =	slt.u32 s17, $0x3F8;
	[tilespmem:s16+$0xFFFFFFF0] =	vst v3  }
0x3ba: {  	v3 =	vld [tilespmem:s18+$0xFFFFFFE0];
	[tilespmem:s16+$0x0] =	vst v0  }
0x3bb: {  	v0 =	vld [tilespmem:s18+$0xFFFFFFF0];
	[tilespmem:s16+$0x10] =	vst v1  }
0x3bc: {  	v1 =	vld [tilespmem:s18+$0x0];
	[tilespmem:s16+$0x20] =	vst v2  }
0x3bd: {  	v2 =	vld [tilespmem:s18+$0x10];
	[tilespmem:s16+$0xFFFFFFC0] =	vst v4  }
0x3be: {  	v4 =	vld [tilespmem:s18+$0x20]  }
0x3bf: {  	v7 =	vld [tilespmem:s18+$0xFFFFFFC0]  }
0x3c0: {  	v6 =	vld.idx.msk [tilespmem:v6+s7+$0x0], $0xffff  }
0x3c1: {  	v8 =	vld.idx.msk [tilespmem:v5+s7+$0x0], $0xffff  }
0x3c2: {  	v5 =	vld.idx.msk [tilespmem:v3+s7+$0x0], $0xffff  }
.Ltmp18:
0x3c3: {  	v3 =	vld.idx.msk [tilespmem:v0+s7+$0x0], $0xffff;
	(pc) =	sbr.rel @p0 .LBB2_38-.Ltmp18, $4  }
0x3c4: {  	v0 =	vld.idx.msk [tilespmem:v1+s7+$0x0], $0xffff  }
0x3c5: {  	s16 =	sadd.s32 $0x80, s16;
	v1 =	vld.idx.msk [tilespmem:v2+s7+$0x0], $0xffff  }
0x3c6: {  	v2 =	vld.idx.msk [tilespmem:v4+s7+$0x0], $0xffff;
	[tilespmem:s16+$0x30] =	vst v6  }
0x3c7: {  	s18 =	sadd.s32 $0x80, s18;
	v4 =	vld.idx.msk [tilespmem:v7+s7+$0x0], $0xffff;
	[tilespmem:s16+$0xFFFFFFD0] =	vst v8  }
0x3c8: {  	[tilespmem:s16+$0xFFFFFFE0] =	vst v5  }
0x3c9: {  	[tilespmem:s16+$0xFFFFFFF0] =	vst v3  }
0x3ca: {  	[tilespmem:s16+$0x0] =	vst v0  }
0x3cb: {  	[tilespmem:s16+$0x10] =	vst v1  }
0x3cc: {  	[tilespmem:s16+$0x20] =	vst v2  }
0x3cd: {  	[tilespmem:s16+$0xFFFFFFC0] =	vst v4  }
0x3ce: {  	[hbm4b:s21+s1] =	stream.linear.scatter [tilespmem:s10], [sflag:$0x3], $0x4000, $0x38;
	[tilespmem:$0xD000] =	vst v63  }
0x3cf: {  	_ =	swait.ge [sflag:s11], $0x800  }
0x3d0: {  	[sflag:s11] =	ssyncset.done $0x0  }
0x3d1: {  	s0 =	rddreg [dreg:$0x18];
	[sflag:s11] =	ssyncadd.s32 $0xFFFFF800  }
0x3d2: {  	[tilespmem:s7], [sflag:$0x1] =	stream.linear.gather [hbm4b:s0+s1], $0x800, $0x38;
	[tilespmem:$0xD000] =	vst v63  }
0x3d3: {  	_ =	swait.ge [sflag:s14], $0x4000  }
0x3d4: {  	[sflag:s14] =	ssyncset.done $0x0  }
0x3d5: {  	s18 =	simm.s32 $0x40;
	[sflag:s14] =	ssyncadd.s32 $0xFFFFC000  }
0x3d6: {  	v0 =	vld [tilespmem:s18+$0x30]  }
0x3d7: {  	v1 =	vld [tilespmem:s18+$0xFFFFFFD0]  }
0x3d8: {  	v2 =	vld [tilespmem:s18+$0xFFFFFFE0]  }
0x3d9: {  	v3 =	vld [tilespmem:s18+$0xFFFFFFF0]  }
0x3da: {  	v4 =	vld [tilespmem:s18+$0x0]  }
0x3db: {  	v6 =	vld [tilespmem:s18+$0x10]  }
0x3dc: {  	v7 =	vld [tilespmem:s18+$0x20]  }
0x3dd: {  	v8 =	vld [tilespmem:s18+$0xFFFFFFC0]  }
0x3de: {  	v9 =	vld.idx.msk [tilespmem:v0+s9+$0x0], $0xffff  }
0x3df: {  	v10 =	vld.idx.msk [tilespmem:v1+s9+$0x0], $0xffff  }
0x3e0: {  	v5 =	vld.idx.msk [tilespmem:v2+s9+$0x0], $0xffff  }
0x3e1: {  	v3 =	vld.idx.msk [tilespmem:v3+s9+$0x0], $0xffff  }
0x3e2: {  	v0 =	vld.idx.msk [tilespmem:v4+s9+$0x0], $0xffff  }
0x3e3: {  	s16 =	simm.s32 $0x9040;
	v1 =	vld.idx.msk [tilespmem:v6+s9+$0x0], $0xffff  }
0x3e4: {  	v2 =	vld.idx.msk [tilespmem:v7+s9+$0x0], $0xffff;
	[tilespmem:s16+$0x30] =	vst v9  }
0x3e5: {  	s17 =	simm.s32 $0x0;
	s18 =	simm.s32 $0xC0;
	v4 =	vld.idx.msk [tilespmem:v8+s9+$0x0], $0xffff;
	[tilespmem:s16+$0xFFFFFFD0] =	vst v10  }
.LBB2_40:
0x3e6: {  	v6 =	vld [tilespmem:s18+$0x30];
	s17 =	sadd.s32 $0x8, s17;
	[tilespmem:s16+$0xFFFFFFE0] =	vst v5  }
0x3e7: {  	v5 =	vld [tilespmem:s18+$0xFFFFFFD0];
	p0 =	slt.u32 s17, $0x3F8;
	[tilespmem:s16+$0xFFFFFFF0] =	vst v3  }
0x3e8: {  	v3 =	vld [tilespmem:s18+$0xFFFFFFE0];
	[tilespmem:s16+$0x0] =	vst v0  }
0x3e9: {  	v0 =	vld [tilespmem:s18+$0xFFFFFFF0];
	[tilespmem:s16+$0x10] =	vst v1  }
0x3ea: {  	v1 =	vld [tilespmem:s18+$0x0];
	[tilespmem:s16+$0x20] =	vst v2  }
0x3eb: {  	v2 =	vld [tilespmem:s18+$0x10];
	[tilespmem:s16+$0xFFFFFFC0] =	vst v4  }
0x3ec: {  	v4 =	vld [tilespmem:s18+$0x20]  }
0x3ed: {  	v7 =	vld [tilespmem:s18+$0xFFFFFFC0]  }
0x3ee: {  	v6 =	vld.idx.msk [tilespmem:v6+s9+$0x0], $0xffff  }
0x3ef: {  	v8 =	vld.idx.msk [tilespmem:v5+s9+$0x0], $0xffff  }
0x3f0: {  	v5 =	vld.idx.msk [tilespmem:v3+s9+$0x0], $0xffff  }
.Ltmp19:
0x3f1: {  	v3 =	vld.idx.msk [tilespmem:v0+s9+$0x0], $0xffff;
	(pc) =	sbr.rel @p0 .LBB2_40-.Ltmp19, $4  }
0x3f2: {  	v0 =	vld.idx.msk [tilespmem:v1+s9+$0x0], $0xffff  }
0x3f3: {  	s16 =	sadd.s32 $0x80, s16;
	v1 =	vld.idx.msk [tilespmem:v2+s9+$0x0], $0xffff  }
0x3f4: {  	v2 =	vld.idx.msk [tilespmem:v4+s9+$0x0], $0xffff;
	[tilespmem:s16+$0x30] =	vst v6  }
0x3f5: {  	s18 =	sadd.s32 $0x80, s18;
	v4 =	vld.idx.msk [tilespmem:v7+s9+$0x0], $0xffff;
	[tilespmem:s16+$0xFFFFFFD0] =	vst v8  }
0x3f6: {  	[tilespmem:s16+$0xFFFFFFE0] =	vst v5  }
0x3f7: {  	[tilespmem:s16+$0xFFFFFFF0] =	vst v3  }
0x3f8: {  	[tilespmem:s16+$0x0] =	vst v0  }
0x3f9: {  	[tilespmem:s16+$0x10] =	vst v1  }
0x3fa: {  	[tilespmem:s16+$0x20] =	vst v2  }
0x3fb: {  	[tilespmem:s16+$0xFFFFFFC0] =	vst v4  }
0x3fc: {  	[hbm4b:s22+s1] =	stream.linear.scatter [tilespmem:s12], [sflag:$0x4], $0x4000, $0x38;
	[tilespmem:$0xD000] =	vst v63  }
0x3fd: {  	_ =	swait.ge [sflag:s8], $0x800  }
0x3fe: {  	[sflag:s8] =	ssyncset.done $0x0  }
0x3ff: {  	s0 =	rddreg [dreg:$0x19];
	[sflag:s8] =	ssyncadd.s32 $0xFFFFF800  }
0x400: {  	[tilespmem:s9], [sflag:$0x2] =	stream.linear.gather [hbm4b:s0+s1], $0x800, $0x38;
	[tilespmem:$0xD000] =	vst v63  }
0x401: {  	_ =	swait.ge [sflag:s13], $0x4000  }
0x402: {  	[sflag:s13] =	ssyncset.done $0x0  }
0x403: {  	s18 =	simm.s32 $0x40;
	[sflag:s13] =	ssyncadd.s32 $0xFFFFC000  }
0x404: {  	v0 =	vld [tilespmem:s18+$0x30]  }
0x405: {  	v1 =	vld [tilespmem:s18+$0xFFFFFFD0]  }
0x406: {  	v2 =	vld [tilespmem:s18+$0xFFFFFFE0]  }
0x407: {  	v3 =	vld [tilespmem:s18+$0xFFFFFFF0]  }
0x408: {  	v4 =	vld [tilespmem:s18+$0x0]  }
0x409: {  	v6 =	vld [tilespmem:s18+$0x10]  }
0x40a: {  	v7 =	vld [tilespmem:s18+$0x20]  }
0x40b: {  	v8 =	vld [tilespmem:s18+$0xFFFFFFC0]  }
0x40c: {  	v9 =	vld.idx.msk [tilespmem:v0+s7+$0x0], $0xffff  }
0x40d: {  	v10 =	vld.idx.msk [tilespmem:v1+s7+$0x0], $0xffff  }
0x40e: {  	v5 =	vld.idx.msk [tilespmem:v2+s7+$0x0], $0xffff  }
0x40f: {  	v3 =	vld.idx.msk [tilespmem:v3+s7+$0x0], $0xffff  }
0x410: {  	v0 =	vld.idx.msk [tilespmem:v4+s7+$0x0], $0xffff  }
0x411: {  	s16 =	simm.s32 $0x5040;
	v1 =	vld.idx.msk [tilespmem:v6+s7+$0x0], $0xffff  }
0x412: {  	v2 =	vld.idx.msk [tilespmem:v7+s7+$0x0], $0xffff;
	[tilespmem:s16+$0x30] =	vst v9  }
0x413: {  	s17 =	simm.s32 $0x0;
	s18 =	simm.s32 $0xC0;
	v4 =	vld.idx.msk [tilespmem:v8+s7+$0x0], $0xffff;
	[tilespmem:s16+$0xFFFFFFD0] =	vst v10  }
.LBB2_42:
0x414: {  	v6 =	vld [tilespmem:s18+$0x30];
	s17 =	sadd.s32 $0x8, s17;
	[tilespmem:s16+$0xFFFFFFE0] =	vst v5  }
0x415: {  	v5 =	vld [tilespmem:s18+$0xFFFFFFD0];
	p0 =	slt.u32 s17, $0x3F8;
	[tilespmem:s16+$0xFFFFFFF0] =	vst v3  }
0x416: {  	v3 =	vld [tilespmem:s18+$0xFFFFFFE0];
	[tilespmem:s16+$0x0] =	vst v0  }
0x417: {  	v0 =	vld [tilespmem:s18+$0xFFFFFFF0];
	[tilespmem:s16+$0x10] =	vst v1  }
0x418: {  	v1 =	vld [tilespmem:s18+$0x0];
	[tilespmem:s16+$0x20] =	vst v2  }
0x419: {  	v2 =	vld [tilespmem:s18+$0x10];
	[tilespmem:s16+$0xFFFFFFC0] =	vst v4  }
0x41a: {  	v4 =	vld [tilespmem:s18+$0x20]  }
0x41b: {  	v7 =	vld [tilespmem:s18+$0xFFFFFFC0]  }
0x41c: {  	v6 =	vld.idx.msk [tilespmem:v6+s7+$0x0], $0xffff  }
0x41d: {  	v8 =	vld.idx.msk [tilespmem:v5+s7+$0x0], $0xffff  }
0x41e: {  	v5 =	vld.idx.msk [tilespmem:v3+s7+$0x0], $0xffff  }
.Ltmp20:
0x41f: {  	v3 =	vld.idx.msk [tilespmem:v0+s7+$0x0], $0xffff;
	(pc) =	sbr.rel @p0 .LBB2_42-.Ltmp20, $4  }
0x420: {  	v0 =	vld.idx.msk [tilespmem:v1+s7+$0x0], $0xffff  }
0x421: {  	s16 =	sadd.s32 $0x80, s16;
	v1 =	vld.idx.msk [tilespmem:v2+s7+$0x0], $0xffff  }
0x422: {  	v2 =	vld.idx.msk [tilespmem:v4+s7+$0x0], $0xffff;
	[tilespmem:s16+$0x30] =	vst v6  }
0x423: {  	s18 =	sadd.s32 $0x80, s18;
	v4 =	vld.idx.msk [tilespmem:v7+s7+$0x0], $0xffff;
	[tilespmem:s16+$0xFFFFFFD0] =	vst v8  }
0x424: {  	[tilespmem:s16+$0xFFFFFFE0] =	vst v5  }
0x425: {  	[tilespmem:s16+$0xFFFFFFF0] =	vst v3  }
0x426: {  	[tilespmem:s16+$0x0] =	vst v0  }
0x427: {  	[tilespmem:s16+$0x10] =	vst v1  }
0x428: {  	[tilespmem:s16+$0x20] =	vst v2  }
0x429: {  	[tilespmem:s16+$0xFFFFFFC0] =	vst v4  }
0x42a: {  	[hbm4b:s23+s1] =	stream.linear.scatter [tilespmem:s10], [sflag:$0x3], $0x4000, $0x38;
	[tilespmem:$0xD000] =	vst v63  }
0x42b: {  	_ =	swait.ge [sflag:s11], $0x800  }
0x42c: {  	[sflag:s11] =	ssyncset.done $0x0  }
0x42d: {  	s0 =	rddreg [dreg:$0x1a];
	[sflag:s11] =	ssyncadd.s32 $0xFFFFF800  }
0x42e: {  	[tilespmem:s7], [sflag:$0x1] =	stream.linear.gather [hbm4b:s0+s1], $0x800, $0x38;
	[tilespmem:$0xD000] =	vst v63  }
0x42f: {  	_ =	swait.ge [sflag:s14], $0x4000  }
0x430: {  	[sflag:s14] =	ssyncset.done $0x0  }
0x431: {  	s18 =	simm.s32 $0x40;
	[sflag:s14] =	ssyncadd.s32 $0xFFFFC000  }
0x432: {  	v0 =	vld [tilespmem:s18+$0x30]  }
0x433: {  	v1 =	vld [tilespmem:s18+$0xFFFFFFD0]  }
0x434: {  	v2 =	vld [tilespmem:s18+$0xFFFFFFE0]  }
0x435: {  	v3 =	vld [tilespmem:s18+$0xFFFFFFF0]  }
0x436: {  	v4 =	vld [tilespmem:s18+$0x0]  }
0x437: {  	v6 =	vld [tilespmem:s18+$0x10]  }
0x438: {  	v7 =	vld [tilespmem:s18+$0x20]  }
0x439: {  	v8 =	vld [tilespmem:s18+$0xFFFFFFC0]  }
0x43a: {  	v9 =	vld.idx.msk [tilespmem:v0+s9+$0x0], $0xffff  }
0x43b: {  	v10 =	vld.idx.msk [tilespmem:v1+s9+$0x0], $0xffff  }
0x43c: {  	v5 =	vld.idx.msk [tilespmem:v2+s9+$0x0], $0xffff  }
0x43d: {  	v3 =	vld.idx.msk [tilespmem:v3+s9+$0x0], $0xffff  }
0x43e: {  	v0 =	vld.idx.msk [tilespmem:v4+s9+$0x0], $0xffff  }
0x43f: {  	s16 =	simm.s32 $0x9040;
	v1 =	vld.idx.msk [tilespmem:v6+s9+$0x0], $0xffff  }
0x440: {  	v2 =	vld.idx.msk [tilespmem:v7+s9+$0x0], $0xffff;
	[tilespmem:s16+$0x30] =	vst v9  }
0x441: {  	s17 =	simm.s32 $0x0;
	s18 =	simm.s32 $0xC0;
	v4 =	vld.idx.msk [tilespmem:v8+s9+$0x0], $0xffff;
	[tilespmem:s16+$0xFFFFFFD0] =	vst v10  }
.LBB2_44:
0x442: {  	v6 =	vld [tilespmem:s18+$0x30];
	s17 =	sadd.s32 $0x8, s17;
	[tilespmem:s16+$0xFFFFFFE0] =	vst v5  }
0x443: {  	v5 =	vld [tilespmem:s18+$0xFFFFFFD0];
	p0 =	slt.u32 s17, $0x3F8;
	[tilespmem:s16+$0xFFFFFFF0] =	vst v3  }
0x444: {  	v3 =	vld [tilespmem:s18+$0xFFFFFFE0];
	[tilespmem:s16+$0x0] =	vst v0  }
0x445: {  	v0 =	vld [tilespmem:s18+$0xFFFFFFF0];
	[tilespmem:s16+$0x10] =	vst v1  }
0x446: {  	v1 =	vld [tilespmem:s18+$0x0];
	[tilespmem:s16+$0x20] =	vst v2  }
0x447: {  	v2 =	vld [tilespmem:s18+$0x10];
	[tilespmem:s16+$0xFFFFFFC0] =	vst v4  }
0x448: {  	v4 =	vld [tilespmem:s18+$0x20]  }
0x449: {  	v7 =	vld [tilespmem:s18+$0xFFFFFFC0]  }
0x44a: {  	v6 =	vld.idx.msk [tilespmem:v6+s9+$0x0], $0xffff  }
0x44b: {  	v8 =	vld.idx.msk [tilespmem:v5+s9+$0x0], $0xffff  }
0x44c: {  	v5 =	vld.idx.msk [tilespmem:v3+s9+$0x0], $0xffff  }
.Ltmp21:
0x44d: {  	v3 =	vld.idx.msk [tilespmem:v0+s9+$0x0], $0xffff;
	(pc) =	sbr.rel @p0 .LBB2_44-.Ltmp21, $4  }
0x44e: {  	v0 =	vld.idx.msk [tilespmem:v1+s9+$0x0], $0xffff  }
0x44f: {  	s16 =	sadd.s32 $0x80, s16;
	v1 =	vld.idx.msk [tilespmem:v2+s9+$0x0], $0xffff  }
0x450: {  	v2 =	vld.idx.msk [tilespmem:v4+s9+$0x0], $0xffff;
	[tilespmem:s16+$0x30] =	vst v6  }
0x451: {  	s18 =	sadd.s32 $0x80, s18;
	v4 =	vld.idx.msk [tilespmem:v7+s9+$0x0], $0xffff;
	[tilespmem:s16+$0xFFFFFFD0] =	vst v8  }
0x452: {  	[tilespmem:s16+$0xFFFFFFE0] =	vst v5  }
0x453: {  	[tilespmem:s16+$0xFFFFFFF0] =	vst v3  }
0x454: {  	[tilespmem:s16+$0x0] =	vst v0  }
0x455: {  	[tilespmem:s16+$0x10] =	vst v1  }
0x456: {  	[tilespmem:s16+$0x20] =	vst v2  }
0x457: {  	[tilespmem:s16+$0xFFFFFFC0] =	vst v4  }
0x458: {  	[hbm4b:s24+s1] =	stream.linear.scatter [tilespmem:s12], [sflag:$0x4], $0x4000, $0x38;
	[tilespmem:$0xD000] =	vst v63  }
0x459: {  	_ =	swait.ge [sflag:s8], $0x800  }
0x45a: {  	[sflag:s8] =	ssyncset.done $0x0  }
0x45b: {  	s0 =	rddreg [dreg:$0x1b];
	[sflag:s8] =	ssyncadd.s32 $0xFFFFF800  }
0x45c: {  	[tilespmem:s9], [sflag:$0x2] =	stream.linear.gather [hbm4b:s0+s1], $0x800, $0x38;
	[tilespmem:$0xD000] =	vst v63  }
0x45d: {  	_ =	swait.ge [sflag:s13], $0x4000  }
0x45e: {  	[sflag:s13] =	ssyncset.done $0x0  }
0x45f: {  	s18 =	simm.s32 $0x40;
	[sflag:s13] =	ssyncadd.s32 $0xFFFFC000  }
0x460: {  	v0 =	vld [tilespmem:s18+$0x30]  }
0x461: {  	v1 =	vld [tilespmem:s18+$0xFFFFFFD0]  }
0x462: {  	v2 =	vld [tilespmem:s18+$0xFFFFFFE0]  }
0x463: {  	v3 =	vld [tilespmem:s18+$0xFFFFFFF0]  }
0x464: {  	v4 =	vld [tilespmem:s18+$0x0]  }
0x465: {  	v6 =	vld [tilespmem:s18+$0x10]  }
0x466: {  	v7 =	vld [tilespmem:s18+$0x20]  }
0x467: {  	v8 =	vld [tilespmem:s18+$0xFFFFFFC0]  }
0x468: {  	v9 =	vld.idx.msk [tilespmem:v0+s7+$0x0], $0xffff  }
0x469: {  	v10 =	vld.idx.msk [tilespmem:v1+s7+$0x0], $0xffff  }
0x46a: {  	v5 =	vld.idx.msk [tilespmem:v2+s7+$0x0], $0xffff  }
0x46b: {  	v3 =	vld.idx.msk [tilespmem:v3+s7+$0x0], $0xffff  }
0x46c: {  	v0 =	vld.idx.msk [tilespmem:v4+s7+$0x0], $0xffff  }
0x46d: {  	s16 =	simm.s32 $0x5040;
	v1 =	vld.idx.msk [tilespmem:v6+s7+$0x0], $0xffff  }
0x46e: {  	v2 =	vld.idx.msk [tilespmem:v7+s7+$0x0], $0xffff;
	[tilespmem:s16+$0x30] =	vst v9  }
0x46f: {  	s17 =	simm.s32 $0x0;
	s18 =	simm.s32 $0xC0;
	v4 =	vld.idx.msk [tilespmem:v8+s7+$0x0], $0xffff;
	[tilespmem:s16+$0xFFFFFFD0] =	vst v10  }
.LBB2_46:
0x470: {  	v6 =	vld [tilespmem:s18+$0x30];
	s17 =	sadd.s32 $0x8, s17;
	[tilespmem:s16+$0xFFFFFFE0] =	vst v5  }
0x471: {  	v5 =	vld [tilespmem:s18+$0xFFFFFFD0];
	p0 =	slt.u32 s17, $0x3F8;
	[tilespmem:s16+$0xFFFFFFF0] =	vst v3  }
0x472: {  	v3 =	vld [tilespmem:s18+$0xFFFFFFE0];
	[tilespmem:s16+$0x0] =	vst v0  }
0x473: {  	v0 =	vld [tilespmem:s18+$0xFFFFFFF0];
	[tilespmem:s16+$0x10] =	vst v1  }
0x474: {  	v1 =	vld [tilespmem:s18+$0x0];
	[tilespmem:s16+$0x20] =	vst v2  }
0x475: {  	v2 =	vld [tilespmem:s18+$0x10];
	[tilespmem:s16+$0xFFFFFFC0] =	vst v4  }
0x476: {  	v4 =	vld [tilespmem:s18+$0x20]  }
0x477: {  	v7 =	vld [tilespmem:s18+$0xFFFFFFC0]  }
0x478: {  	v6 =	vld.idx.msk [tilespmem:v6+s7+$0x0], $0xffff  }
0x479: {  	v8 =	vld.idx.msk [tilespmem:v5+s7+$0x0], $0xffff  }
0x47a: {  	v5 =	vld.idx.msk [tilespmem:v3+s7+$0x0], $0xffff  }
.Ltmp22:
0x47b: {  	v3 =	vld.idx.msk [tilespmem:v0+s7+$0x0], $0xffff;
	(pc) =	sbr.rel @p0 .LBB2_46-.Ltmp22, $4  }
0x47c: {  	v0 =	vld.idx.msk [tilespmem:v1+s7+$0x0], $0xffff  }
0x47d: {  	s16 =	sadd.s32 $0x80, s16;
	v1 =	vld.idx.msk [tilespmem:v2+s7+$0x0], $0xffff  }
0x47e: {  	v2 =	vld.idx.msk [tilespmem:v4+s7+$0x0], $0xffff;
	[tilespmem:s16+$0x30] =	vst v6  }
0x47f: {  	s18 =	sadd.s32 $0x80, s18;
	v4 =	vld.idx.msk [tilespmem:v7+s7+$0x0], $0xffff;
	[tilespmem:s16+$0xFFFFFFD0] =	vst v8  }
0x480: {  	[tilespmem:s16+$0xFFFFFFE0] =	vst v5  }
0x481: {  	[tilespmem:s16+$0xFFFFFFF0] =	vst v3  }
0x482: {  	[tilespmem:s16+$0x0] =	vst v0  }
0x483: {  	[tilespmem:s16+$0x10] =	vst v1  }
0x484: {  	[tilespmem:s16+$0x20] =	vst v2  }
0x485: {  	[tilespmem:s16+$0xFFFFFFC0] =	vst v4  }
0x486: {  	[hbm4b:s25+s1] =	stream.linear.scatter [tilespmem:s10], [sflag:$0x3], $0x4000, $0x38;
	[tilespmem:$0xD000] =	vst v63  }
0x487: {  	_ =	swait.ge [sflag:s11], $0x800  }
0x488: {  	[sflag:s11] =	ssyncset.done $0x0  }
0x489: {  	s0 =	rddreg [dreg:$0x1c];
	[sflag:s11] =	ssyncadd.s32 $0xFFFFF800  }
0x48a: {  	[tilespmem:s7], [sflag:$0x1] =	stream.linear.gather [hbm4b:s0+s1], $0x800, $0x38;
	[tilespmem:$0xD000] =	vst v63  }
0x48b: {  	_ =	swait.ge [sflag:s14], $0x4000  }
0x48c: {  	[sflag:s14] =	ssyncset.done $0x0  }
0x48d: {  	s18 =	simm.s32 $0x40;
	[sflag:s14] =	ssyncadd.s32 $0xFFFFC000  }
0x48e: {  	v0 =	vld [tilespmem:s18+$0x30]  }
0x48f: {  	v1 =	vld [tilespmem:s18+$0xFFFFFFD0]  }
0x490: {  	v2 =	vld [tilespmem:s18+$0xFFFFFFE0]  }
0x491: {  	v3 =	vld [tilespmem:s18+$0xFFFFFFF0]  }
0x492: {  	v4 =	vld [tilespmem:s18+$0x0]  }
0x493: {  	v6 =	vld [tilespmem:s18+$0x10]  }
0x494: {  	v7 =	vld [tilespmem:s18+$0x20]  }
0x495: {  	v8 =	vld [tilespmem:s18+$0xFFFFFFC0]  }
0x496: {  	v9 =	vld.idx.msk [tilespmem:v0+s9+$0x0], $0xffff  }
0x497: {  	v10 =	vld.idx.msk [tilespmem:v1+s9+$0x0], $0xffff  }
0x498: {  	v5 =	vld.idx.msk [tilespmem:v2+s9+$0x0], $0xffff  }
0x499: {  	v3 =	vld.idx.msk [tilespmem:v3+s9+$0x0], $0xffff  }
0x49a: {  	v0 =	vld.idx.msk [tilespmem:v4+s9+$0x0], $0xffff  }
0x49b: {  	s16 =	simm.s32 $0x9040;
	v1 =	vld.idx.msk [tilespmem:v6+s9+$0x0], $0xffff  }
0x49c: {  	v2 =	vld.idx.msk [tilespmem:v7+s9+$0x0], $0xffff;
	[tilespmem:s16+$0x30] =	vst v9  }
0x49d: {  	s17 =	simm.s32 $0x0;
	s18 =	simm.s32 $0xC0;
	v4 =	vld.idx.msk [tilespmem:v8+s9+$0x0], $0xffff;
	[tilespmem:s16+$0xFFFFFFD0] =	vst v10  }
.LBB2_48:
0x49e: {  	v6 =	vld [tilespmem:s18+$0x30];
	s17 =	sadd.s32 $0x8, s17;
	[tilespmem:s16+$0xFFFFFFE0] =	vst v5  }
0x49f: {  	v5 =	vld [tilespmem:s18+$0xFFFFFFD0];
	p0 =	slt.u32 s17, $0x3F8;
	[tilespmem:s16+$0xFFFFFFF0] =	vst v3  }
0x4a0: {  	v3 =	vld [tilespmem:s18+$0xFFFFFFE0];
	[tilespmem:s16+$0x0] =	vst v0  }
0x4a1: {  	v0 =	vld [tilespmem:s18+$0xFFFFFFF0];
	[tilespmem:s16+$0x10] =	vst v1  }
0x4a2: {  	v1 =	vld [tilespmem:s18+$0x0];
	[tilespmem:s16+$0x20] =	vst v2  }
0x4a3: {  	v2 =	vld [tilespmem:s18+$0x10];
	[tilespmem:s16+$0xFFFFFFC0] =	vst v4  }
0x4a4: {  	v4 =	vld [tilespmem:s18+$0x20]  }
0x4a5: {  	v7 =	vld [tilespmem:s18+$0xFFFFFFC0]  }
0x4a6: {  	v6 =	vld.idx.msk [tilespmem:v6+s9+$0x0], $0xffff  }
0x4a7: {  	v8 =	vld.idx.msk [tilespmem:v5+s9+$0x0], $0xffff  }
0x4a8: {  	v5 =	vld.idx.msk [tilespmem:v3+s9+$0x0], $0xffff  }
.Ltmp23:
0x4a9: {  	v3 =	vld.idx.msk [tilespmem:v0+s9+$0x0], $0xffff;
	(pc) =	sbr.rel @p0 .LBB2_48-.Ltmp23, $4  }
0x4aa: {  	v0 =	vld.idx.msk [tilespmem:v1+s9+$0x0], $0xffff  }
0x4ab: {  	s16 =	sadd.s32 $0x80, s16;
	v1 =	vld.idx.msk [tilespmem:v2+s9+$0x0], $0xffff  }
0x4ac: {  	v2 =	vld.idx.msk [tilespmem:v4+s9+$0x0], $0xffff;
	[tilespmem:s16+$0x30] =	vst v6  }
0x4ad: {  	s18 =	sadd.s32 $0x80, s18;
	v4 =	vld.idx.msk [tilespmem:v7+s9+$0x0], $0xffff;
	[tilespmem:s16+$0xFFFFFFD0] =	vst v8  }
0x4ae: {  	[tilespmem:s16+$0xFFFFFFE0] =	vst v5  }
0x4af: {  	[tilespmem:s16+$0xFFFFFFF0] =	vst v3  }
0x4b0: {  	[tilespmem:s16+$0x0] =	vst v0  }
0x4b1: {  	[tilespmem:s16+$0x10] =	vst v1  }
0x4b2: {  	[tilespmem:s16+$0x20] =	vst v2  }
0x4b3: {  	[tilespmem:s16+$0xFFFFFFC0] =	vst v4  }
0x4b4: {  	[hbm4b:s26+s1] =	stream.linear.scatter [tilespmem:s12], [sflag:$0x4], $0x4000, $0x38;
	[tilespmem:$0xD000] =	vst v63  }
0x4b5: {  	_ =	swait.ge [sflag:s8], $0x800  }
0x4b6: {  	[sflag:s8] =	ssyncset.done $0x0  }
0x4b7: {  	s0 =	rddreg [dreg:$0x1d];
	[sflag:s8] =	ssyncadd.s32 $0xFFFFF800  }
0x4b8: {  	[tilespmem:s9], [sflag:$0x2] =	stream.linear.gather [hbm4b:s0+s1], $0x800, $0x38;
	[tilespmem:$0xD000] =	vst v63  }
0x4b9: {  	_ =	swait.ge [sflag:s13], $0x4000  }
0x4ba: {  	[sflag:s13] =	ssyncset.done $0x0  }
0x4bb: {  	s18 =	simm.s32 $0x40;
	[sflag:s13] =	ssyncadd.s32 $0xFFFFC000  }
0x4bc: {  	v0 =	vld [tilespmem:s18+$0x30]  }
0x4bd: {  	v1 =	vld [tilespmem:s18+$0xFFFFFFD0]  }
0x4be: {  	v2 =	vld [tilespmem:s18+$0xFFFFFFE0]  }
0x4bf: {  	v3 =	vld [tilespmem:s18+$0xFFFFFFF0]  }
0x4c0: {  	v4 =	vld [tilespmem:s18+$0x0]  }
0x4c1: {  	v6 =	vld [tilespmem:s18+$0x10]  }
0x4c2: {  	v7 =	vld [tilespmem:s18+$0x20]  }
0x4c3: {  	v8 =	vld [tilespmem:s18+$0xFFFFFFC0]  }
0x4c4: {  	v9 =	vld.idx.msk [tilespmem:v0+s7+$0x0], $0xffff  }
0x4c5: {  	v10 =	vld.idx.msk [tilespmem:v1+s7+$0x0], $0xffff  }
0x4c6: {  	v5 =	vld.idx.msk [tilespmem:v2+s7+$0x0], $0xffff  }
0x4c7: {  	v3 =	vld.idx.msk [tilespmem:v3+s7+$0x0], $0xffff  }
0x4c8: {  	v0 =	vld.idx.msk [tilespmem:v4+s7+$0x0], $0xffff  }
0x4c9: {  	s16 =	simm.s32 $0x5040;
	v1 =	vld.idx.msk [tilespmem:v6+s7+$0x0], $0xffff  }
0x4ca: {  	v2 =	vld.idx.msk [tilespmem:v7+s7+$0x0], $0xffff;
	[tilespmem:s16+$0x30] =	vst v9  }
0x4cb: {  	s17 =	simm.s32 $0x0;
	s18 =	simm.s32 $0xC0;
	v4 =	vld.idx.msk [tilespmem:v8+s7+$0x0], $0xffff;
	[tilespmem:s16+$0xFFFFFFD0] =	vst v10  }
.LBB2_50:
0x4cc: {  	v6 =	vld [tilespmem:s18+$0x30];
	s17 =	sadd.s32 $0x8, s17;
	[tilespmem:s16+$0xFFFFFFE0] =	vst v5  }
0x4cd: {  	v5 =	vld [tilespmem:s18+$0xFFFFFFD0];
	p0 =	slt.u32 s17, $0x3F8;
	[tilespmem:s16+$0xFFFFFFF0] =	vst v3  }
0x4ce: {  	v3 =	vld [tilespmem:s18+$0xFFFFFFE0];
	[tilespmem:s16+$0x0] =	vst v0  }
0x4cf: {  	v0 =	vld [tilespmem:s18+$0xFFFFFFF0];
	[tilespmem:s16+$0x10] =	vst v1  }
0x4d0: {  	v1 =	vld [tilespmem:s18+$0x0];
	[tilespmem:s16+$0x20] =	vst v2  }
0x4d1: {  	v2 =	vld [tilespmem:s18+$0x10];
	[tilespmem:s16+$0xFFFFFFC0] =	vst v4  }
0x4d2: {  	v4 =	vld [tilespmem:s18+$0x20]  }
0x4d3: {  	v7 =	vld [tilespmem:s18+$0xFFFFFFC0]  }
0x4d4: {  	v6 =	vld.idx.msk [tilespmem:v6+s7+$0x0], $0xffff  }
0x4d5: {  	v8 =	vld.idx.msk [tilespmem:v5+s7+$0x0], $0xffff  }
0x4d6: {  	v5 =	vld.idx.msk [tilespmem:v3+s7+$0x0], $0xffff  }
.Ltmp24:
0x4d7: {  	v3 =	vld.idx.msk [tilespmem:v0+s7+$0x0], $0xffff;
	(pc) =	sbr.rel @p0 .LBB2_50-.Ltmp24, $4  }
0x4d8: {  	v0 =	vld.idx.msk [tilespmem:v1+s7+$0x0], $0xffff  }
0x4d9: {  	s16 =	sadd.s32 $0x80, s16;
	v1 =	vld.idx.msk [tilespmem:v2+s7+$0x0], $0xffff  }
0x4da: {  	v2 =	vld.idx.msk [tilespmem:v4+s7+$0x0], $0xffff;
	[tilespmem:s16+$0x30] =	vst v6  }
0x4db: {  	s18 =	sadd.s32 $0x80, s18;
	v4 =	vld.idx.msk [tilespmem:v7+s7+$0x0], $0xffff;
	[tilespmem:s16+$0xFFFFFFD0] =	vst v8  }
0x4dc: {  	[tilespmem:s16+$0xFFFFFFE0] =	vst v5  }
0x4dd: {  	[tilespmem:s16+$0xFFFFFFF0] =	vst v3  }
0x4de: {  	[tilespmem:s16+$0x0] =	vst v0  }
0x4df: {  	[tilespmem:s16+$0x10] =	vst v1  }
0x4e0: {  	[tilespmem:s16+$0x20] =	vst v2  }
0x4e1: {  	[tilespmem:s16+$0xFFFFFFC0] =	vst v4  }
0x4e2: {  	[hbm4b:s28+s1] =	stream.linear.scatter [tilespmem:s10], [sflag:$0x3], $0x4000, $0x38;
	[tilespmem:$0xD000] =	vst v63  }
0x4e3: {  	_ =	swait.ge [sflag:s11], $0x800  }
0x4e4: {  	[sflag:s11] =	ssyncset.done $0x0  }
0x4e5: {  	s0 =	rddreg [dreg:$0x1e];
	[sflag:s11] =	ssyncadd.s32 $0xFFFFF800  }
0x4e6: {  	[tilespmem:s7], [sflag:$0x1] =	stream.linear.gather [hbm4b:s0+s1], $0x800, $0x38;
	[tilespmem:$0xD000] =	vst v63  }
0x4e7: {  	_ =	swait.ge [sflag:s14], $0x4000  }
0x4e8: {  	[sflag:s14] =	ssyncset.done $0x0  }
0x4e9: {  	s18 =	simm.s32 $0x40;
	[sflag:s14] =	ssyncadd.s32 $0xFFFFC000  }
0x4ea: {  	v0 =	vld [tilespmem:s18+$0x30]  }
0x4eb: {  	v1 =	vld [tilespmem:s18+$0xFFFFFFD0]  }
0x4ec: {  	v2 =	vld [tilespmem:s18+$0xFFFFFFE0]  }
0x4ed: {  	v3 =	vld [tilespmem:s18+$0xFFFFFFF0]  }
0x4ee: {  	v4 =	vld [tilespmem:s18+$0x0]  }
0x4ef: {  	v6 =	vld [tilespmem:s18+$0x10]  }
0x4f0: {  	v7 =	vld [tilespmem:s18+$0x20]  }
0x4f1: {  	v8 =	vld [tilespmem:s18+$0xFFFFFFC0]  }
0x4f2: {  	v9 =	vld.idx.msk [tilespmem:v0+s9+$0x0], $0xffff  }
0x4f3: {  	v10 =	vld.idx.msk [tilespmem:v1+s9+$0x0], $0xffff  }
0x4f4: {  	v5 =	vld.idx.msk [tilespmem:v2+s9+$0x0], $0xffff  }
0x4f5: {  	v3 =	vld.idx.msk [tilespmem:v3+s9+$0x0], $0xffff  }
0x4f6: {  	v0 =	vld.idx.msk [tilespmem:v4+s9+$0x0], $0xffff  }
0x4f7: {  	s16 =	simm.s32 $0x9040;
	v1 =	vld.idx.msk [tilespmem:v6+s9+$0x0], $0xffff  }
0x4f8: {  	v2 =	vld.idx.msk [tilespmem:v7+s9+$0x0], $0xffff;
	[tilespmem:s16+$0x30] =	vst v9  }
0x4f9: {  	s17 =	simm.s32 $0x0;
	s18 =	simm.s32 $0xC0;
	v4 =	vld.idx.msk [tilespmem:v8+s9+$0x0], $0xffff;
	[tilespmem:s16+$0xFFFFFFD0] =	vst v10  }
.LBB2_52:
0x4fa: {  	v6 =	vld [tilespmem:s18+$0x30];
	s17 =	sadd.s32 $0x8, s17;
	[tilespmem:s16+$0xFFFFFFE0] =	vst v5  }
0x4fb: {  	v5 =	vld [tilespmem:s18+$0xFFFFFFD0];
	p0 =	slt.u32 s17, $0x3F8;
	[tilespmem:s16+$0xFFFFFFF0] =	vst v3  }
0x4fc: {  	v3 =	vld [tilespmem:s18+$0xFFFFFFE0];
	[tilespmem:s16+$0x0] =	vst v0  }
0x4fd: {  	v0 =	vld [tilespmem:s18+$0xFFFFFFF0];
	[tilespmem:s16+$0x10] =	vst v1  }
0x4fe: {  	v1 =	vld [tilespmem:s18+$0x0];
	[tilespmem:s16+$0x20] =	vst v2  }
0x4ff: {  	v2 =	vld [tilespmem:s18+$0x10];
	[tilespmem:s16+$0xFFFFFFC0] =	vst v4  }
0x500: {  	v4 =	vld [tilespmem:s18+$0x20]  }
0x501: {  	v7 =	vld [tilespmem:s18+$0xFFFFFFC0]  }
0x502: {  	v6 =	vld.idx.msk [tilespmem:v6+s9+$0x0], $0xffff  }
0x503: {  	v8 =	vld.idx.msk [tilespmem:v5+s9+$0x0], $0xffff  }
0x504: {  	v5 =	vld.idx.msk [tilespmem:v3+s9+$0x0], $0xffff  }
.Ltmp25:
0x505: {  	v3 =	vld.idx.msk [tilespmem:v0+s9+$0x0], $0xffff;
	(pc) =	sbr.rel @p0 .LBB2_52-.Ltmp25, $4  }
0x506: {  	v0 =	vld.idx.msk [tilespmem:v1+s9+$0x0], $0xffff  }
0x507: {  	s16 =	sadd.s32 $0x80, s16;
	v1 =	vld.idx.msk [tilespmem:v2+s9+$0x0], $0xffff  }
0x508: {  	v2 =	vld.idx.msk [tilespmem:v4+s9+$0x0], $0xffff;
	[tilespmem:s16+$0x30] =	vst v6  }
0x509: {  	s18 =	sadd.s32 $0x80, s18;
	v4 =	vld.idx.msk [tilespmem:v7+s9+$0x0], $0xffff;
	[tilespmem:s16+$0xFFFFFFD0] =	vst v8  }
0x50a: {  	[tilespmem:s16+$0xFFFFFFE0] =	vst v5  }
0x50b: {  	[tilespmem:s16+$0xFFFFFFF0] =	vst v3  }
0x50c: {  	[tilespmem:s16+$0x0] =	vst v0  }
0x50d: {  	[tilespmem:s16+$0x10] =	vst v1  }
0x50e: {  	[tilespmem:s16+$0x20] =	vst v2  }
0x50f: {  	[tilespmem:s16+$0xFFFFFFC0] =	vst v4  }
0x510: {  	[hbm4b:s29+s1] =	stream.linear.scatter [tilespmem:s12], [sflag:$0x4], $0x4000, $0x38;
	[tilespmem:$0xD000] =	vst v63  }
0x511: {  	_ =	swait.ge [sflag:s8], $0x800  }
0x512: {  	[sflag:s8] =	ssyncset.done $0x0  }
0x513: {  	s0 =	rddreg [dreg:$0x1f];
	[sflag:s8] =	ssyncadd.s32 $0xFFFFF800  }
0x514: {  	[tilespmem:s9], [sflag:$0x2] =	stream.linear.gather [hbm4b:s0+s1], $0x800, $0x38;
	[tilespmem:$0xD000] =	vst v63  }
0x515: {  	_ =	swait.ge [sflag:s13], $0x4000  }
0x516: {  	[sflag:s13] =	ssyncset.done $0x0  }
0x517: {  	s18 =	simm.s32 $0x40;
	[sflag:s13] =	ssyncadd.s32 $0xFFFFC000  }
0x518: {  	v0 =	vld [tilespmem:s18+$0x30]  }
0x519: {  	v1 =	vld [tilespmem:s18+$0xFFFFFFD0]  }
0x51a: {  	v2 =	vld [tilespmem:s18+$0xFFFFFFE0]  }
0x51b: {  	v3 =	vld [tilespmem:s18+$0xFFFFFFF0]  }
0x51c: {  	v4 =	vld [tilespmem:s18+$0x0]  }
0x51d: {  	v6 =	vld [tilespmem:s18+$0x10]  }
0x51e: {  	v7 =	vld [tilespmem:s18+$0x20]  }
0x51f: {  	v8 =	vld [tilespmem:s18+$0xFFFFFFC0]  }
0x520: {  	v9 =	vld.idx.msk [tilespmem:v0+s7+$0x0], $0xffff  }
0x521: {  	v10 =	vld.idx.msk [tilespmem:v1+s7+$0x0], $0xffff  }
0x522: {  	v5 =	vld.idx.msk [tilespmem:v2+s7+$0x0], $0xffff  }
0x523: {  	v3 =	vld.idx.msk [tilespmem:v3+s7+$0x0], $0xffff  }
0x524: {  	v0 =	vld.idx.msk [tilespmem:v4+s7+$0x0], $0xffff  }
0x525: {  	s16 =	simm.s32 $0x5040;
	v1 =	vld.idx.msk [tilespmem:v6+s7+$0x0], $0xffff  }
0x526: {  	v2 =	vld.idx.msk [tilespmem:v7+s7+$0x0], $0xffff;
	[tilespmem:s16+$0x30] =	vst v9  }
0x527: {  	s17 =	simm.s32 $0x0;
	s18 =	simm.s32 $0xC0;
	v4 =	vld.idx.msk [tilespmem:v8+s7+$0x0], $0xffff;
	[tilespmem:s16+$0xFFFFFFD0] =	vst v10  }
.LBB2_54:
0x528: {  	v6 =	vld [tilespmem:s18+$0x30];
	s17 =	sadd.s32 $0x8, s17;
	[tilespmem:s16+$0xFFFFFFE0] =	vst v5  }
0x529: {  	v5 =	vld [tilespmem:s18+$0xFFFFFFD0];
	p0 =	slt.u32 s17, $0x3F8;
	[tilespmem:s16+$0xFFFFFFF0] =	vst v3  }
0x52a: {  	v3 =	vld [tilespmem:s18+$0xFFFFFFE0];
	[tilespmem:s16+$0x0] =	vst v0  }
0x52b: {  	v0 =	vld [tilespmem:s18+$0xFFFFFFF0];
	[tilespmem:s16+$0x10] =	vst v1  }
0x52c: {  	v1 =	vld [tilespmem:s18+$0x0];
	[tilespmem:s16+$0x20] =	vst v2  }
0x52d: {  	v2 =	vld [tilespmem:s18+$0x10];
	[tilespmem:s16+$0xFFFFFFC0] =	vst v4  }
0x52e: {  	v4 =	vld [tilespmem:s18+$0x20]  }
0x52f: {  	v7 =	vld [tilespmem:s18+$0xFFFFFFC0]  }
0x530: {  	v6 =	vld.idx.msk [tilespmem:v6+s7+$0x0], $0xffff  }
0x531: {  	v8 =	vld.idx.msk [tilespmem:v5+s7+$0x0], $0xffff  }
0x532: {  	v5 =	vld.idx.msk [tilespmem:v3+s7+$0x0], $0xffff  }
.Ltmp26:
0x533: {  	v3 =	vld.idx.msk [tilespmem:v0+s7+$0x0], $0xffff;
	(pc) =	sbr.rel @p0 .LBB2_54-.Ltmp26, $4  }
0x534: {  	v0 =	vld.idx.msk [tilespmem:v1+s7+$0x0], $0xffff  }
0x535: {  	s16 =	sadd.s32 $0x80, s16;
	v1 =	vld.idx.msk [tilespmem:v2+s7+$0x0], $0xffff  }
0x536: {  	v2 =	vld.idx.msk [tilespmem:v4+s7+$0x0], $0xffff;
	[tilespmem:s16+$0x30] =	vst v6  }
0x537: {  	s18 =	sadd.s32 $0x80, s18;
	v4 =	vld.idx.msk [tilespmem:v7+s7+$0x0], $0xffff;
	[tilespmem:s16+$0xFFFFFFD0] =	vst v8  }
0x538: {  	[tilespmem:s16+$0xFFFFFFE0] =	vst v5  }
0x539: {  	[tilespmem:s16+$0xFFFFFFF0] =	vst v3  }
0x53a: {  	[tilespmem:s16+$0x0] =	vst v0  }
0x53b: {  	[tilespmem:s16+$0x10] =	vst v1  }
0x53c: {  	[tilespmem:s16+$0x20] =	vst v2  }
0x53d: {  	[tilespmem:s16+$0xFFFFFFC0] =	vst v4  }
0x53e: {  	[hbm4b:s30+s1] =	stream.linear.scatter [tilespmem:s10], [sflag:$0x3], $0x4000, $0x38;
	[tilespmem:$0xD000] =	vst v63  }
0x53f: {  	_ =	swait.ge [sflag:s11], $0x800  }
0x540: {  	s0 =	sld [smem:$0x7E3]  }
0x541: {  	[sflag:s11] =	ssyncset.done $0x0  }
0x542: {  	[sflag:s11] =	ssyncadd.s32 $0xFFFFF800  }
0x543: {  	[tilespmem:s7], [sflag:$0x1] =	stream.linear.gather [hbm4b:s0+s1], $0x800, $0x38;
	[tilespmem:$0xD000] =	vst v63  }
0x544: {  	_ =	swait.ge [sflag:s14], $0x4000  }
0x545: {  	[sflag:s14] =	ssyncset.done $0x0  }
0x546: {  	s18 =	simm.s32 $0x40;
	[sflag:s14] =	ssyncadd.s32 $0xFFFFC000  }
0x547: {  	v0 =	vld [tilespmem:s18+$0x30]  }
0x548: {  	v1 =	vld [tilespmem:s18+$0xFFFFFFD0]  }
0x549: {  	v2 =	vld [tilespmem:s18+$0xFFFFFFE0]  }
0x54a: {  	v3 =	vld [tilespmem:s18+$0xFFFFFFF0]  }
0x54b: {  	v4 =	vld [tilespmem:s18+$0x0]  }
0x54c: {  	v6 =	vld [tilespmem:s18+$0x10]  }
0x54d: {  	v7 =	vld [tilespmem:s18+$0x20]  }
0x54e: {  	v8 =	vld [tilespmem:s18+$0xFFFFFFC0]  }
0x54f: {  	v9 =	vld.idx.msk [tilespmem:v0+s9+$0x0], $0xffff  }
0x550: {  	v10 =	vld.idx.msk [tilespmem:v1+s9+$0x0], $0xffff  }
0x551: {  	v5 =	vld.idx.msk [tilespmem:v2+s9+$0x0], $0xffff  }
0x552: {  	v3 =	vld.idx.msk [tilespmem:v3+s9+$0x0], $0xffff  }
0x553: {  	v0 =	vld.idx.msk [tilespmem:v4+s9+$0x0], $0xffff  }
0x554: {  	s16 =	simm.s32 $0x9040;
	v1 =	vld.idx.msk [tilespmem:v6+s9+$0x0], $0xffff  }
0x555: {  	v2 =	vld.idx.msk [tilespmem:v7+s9+$0x0], $0xffff;
	[tilespmem:s16+$0x30] =	vst v9  }
0x556: {  	s17 =	simm.s32 $0x0;
	s18 =	simm.s32 $0xC0;
	v4 =	vld.idx.msk [tilespmem:v8+s9+$0x0], $0xffff;
	[tilespmem:s16+$0xFFFFFFD0] =	vst v10  }
.LBB2_56:
0x557: {  	v6 =	vld [tilespmem:s18+$0x30];
	s17 =	sadd.s32 $0x8, s17;
	[tilespmem:s16+$0xFFFFFFE0] =	vst v5  }
0x558: {  	v5 =	vld [tilespmem:s18+$0xFFFFFFD0];
	p0 =	slt.u32 s17, $0x3F8;
	[tilespmem:s16+$0xFFFFFFF0] =	vst v3  }
0x559: {  	v3 =	vld [tilespmem:s18+$0xFFFFFFE0];
	[tilespmem:s16+$0x0] =	vst v0  }
0x55a: {  	v0 =	vld [tilespmem:s18+$0xFFFFFFF0];
	[tilespmem:s16+$0x10] =	vst v1  }
0x55b: {  	v1 =	vld [tilespmem:s18+$0x0];
	[tilespmem:s16+$0x20] =	vst v2  }
0x55c: {  	v2 =	vld [tilespmem:s18+$0x10];
	[tilespmem:s16+$0xFFFFFFC0] =	vst v4  }
0x55d: {  	v4 =	vld [tilespmem:s18+$0x20]  }
0x55e: {  	v7 =	vld [tilespmem:s18+$0xFFFFFFC0]  }
0x55f: {  	v6 =	vld.idx.msk [tilespmem:v6+s9+$0x0], $0xffff  }
0x560: {  	v8 =	vld.idx.msk [tilespmem:v5+s9+$0x0], $0xffff  }
0x561: {  	v5 =	vld.idx.msk [tilespmem:v3+s9+$0x0], $0xffff  }
.Ltmp27:
0x562: {  	v3 =	vld.idx.msk [tilespmem:v0+s9+$0x0], $0xffff;
	(pc) =	sbr.rel @p0 .LBB2_56-.Ltmp27, $4  }
0x563: {  	v0 =	vld.idx.msk [tilespmem:v1+s9+$0x0], $0xffff  }
0x564: {  	s16 =	sadd.s32 $0x80, s16;
	v1 =	vld.idx.msk [tilespmem:v2+s9+$0x0], $0xffff  }
0x565: {  	v2 =	vld.idx.msk [tilespmem:v4+s9+$0x0], $0xffff;
	[tilespmem:s16+$0x30] =	vst v6  }
0x566: {  	s18 =	sadd.s32 $0x80, s18;
	v4 =	vld.idx.msk [tilespmem:v7+s9+$0x0], $0xffff;
	[tilespmem:s16+$0xFFFFFFD0] =	vst v8  }
0x567: {  	[tilespmem:s16+$0xFFFFFFE0] =	vst v5  }
0x568: {  	[tilespmem:s16+$0xFFFFFFF0] =	vst v3  }
0x569: {  	[tilespmem:s16+$0x0] =	vst v0  }
0x56a: {  	[tilespmem:s16+$0x10] =	vst v1  }
0x56b: {  	[tilespmem:s16+$0x20] =	vst v2  }
0x56c: {  	[tilespmem:s16+$0xFFFFFFC0] =	vst v4  }
0x56d: {  	[hbm4b:s31+s1] =	stream.linear.scatter [tilespmem:s12], [sflag:$0x4], $0x4000, $0x38;
	[tilespmem:$0xD000] =	vst v63  }
0x56e: {  	_ =	swait.ge [sflag:s8], $0x800  }
0x56f: {  	s0 =	sld [smem:$0x7E4]  }
0x570: {  	[sflag:s8] =	ssyncset.done $0x0  }
0x571: {  	[sflag:s8] =	ssyncadd.s32 $0xFFFFF800  }
0x572: {  	[tilespmem:s9], [sflag:$0x2] =	stream.linear.gather [hbm4b:s0+s1], $0x800, $0x38;
	[tilespmem:$0xD000] =	vst v63  }
0x573: {  	_ =	swait.ge [sflag:s13], $0x4000  }
0x574: {  	[sflag:s13] =	ssyncset.done $0x0  }
0x575: {  	s18 =	simm.s32 $0x40;
	[sflag:s13] =	ssyncadd.s32 $0xFFFFC000  }
0x576: {  	v0 =	vld [tilespmem:s18+$0x30]  }
0x577: {  	v1 =	vld [tilespmem:s18+$0xFFFFFFD0]  }
0x578: {  	v2 =	vld [tilespmem:s18+$0xFFFFFFE0]  }
0x579: {  	v3 =	vld [tilespmem:s18+$0xFFFFFFF0]  }
0x57a: {  	v4 =	vld [tilespmem:s18+$0x0]  }
0x57b: {  	v6 =	vld [tilespmem:s18+$0x10]  }
0x57c: {  	v7 =	vld [tilespmem:s18+$0x20]  }
0x57d: {  	v8 =	vld [tilespmem:s18+$0xFFFFFFC0]  }
0x57e: {  	v9 =	vld.idx.msk [tilespmem:v0+s7+$0x0], $0xffff  }
0x57f: {  	v10 =	vld.idx.msk [tilespmem:v1+s7+$0x0], $0xffff  }
0x580: {  	v5 =	vld.idx.msk [tilespmem:v2+s7+$0x0], $0xffff  }
0x581: {  	v3 =	vld.idx.msk [tilespmem:v3+s7+$0x0], $0xffff  }
0x582: {  	v0 =	vld.idx.msk [tilespmem:v4+s7+$0x0], $0xffff  }
0x583: {  	s16 =	simm.s32 $0x5040;
	v1 =	vld.idx.msk [tilespmem:v6+s7+$0x0], $0xffff  }
0x584: {  	v2 =	vld.idx.msk [tilespmem:v7+s7+$0x0], $0xffff;
	[tilespmem:s16+$0x30] =	vst v9  }
0x585: {  	s17 =	simm.s32 $0x0;
	s18 =	simm.s32 $0xC0;
	v4 =	vld.idx.msk [tilespmem:v8+s7+$0x0], $0xffff;
	[tilespmem:s16+$0xFFFFFFD0] =	vst v10  }
.LBB2_58:
0x586: {  	v6 =	vld [tilespmem:s18+$0x30];
	s17 =	sadd.s32 $0x8, s17;
	[tilespmem:s16+$0xFFFFFFE0] =	vst v5  }
0x587: {  	v5 =	vld [tilespmem:s18+$0xFFFFFFD0];
	p0 =	slt.u32 s17, $0x3F8;
	[tilespmem:s16+$0xFFFFFFF0] =	vst v3  }
0x588: {  	v3 =	vld [tilespmem:s18+$0xFFFFFFE0];
	[tilespmem:s16+$0x0] =	vst v0  }
0x589: {  	v0 =	vld [tilespmem:s18+$0xFFFFFFF0];
	[tilespmem:s16+$0x10] =	vst v1  }
0x58a: {  	v1 =	vld [tilespmem:s18+$0x0];
	[tilespmem:s16+$0x20] =	vst v2  }
0x58b: {  	v2 =	vld [tilespmem:s18+$0x10];
	[tilespmem:s16+$0xFFFFFFC0] =	vst v4  }
0x58c: {  	v4 =	vld [tilespmem:s18+$0x20]  }
0x58d: {  	v7 =	vld [tilespmem:s18+$0xFFFFFFC0]  }
0x58e: {  	v6 =	vld.idx.msk [tilespmem:v6+s7+$0x0], $0xffff  }
0x58f: {  	v8 =	vld.idx.msk [tilespmem:v5+s7+$0x0], $0xffff  }
0x590: {  	v5 =	vld.idx.msk [tilespmem:v3+s7+$0x0], $0xffff  }
.Ltmp28:
0x591: {  	v3 =	vld.idx.msk [tilespmem:v0+s7+$0x0], $0xffff;
	(pc) =	sbr.rel @p0 .LBB2_58-.Ltmp28, $4  }
0x592: {  	v0 =	vld.idx.msk [tilespmem:v1+s7+$0x0], $0xffff  }
0x593: {  	s16 =	sadd.s32 $0x80, s16;
	v1 =	vld.idx.msk [tilespmem:v2+s7+$0x0], $0xffff  }
0x594: {  	v2 =	vld.idx.msk [tilespmem:v4+s7+$0x0], $0xffff;
	[tilespmem:s16+$0x30] =	vst v6  }
0x595: {  	s18 =	sadd.s32 $0x80, s18;
	v4 =	vld.idx.msk [tilespmem:v7+s7+$0x0], $0xffff;
	[tilespmem:s16+$0xFFFFFFD0] =	vst v8  }
0x596: {  	[tilespmem:s16+$0xFFFFFFE0] =	vst v5  }
0x597: {  	[tilespmem:s16+$0xFFFFFFF0] =	vst v3  }
0x598: {  	[tilespmem:s16+$0x0] =	vst v0  }
0x599: {  	[tilespmem:s16+$0x10] =	vst v1  }
0x59a: {  	[tilespmem:s16+$0x20] =	vst v2  }
0x59b: {  	[tilespmem:s16+$0xFFFFFFC0] =	vst v4  }
0x59c: {  	[hbm4b:s19+s1] =	stream.linear.scatter [tilespmem:s10], [sflag:$0x3], $0x4000, $0x38;
	[tilespmem:$0xD000] =	vst v63  }
0x59d: {  	_ =	swait.ge [sflag:s11], $0x800  }
0x59e: {  	s0 =	sld [smem:$0x7E5]  }
0x59f: {  	[sflag:s11] =	ssyncset.done $0x0  }
0x5a0: {  	[sflag:s11] =	ssyncadd.s32 $0xFFFFF800  }
0x5a1: {  	[tilespmem:s7], [sflag:$0x1] =	stream.linear.gather [hbm4b:s0+s1], $0x800, $0x38;
	[tilespmem:$0xD000] =	vst v63  }
0x5a2: {  	_ =	swait.ge [sflag:s14], $0x4000  }
0x5a3: {  	[sflag:s14] =	ssyncset.done $0x0  }
0x5a4: {  	s18 =	simm.s32 $0x40;
	[sflag:s14] =	ssyncadd.s32 $0xFFFFC000  }
0x5a5: {  	v0 =	vld [tilespmem:s18+$0x30]  }
0x5a6: {  	v1 =	vld [tilespmem:s18+$0xFFFFFFD0]  }
0x5a7: {  	v2 =	vld [tilespmem:s18+$0xFFFFFFE0]  }
0x5a8: {  	v3 =	vld [tilespmem:s18+$0xFFFFFFF0]  }
0x5a9: {  	v4 =	vld [tilespmem:s18+$0x0]  }
0x5aa: {  	v6 =	vld [tilespmem:s18+$0x10]  }
0x5ab: {  	v7 =	vld [tilespmem:s18+$0x20]  }
0x5ac: {  	v8 =	vld [tilespmem:s18+$0xFFFFFFC0]  }
0x5ad: {  	v9 =	vld.idx.msk [tilespmem:v0+s9+$0x0], $0xffff  }
0x5ae: {  	v10 =	vld.idx.msk [tilespmem:v1+s9+$0x0], $0xffff  }
0x5af: {  	v5 =	vld.idx.msk [tilespmem:v2+s9+$0x0], $0xffff  }
0x5b0: {  	v3 =	vld.idx.msk [tilespmem:v3+s9+$0x0], $0xffff  }
0x5b1: {  	v0 =	vld.idx.msk [tilespmem:v4+s9+$0x0], $0xffff  }
0x5b2: {  	s16 =	simm.s32 $0x9040;
	v1 =	vld.idx.msk [tilespmem:v6+s9+$0x0], $0xffff  }
0x5b3: {  	v2 =	vld.idx.msk [tilespmem:v7+s9+$0x0], $0xffff;
	[tilespmem:s16+$0x30] =	vst v9  }
0x5b4: {  	s17 =	simm.s32 $0x0;
	s18 =	simm.s32 $0xC0;
	v4 =	vld.idx.msk [tilespmem:v8+s9+$0x0], $0xffff;
	[tilespmem:s16+$0xFFFFFFD0] =	vst v10  }
.LBB2_60:
0x5b5: {  	v6 =	vld [tilespmem:s18+$0x30];
	s17 =	sadd.s32 $0x8, s17;
	[tilespmem:s16+$0xFFFFFFE0] =	vst v5  }
0x5b6: {  	v5 =	vld [tilespmem:s18+$0xFFFFFFD0];
	p0 =	slt.u32 s17, $0x3F8;
	[tilespmem:s16+$0xFFFFFFF0] =	vst v3  }
0x5b7: {  	v3 =	vld [tilespmem:s18+$0xFFFFFFE0];
	[tilespmem:s16+$0x0] =	vst v0  }
0x5b8: {  	v0 =	vld [tilespmem:s18+$0xFFFFFFF0];
	[tilespmem:s16+$0x10] =	vst v1  }
0x5b9: {  	v1 =	vld [tilespmem:s18+$0x0];
	[tilespmem:s16+$0x20] =	vst v2  }
0x5ba: {  	v2 =	vld [tilespmem:s18+$0x10];
	[tilespmem:s16+$0xFFFFFFC0] =	vst v4  }
0x5bb: {  	v4 =	vld [tilespmem:s18+$0x20]  }
0x5bc: {  	v7 =	vld [tilespmem:s18+$0xFFFFFFC0]  }
0x5bd: {  	v6 =	vld.idx.msk [tilespmem:v6+s9+$0x0], $0xffff  }
0x5be: {  	v8 =	vld.idx.msk [tilespmem:v5+s9+$0x0], $0xffff  }
0x5bf: {  	v5 =	vld.idx.msk [tilespmem:v3+s9+$0x0], $0xffff  }
.Ltmp29:
0x5c0: {  	v3 =	vld.idx.msk [tilespmem:v0+s9+$0x0], $0xffff;
	(pc) =	sbr.rel @p0 .LBB2_60-.Ltmp29, $4  }
0x5c1: {  	v0 =	vld.idx.msk [tilespmem:v1+s9+$0x0], $0xffff  }
0x5c2: {  	s16 =	sadd.s32 $0x80, s16;
	v1 =	vld.idx.msk [tilespmem:v2+s9+$0x0], $0xffff  }
0x5c3: {  	v2 =	vld.idx.msk [tilespmem:v4+s9+$0x0], $0xffff;
	[tilespmem:s16+$0x30] =	vst v6  }
0x5c4: {  	s18 =	sadd.s32 $0x80, s18;
	v4 =	vld.idx.msk [tilespmem:v7+s9+$0x0], $0xffff;
	[tilespmem:s16+$0xFFFFFFD0] =	vst v8  }
0x5c5: {  	[tilespmem:s16+$0xFFFFFFE0] =	vst v5  }
0x5c6: {  	[tilespmem:s16+$0xFFFFFFF0] =	vst v3  }
0x5c7: {  	[tilespmem:s16+$0x0] =	vst v0  }
0x5c8: {  	[tilespmem:s16+$0x10] =	vst v1  }
0x5c9: {  	[tilespmem:s16+$0x20] =	vst v2  }
0x5ca: {  	[tilespmem:s16+$0xFFFFFFC0] =	vst v4  }
0x5cb: {  	[hbm4b:s2+s1] =	stream.linear.scatter [tilespmem:s12], [sflag:$0x4], $0x4000, $0x38;
	[tilespmem:$0xD000] =	vst v63  }
0x5cc: {  	_ =	swait.ge [sflag:s8], $0x800  }
0x5cd: {  	s0 =	sld [smem:$0x7E6]  }
0x5ce: {  	[sflag:s8] =	ssyncset.done $0x0  }
0x5cf: {  	[sflag:s8] =	ssyncadd.s32 $0xFFFFF800  }
0x5d0: {  	[tilespmem:s9], [sflag:$0x2] =	stream.linear.gather [hbm4b:s0+s1], $0x800, $0x38;
	[tilespmem:$0xD000] =	vst v63  }
0x5d1: {  	_ =	swait.ge [sflag:s13], $0x4000  }
0x5d2: {  	[sflag:s13] =	ssyncset.done $0x0  }
0x5d3: {  	s18 =	simm.s32 $0x40;
	[sflag:s13] =	ssyncadd.s32 $0xFFFFC000  }
0x5d4: {  	v0 =	vld [tilespmem:s18+$0x30]  }
0x5d5: {  	v1 =	vld [tilespmem:s18+$0xFFFFFFD0]  }
0x5d6: {  	v2 =	vld [tilespmem:s18+$0xFFFFFFE0]  }
0x5d7: {  	v3 =	vld [tilespmem:s18+$0xFFFFFFF0]  }
0x5d8: {  	v4 =	vld [tilespmem:s18+$0x0]  }
0x5d9: {  	v6 =	vld [tilespmem:s18+$0x10]  }
0x5da: {  	v7 =	vld [tilespmem:s18+$0x20]  }
0x5db: {  	v8 =	vld [tilespmem:s18+$0xFFFFFFC0]  }
0x5dc: {  	v9 =	vld.idx.msk [tilespmem:v0+s7+$0x0], $0xffff  }
0x5dd: {  	v10 =	vld.idx.msk [tilespmem:v1+s7+$0x0], $0xffff  }
0x5de: {  	v5 =	vld.idx.msk [tilespmem:v2+s7+$0x0], $0xffff  }
0x5df: {  	v3 =	vld.idx.msk [tilespmem:v3+s7+$0x0], $0xffff  }
0x5e0: {  	v0 =	vld.idx.msk [tilespmem:v4+s7+$0x0], $0xffff  }
0x5e1: {  	s16 =	simm.s32 $0x5040;
	v1 =	vld.idx.msk [tilespmem:v6+s7+$0x0], $0xffff  }
0x5e2: {  	v2 =	vld.idx.msk [tilespmem:v7+s7+$0x0], $0xffff;
	[tilespmem:s16+$0x30] =	vst v9  }
0x5e3: {  	s17 =	simm.s32 $0x0;
	s18 =	simm.s32 $0xC0;
	v4 =	vld.idx.msk [tilespmem:v8+s7+$0x0], $0xffff;
	[tilespmem:s16+$0xFFFFFFD0] =	vst v10  }
.LBB2_62:
0x5e4: {  	v6 =	vld [tilespmem:s18+$0x30];
	s17 =	sadd.s32 $0x8, s17;
	[tilespmem:s16+$0xFFFFFFE0] =	vst v5  }
0x5e5: {  	v5 =	vld [tilespmem:s18+$0xFFFFFFD0];
	p0 =	slt.u32 s17, $0x3F8;
	[tilespmem:s16+$0xFFFFFFF0] =	vst v3  }
0x5e6: {  	v3 =	vld [tilespmem:s18+$0xFFFFFFE0];
	[tilespmem:s16+$0x0] =	vst v0  }
0x5e7: {  	v0 =	vld [tilespmem:s18+$0xFFFFFFF0];
	[tilespmem:s16+$0x10] =	vst v1  }
0x5e8: {  	v1 =	vld [tilespmem:s18+$0x0];
	[tilespmem:s16+$0x20] =	vst v2  }
0x5e9: {  	v2 =	vld [tilespmem:s18+$0x10];
	[tilespmem:s16+$0xFFFFFFC0] =	vst v4  }
0x5ea: {  	v4 =	vld [tilespmem:s18+$0x20]  }
0x5eb: {  	v7 =	vld [tilespmem:s18+$0xFFFFFFC0]  }
0x5ec: {  	v6 =	vld.idx.msk [tilespmem:v6+s7+$0x0], $0xffff  }
0x5ed: {  	v8 =	vld.idx.msk [tilespmem:v5+s7+$0x0], $0xffff  }
0x5ee: {  	v5 =	vld.idx.msk [tilespmem:v3+s7+$0x0], $0xffff  }
.Ltmp30:
0x5ef: {  	v3 =	vld.idx.msk [tilespmem:v0+s7+$0x0], $0xffff;
	(pc) =	sbr.rel @p0 .LBB2_62-.Ltmp30, $4  }
0x5f0: {  	v0 =	vld.idx.msk [tilespmem:v1+s7+$0x0], $0xffff  }
0x5f1: {  	s16 =	sadd.s32 $0x80, s16;
	v1 =	vld.idx.msk [tilespmem:v2+s7+$0x0], $0xffff  }
0x5f2: {  	v2 =	vld.idx.msk [tilespmem:v4+s7+$0x0], $0xffff;
	[tilespmem:s16+$0x30] =	vst v6  }
0x5f3: {  	s18 =	sadd.s32 $0x80, s18;
	v4 =	vld.idx.msk [tilespmem:v7+s7+$0x0], $0xffff;
	[tilespmem:s16+$0xFFFFFFD0] =	vst v8  }
0x5f4: {  	[tilespmem:s16+$0xFFFFFFE0] =	vst v5  }
0x5f5: {  	[tilespmem:s16+$0xFFFFFFF0] =	vst v3  }
0x5f6: {  	[tilespmem:s16+$0x0] =	vst v0  }
0x5f7: {  	[tilespmem:s16+$0x10] =	vst v1  }
0x5f8: {  	[tilespmem:s16+$0x20] =	vst v2  }
0x5f9: {  	[tilespmem:s16+$0xFFFFFFC0] =	vst v4  }
0x5fa: {  	[hbm4b:s3+s1] =	stream.linear.scatter [tilespmem:s10], [sflag:$0x3], $0x4000, $0x38;
	[tilespmem:$0xD000] =	vst v63  }
0x5fb: {  	_ =	swait.ge [sflag:s11], $0x800  }
0x5fc: {  	[sflag:s11] =	ssyncset.done $0x0  }
0x5fd: {  	[sflag:s11] =	ssyncadd.s32 $0xFFFFF800  }
0x5fe: {  	_ =	swait.ge [sflag:s14], $0x4000  }
0x5ff: {  	[sflag:s14] =	ssyncset.done $0x0  }
0x600: {  	s0 =	simm.s32 $0x40;
	[sflag:s14] =	ssyncadd.s32 $0xFFFFC000  }
0x601: {  	v0 =	vld [tilespmem:s0+$0x30]  }
0x602: {  	v1 =	vld [tilespmem:s0+$0xFFFFFFD0]  }
0x603: {  	v2 =	vld [tilespmem:s0+$0xFFFFFFE0]  }
0x604: {  	v3 =	vld [tilespmem:s0+$0xFFFFFFF0]  }
0x605: {  	v4 =	vld [tilespmem:s0+$0x0]  }
0x606: {  	v6 =	vld [tilespmem:s0+$0x10]  }
0x607: {  	v7 =	vld [tilespmem:s0+$0x20]  }
0x608: {  	v8 =	vld [tilespmem:s0+$0xFFFFFFC0]  }
0x609: {  	v9 =	vld.idx.msk [tilespmem:v0+s9+$0x0], $0xffff  }
0x60a: {  	v10 =	vld.idx.msk [tilespmem:v1+s9+$0x0], $0xffff  }
0x60b: {  	v5 =	vld.idx.msk [tilespmem:v2+s9+$0x0], $0xffff  }
0x60c: {  	v3 =	vld.idx.msk [tilespmem:v3+s9+$0x0], $0xffff  }
0x60d: {  	v0 =	vld.idx.msk [tilespmem:v4+s9+$0x0], $0xffff  }
0x60e: {  	s16 =	simm.s32 $0x9040;
	v1 =	vld.idx.msk [tilespmem:v6+s9+$0x0], $0xffff  }
0x60f: {  	v2 =	vld.idx.msk [tilespmem:v7+s9+$0x0], $0xffff;
	[tilespmem:s16+$0x30] =	vst v9  }
0x610: {  	s17 =	simm.s32 $0x0;
	s18 =	simm.s32 $0xC0;
	v4 =	vld.idx.msk [tilespmem:v8+s9+$0x0], $0xffff;
	[tilespmem:s16+$0xFFFFFFD0] =	vst v10  }
.LBB2_64:
0x611: {  	v6 =	vld [tilespmem:s18+$0x30];
	s17 =	sadd.s32 $0x8, s17;
	[tilespmem:s16+$0xFFFFFFE0] =	vst v5  }
0x612: {  	v5 =	vld [tilespmem:s18+$0xFFFFFFD0];
	p0 =	slt.u32 s17, $0x3F8;
	[tilespmem:s16+$0xFFFFFFF0] =	vst v3  }
0x613: {  	v3 =	vld [tilespmem:s18+$0xFFFFFFE0];
	[tilespmem:s16+$0x0] =	vst v0  }
0x614: {  	v0 =	vld [tilespmem:s18+$0xFFFFFFF0];
	[tilespmem:s16+$0x10] =	vst v1  }
0x615: {  	v1 =	vld [tilespmem:s18+$0x0];
	[tilespmem:s16+$0x20] =	vst v2  }
0x616: {  	v2 =	vld [tilespmem:s18+$0x10];
	[tilespmem:s16+$0xFFFFFFC0] =	vst v4  }
0x617: {  	v4 =	vld [tilespmem:s18+$0x20]  }
0x618: {  	v7 =	vld [tilespmem:s18+$0xFFFFFFC0]  }
0x619: {  	v6 =	vld.idx.msk [tilespmem:v6+s9+$0x0], $0xffff  }
0x61a: {  	v8 =	vld.idx.msk [tilespmem:v5+s9+$0x0], $0xffff  }
0x61b: {  	v5 =	vld.idx.msk [tilespmem:v3+s9+$0x0], $0xffff  }
.Ltmp31:
0x61c: {  	v3 =	vld.idx.msk [tilespmem:v0+s9+$0x0], $0xffff;
	(pc) =	sbr.rel @p0 .LBB2_64-.Ltmp31, $4  }
0x61d: {  	v0 =	vld.idx.msk [tilespmem:v1+s9+$0x0], $0xffff  }
0x61e: {  	s16 =	sadd.s32 $0x80, s16;
	v1 =	vld.idx.msk [tilespmem:v2+s9+$0x0], $0xffff  }
0x61f: {  	v2 =	vld.idx.msk [tilespmem:v4+s9+$0x0], $0xffff;
	[tilespmem:s16+$0x30] =	vst v6  }
0x620: {  	s18 =	sadd.s32 $0x80, s18;
	v4 =	vld.idx.msk [tilespmem:v7+s9+$0x0], $0xffff;
	[tilespmem:s16+$0xFFFFFFD0] =	vst v8  }
0x621: {  	[tilespmem:s16+$0xFFFFFFE0] =	vst v5  }
0x622: {  	[tilespmem:s16+$0xFFFFFFF0] =	vst v3  }
0x623: {  	[tilespmem:s16+$0x0] =	vst v0  }
0x624: {  	[tilespmem:s16+$0x10] =	vst v1  }
0x625: {  	[tilespmem:s16+$0x20] =	vst v2  }
0x626: {  	s15 =	sadd.s32 $0x1, s15;
	[tilespmem:s16+$0xFFFFFFC0] =	vst v4  }
0x627: {  	[hbm4b:s4+s1] =	stream.linear.scatter [tilespmem:s12], [sflag:$0x4], $0x4000, $0x38;
	[tilespmem:$0xD000] =	vst v63  }
0x628: {  	p0 =	sne.s32 s15, s5;
	_ =	swait.ge [sflag:s13], $0x4000  }
.Ltmp32:
0x629: {  	[sflag:s13] =	ssyncset.done $0x0;
	(pc) =	sbr.rel @p0 .LBB2_1-.Ltmp32, $4  }
0x62a: {  	[sflag:s13] =	ssyncadd.s32 $0xFFFFC000  }
0x62b: {  	_ =	swait.ge [sflag:s14], $0x4000  }
0x62c: {  	[sflag:s14] =	ssyncset.done $0x0  }
0x62d: {  	[sflag:s14] =	ssyncadd.s32 $0xFFFFC000  }
0x62e: {  	_ =	sfence.sel $0x180000  }
0x62f: {  	[bflag:$0x0] =	sbarrier.arrive $0xFFFF  }
0x630: {  	_ =	strace $0x90000047  }
0x631: {  	s0 =	stileid.u32;
	[bflag:$0x2] =	sbarrier.arrive $0xFFFF  }
0x632: {  	p0 =	sne.s32 s0, $0x0;
	s0 =	rddreg [dreg:$0x3]  }
0x633: {  	s0 =	sadd.s32 @!p0 $0x100000, s0  }
0x634: {  	[sflag:s0] =	ssyncadd.tile.s32 @!p0 $0x1;
	_ =	shalt  }
.Lfunc_end2:
_tile_overlayer_lowered:
.L_overlay_start_2:
0x635: {  	(tag) =	ssettag $0x2  }
0x636: {  	s0 =	rddreg [dreg:$0x0];
	s2 =	stileid.u32  }
0x637: {  	s1 =	rddreg [dreg:$0x1];
	p0 =	sne.s32 s2, $0x0  }
0x638: {  	s3 =	rddreg [dreg:$0x2];
	[bflag:$0x3] =	sbarrier.arrive $0xFFFF;
	s2 =	simm.s32 @!p0 $0x1C05  }
0x639: {  	[timem:s3], [sflag:s2] =	dma.local @!p0 [hbm:s0], s1  }
0x63a: {  	s0 =	simm.s32 @!p0 $0x5  }
0x63b: {  	_ =	swait.ge @!p0 [sflag:s0], s1  }
0x63c: {  	s1 =	ssub.s32 @!p0 $0x0, s1;
	[sflag:s0] =	ssyncset.done @!p0 $0x0  }
0x63d: {  	[sflag:s0] =	ssyncadd.s32 @!p0 s1  }
0x63e: {  	[bflag:$0x3] =	sbarrier.arrive $0xFFFF  }
0x63f: {  	_ =	shalt  }

</sc_bundles>
